<compile_context>
chip_gen: v7x
topology: tpu7x:2x2x1
jax: 0.10.2.dev20260603
libtpu: 0.0.44.dev20260713+nightly
codegen_flags: <defaults>
</compile_context>

<pallas_src>
import jax
import jax.numpy as jnp
from jax import lax
from jax.experimental import pallas as pl
from jax.experimental.pallas import tpu as pltpu
from jax.experimental.pallas import tpu_sc as plsc


def _build_sc_kernel(B, S, V, H, C, NBUF, LOOK, HALF):
    info = plsc.get_sparse_core_info()
    NC, NS, L = info.num_cores, info.num_subcores, info.num_lanes
    NW = NC * NS
    SW = S // NW
    assert S % NW == 0 and SW % HALF == 0 and HALF % C == 0 and H % L == 0
    cph = HALF // C
    steps_per_half = B * cph
    nsteps = (SW // HALF) * steps_per_half

    mesh = plsc.VectorSubcoreMesh(core_axis_name="c", subcore_axis_name="s")

    import functools

    @functools.partial(
        pl.kernel,
        mesh=mesh,
        out_type=jax.ShapeDtypeStruct((B, S, H), jnp.float32),
        scratch_types=[
            pltpu.VMEM((B, SW), jnp.int32),
            pltpu.VMEM((HALF, H), jnp.float32),
            pltpu.VMEM((NBUF, C, H), jnp.float32),
            pltpu.SemaphoreType.DMA,
            pltpu.SemaphoreType.DMA,
            pltpu.SemaphoreType.DMA,
        ],
    )
    def k(ids_hbm, tok_hbm, pos_hbm, out_hbm, idx_v, pos_v, tok_v,
          gsem, ssem, psem):
        wid = lax.axis_index("s") * NC + lax.axis_index("c")
        s_base = wid * SW

        def pos_desc(j):
            return pltpu.make_async_copy(
                pos_hbm.at[pl.ds(s_base + j * HALF, HALF)], pos_v, psem)

        pos_desc(0).start()
        idx_cps = [pltpu.async_copy(ids_hbm.at[b, pl.ds(s_base, SW)],
                                    idx_v.at[b], gsem) for b in range(B)]
        for cp in idx_cps:
            cp.wait()

        def coords(t):
            j, r = divmod(t, steps_per_half)
            b, jj = divmod(r, cph)
            return j, b, jj

        def gather_desc(t):
            j, b, jj = coords(t)
            off = j * HALF + jj * C
            return pltpu.make_async_copy(
                tok_hbm.at[idx_v.at[b, pl.ds(off, C)]],
                tok_v.at[t % NBUF], gsem)

        def store_desc(t):
            j, b, jj = coords(t)
            return pltpu.make_async_copy(
                tok_v.at[t % NBUF],
                out_hbm.at[b, pl.ds(s_base + j * HALF + jj * C, C)],
                ssem)

        for t in range(LOOK):
            gather_desc(t).start()

        def body(t, carry):
            nxt = t + LOOK

            @pl.when(jnp.logical_and(nxt >= NBUF, nxt < nsteps))
            def _():
                store_desc(nxt - NBUF).wait()

            @pl.when(nxt < nsteps)
            def _():
                gather_desc(nxt).start()

            @pl.when(t % steps_per_half == 0)
            def _():
                pos_desc(t // steps_per_half).wait()

            gather_desc(t).wait()
            buf = t % NBUF
            _, _, jj = coords(t)
            p0 = jj * C

            @plsc.parallel_loop(0, C, unroll=2)
            def _add(r):
                for kk in range(H // L):
                    sl = pl.ds(kk * L, L)
                    plsc.addupdate(tok_v.at[buf, r, sl], pos_v[p0 + r, sl])

            store_desc(t).start()

            @pl.when(jnp.logical_and(t % steps_per_half == steps_per_half - 1,
                                     t + 1 < nsteps))
            def _():
                pos_desc(t // steps_per_half + 1).start()

            return carry

        lax.fori_loop(0, nsteps, body, 0)
        for t in range(nsteps - NBUF, nsteps):
            store_desc(t).wait()

    return k


def kernel(input_ids, tok_table, pos_table):
    B, S = input_ids.shape
    V, H = tok_table.shape
    k = _build_sc_kernel(B, S, V, H, C=16, NBUF=5, LOOK=3, HALF=32)
    return k(input_ids.astype(jnp.int32), tok_table, pos_table)

# --- scband reference (transcript-rebuilt; emitter-appended) ---
"""Pipeline reference for scband-jadio-embeddings-53549652246714 (READ-ONLY COPY).

The authoritative reference and input builder live on the scoring server;
editing this copy changes nothing except your own understanding.
"""

import jax, jax.numpy as jnp
import numpy as np

VOCAB = 100000
HIDDEN = 1024
MAX_POS = 2048
BATCH = 4
SEQ = 2048

def setup_inputs(seed: int = 0) -> dict:
    key = jax.random.key(seed)
    k1, k2, k3 = jax.random.split(key, 3)
    input_ids = jax.random.randint(k1, (BATCH, SEQ), 0, VOCAB, dtype=jnp.int64 if jax.config.read('jax_enable_x64') else jnp.int32)
    tok_table = jax.random.normal(k2, (VOCAB, HIDDEN), dtype=jnp.float32) * 0.02
    pos_table = jax.random.normal(k3, (MAX_POS, HIDDEN), dtype=jnp.float32) * 0.02
    return {"input_ids": input_ids, "tok_table": tok_table, "pos_table": pos_table}

def reference(input_ids, tok_table, pos_table):
    # Faithful translation of JadioEmbeddings.forward with position_ids=None,
    # past_key_values_length=0, dropout in eval mode (identity).
    batch_size, seq_len = input_ids.shape
    token_embeds = jnp.take(tok_table, input_ids, axis=0)  # (B, S, H)
    position_ids = jnp.arange(seq_len, dtype=input_ids.dtype)[None, :]  # (1, S)
    position_ids = jnp.broadcast_to(position_ids, (batch_size, seq_len))
    position_embeds = jnp.take(pos_table, position_ids, axis=0)  # (B, S, H)
    embeddings = token_embeds + position_embeds
    return embeddings

if __name__ == "__main__":
    import jax
    _d = setup_inputs()
    print(jax.jit(kernel)(*tuple(_d.values())))

</pallas_src>

<mosaic_0001>
#map = affine_map<(d0, d1) -> (0, 0)>
#map1 = affine_map<(d0, d1) -> (0, 0, 0)>
module attributes {stable_mosaic.version = 14 : i64} {
  func.func @k(%arg0: i32, %arg1: i32, %arg2: memref<4x2048xi32, #tpu.memory_space<hbm>>, %arg3: memref<100000x1024xf32, #tpu.memory_space<hbm>>, %arg4: memref<2048x1024xf32, #tpu.memory_space<hbm>>, %arg5: memref<4x2048x1024xf32, #tpu.memory_space<hbm>>, %arg6: memref<4x64xi32, #tpu.memory_space<vmem>>, %arg7: memref<32x1024xf32, #tpu.memory_space<vmem>>, %arg8: memref<5x16x1024xf32, #tpu.memory_space<vmem>>, %arg9: memref<!tpu.dma_semaphore, #tpu.memory_space<semaphore_mem>>, %arg10: memref<!tpu.dma_semaphore, #tpu.memory_space<semaphore_mem>>, %arg11: memref<!tpu.dma_semaphore, #tpu.memory_space<semaphore_mem>>) attributes {dimension_semantics = [#tpu.dimension_semantics<core_parallel>, #tpu.dimension_semantics<subcore_parallel>], iteration_bounds = array<i64: 2, 16>, scalar_prefetch = 0 : i64, scratch_operands = 6 : i64, tpu.core_type = #tpu.core_type<sc_vector_subcore>, window_params = [{transform_indices = #map}, {transform_indices = #map}, {transform_indices = #map}, {transform_indices = #map1}]} {
    %mul3A = arith.constant 2 : i32
    %mul3A_0 = arith.muli %arg1, %mul3A : i32
    %add3A = arith.addi %mul3A_0, %arg0 : i32
    %mul3A_1 = arith.constant 64 : i32
    %mul3A_2 = arith.muli %add3A, %mul3A_1 : i32
    %add3A_3 = arith.constant 0 : i32
    %add3A_4 = arith.addi %mul3A_2, %add3A_3 : i32
    %dma_start3A = arith.constant 0 : i32
    %dma_start3A_5 = tpu.memref_slice %arg4[%add3A_4, %dma_start3A] : memref<2048x1024xf32, #tpu.memory_space<hbm>> -> memref<32x1024xf32, #tpu.memory_space<hbm>>
    %dma_start3A_6 = arith.constant 0 : i32
    %dma_start3A_7 = tpu.memref_slice %arg4[%add3A_4, %dma_start3A_6] : memref<2048x1024xf32, #tpu.memory_space<hbm>> -> memref<32x1024xf32, #tpu.memory_space<hbm>>
    tpu.enqueue_dma source(%dma_start3A_7 : memref<32x1024xf32, #tpu.memory_space<hbm>>) target(%arg7 : memref<32x1024xf32, #tpu.memory_space<vmem>>) target_semaphore(%arg11 : memref<!tpu.dma_semaphore, #tpu.memory_space<semaphore_mem>>)
    %dma_start3A_8 = arith.constant 0 : i32
    %dma_start3A_9 = arith.constant 0 : i32
    %dma_start3A_10 = arith.constant 0 : i32
    %dma_start3A_11 = tpu.memref_slice %arg6[%dma_start3A_9, %dma_start3A_10] : memref<4x64xi32, #tpu.memory_space<vmem>> -> memref<1x64xi32, #tpu.memory_space<vmem>>
    %dma_start3A_12 = tpu.memref_squeeze %dma_start3A_11 : memref<1x64xi32, #tpu.memory_space<vmem>> -> memref<64xi32, #tpu.memory_space<vmem>>
    %dma_start3A_13 = tpu.memref_slice %arg2[%dma_start3A_8, %mul3A_2] : memref<4x2048xi32, #tpu.memory_space<hbm>> -> memref<1x64xi32, #tpu.memory_space<hbm>>
    %dma_start3A_14 = tpu.memref_squeeze %dma_start3A_13 : memref<1x64xi32, #tpu.memory_space<hbm>> -> memref<64xi32, #tpu.memory_space<hbm>>
    %dma_start3A_15 = arith.constant 0 : i32
    %dma_start3A_16 = tpu.memref_slice %arg6[%dma_start3A_9, %dma_start3A_15] : memref<4x64xi32, #tpu.memory_space<vmem>> -> memref<1x64xi32, #tpu.memory_space<vmem>>
    %dma_start3A_17 = tpu.memref_squeeze %dma_start3A_16 : memref<1x64xi32, #tpu.memory_space<vmem>> -> memref<64xi32, #tpu.memory_space<vmem>>
    %dma_start3A_18 = tpu.memref_slice %arg2[%dma_start3A_8, %mul3A_2] : memref<4x2048xi32, #tpu.memory_space<hbm>> -> memref<1x64xi32, #tpu.memory_space<hbm>>
    %dma_start3A_19 = tpu.memref_squeeze %dma_start3A_18 : memref<1x64xi32, #tpu.memory_space<hbm>> -> memref<64xi32, #tpu.memory_space<hbm>>
    tpu.enqueue_dma source(%dma_start3A_19 : memref<64xi32, #tpu.memory_space<hbm>>) target(%dma_start3A_17 : memref<64xi32, #tpu.memory_space<vmem>>) target_semaphore(%arg9 : memref<!tpu.dma_semaphore, #tpu.memory_space<semaphore_mem>>)
    %dma_start3A_20 = arith.constant 1 : i32
    %dma_start3A_21 = arith.constant 1 : i32
    %dma_start3A_22 = arith.constant 0 : i32
    %dma_start3A_23 = tpu.memref_slice %arg6[%dma_start3A_21, %dma_start3A_22] : memref<4x64xi32, #tpu.memory_space<vmem>> -> memref<1x64xi32, #tpu.memory_space<vmem>>
    %dma_start3A_24 = tpu.memref_squeeze %dma_start3A_23 : memref<1x64xi32, #tpu.memory_space<vmem>> -> memref<64xi32, #tpu.memory_space<vmem>>
    %dma_start3A_25 = tpu.memref_slice %arg2[%dma_start3A_20, %mul3A_2] : memref<4x2048xi32, #tpu.memory_space<hbm>> -> memref<1x64xi32, #tpu.memory_space<hbm>>
    %dma_start3A_26 = tpu.memref_squeeze %dma_start3A_25 : memref<1x64xi32, #tpu.memory_space<hbm>> -> memref<64xi32, #tpu.memory_space<hbm>>
    %dma_start3A_27 = arith.constant 0 : i32
    %dma_start3A_28 = tpu.memref_slice %arg6[%dma_start3A_21, %dma_start3A_27] : memref<4x64xi32, #tpu.memory_space<vmem>> -> memref<1x64xi32, #tpu.memory_space<vmem>>
    %dma_start3A_29 = tpu.memref_squeeze %dma_start3A_28 : memref<1x64xi32, #tpu.memory_space<vmem>> -> memref<64xi32, #tpu.memory_space<vmem>>
    %dma_start3A_30 = tpu.memref_slice %arg2[%dma_start3A_20, %mul3A_2] : memref<4x2048xi32, #tpu.memory_space<hbm>> -> memref<1x64xi32, #tpu.memory_space<hbm>>
    %dma_start3A_31 = tpu.memref_squeeze %dma_start3A_30 : memref<1x64xi32, #tpu.memory_space<hbm>> -> memref<64xi32, #tpu.memory_space<hbm>>
    tpu.enqueue_dma source(%dma_start3A_31 : memref<64xi32, #tpu.memory_space<hbm>>) target(%dma_start3A_29 : memref<64xi32, #tpu.memory_space<vmem>>) target_semaphore(%arg9 : memref<!tpu.dma_semaphore, #tpu.memory_space<semaphore_mem>>)
    %dma_start3A_32 = arith.constant 2 : i32
    %dma_start3A_33 = arith.constant 2 : i32
    %dma_start3A_34 = arith.constant 0 : i32
    %dma_start3A_35 = tpu.memref_slice %arg6[%dma_start3A_33, %dma_start3A_34] : memref<4x64xi32, #tpu.memory_space<vmem>> -> memref<1x64xi32, #tpu.memory_space<vmem>>
    %dma_start3A_36 = tpu.memref_squeeze %dma_start3A_35 : memref<1x64xi32, #tpu.memory_space<vmem>> -> memref<64xi32, #tpu.memory_space<vmem>>
    %dma_start3A_37 = tpu.memref_slice %arg2[%dma_start3A_32, %mul3A_2] : memref<4x2048xi32, #tpu.memory_space<hbm>> -> memref<1x64xi32, #tpu.memory_space<hbm>>
    %dma_start3A_38 = tpu.memref_squeeze %dma_start3A_37 : memref<1x64xi32, #tpu.memory_space<hbm>> -> memref<64xi32, #tpu.memory_space<hbm>>
    %dma_start3A_39 = arith.constant 0 : i32
    %dma_start3A_40 = tpu.memref_slice %arg6[%dma_start3A_33, %dma_start3A_39] : memref<4x64xi32, #tpu.memory_space<vmem>> -> memref<1x64xi32, #tpu.memory_space<vmem>>
    %dma_start3A_41 = tpu.memref_squeeze %dma_start3A_40 : memref<1x64xi32, #tpu.memory_space<vmem>> -> memref<64xi32, #tpu.memory_space<vmem>>
    %dma_start3A_42 = tpu.memref_slice %arg2[%dma_start3A_32, %mul3A_2] : memref<4x2048xi32, #tpu.memory_space<hbm>> -> memref<1x64xi32, #tpu.memory_space<hbm>>
    %dma_start3A_43 = tpu.memref_squeeze %dma_start3A_42 : memref<1x64xi32, #tpu.memory_space<hbm>> -> memref<64xi32, #tpu.memory_space<hbm>>
    tpu.enqueue_dma source(%dma_start3A_43 : memref<64xi32, #tpu.memory_space<hbm>>) target(%dma_start3A_41 : memref<64xi32, #tpu.memory_space<vmem>>) target_semaphore(%arg9 : memref<!tpu.dma_semaphore, #tpu.memory_space<semaphore_mem>>)
    %dma_start3A_44 = arith.constant 3 : i32
    %dma_start3A_45 = arith.constant 3 : i32
    %dma_start3A_46 = arith.constant 0 : i32
    %dma_start3A_47 = tpu.memref_slice %arg6[%dma_start3A_45, %dma_start3A_46] : memref<4x64xi32, #tpu.memory_space<vmem>> -> memref<1x64xi32, #tpu.memory_space<vmem>>
    %dma_start3A_48 = tpu.memref_squeeze %dma_start3A_47 : memref<1x64xi32, #tpu.memory_space<vmem>> -> memref<64xi32, #tpu.memory_space<vmem>>
    %dma_start3A_49 = tpu.memref_slice %arg2[%dma_start3A_44, %mul3A_2] : memref<4x2048xi32, #tpu.memory_space<hbm>> -> memref<1x64xi32, #tpu.memory_space<hbm>>
    %dma_start3A_50 = tpu.memref_squeeze %dma_start3A_49 : memref<1x64xi32, #tpu.memory_space<hbm>> -> memref<64xi32, #tpu.memory_space<hbm>>
    %dma_start3A_51 = arith.constant 0 : i32
    %dma_start3A_52 = tpu.memref_slice %arg6[%dma_start3A_45, %dma_start3A_51] : memref<4x64xi32, #tpu.memory_space<vmem>> -> memref<1x64xi32, #tpu.memory_space<vmem>>
    %dma_start3A_53 = tpu.memref_squeeze %dma_start3A_52 : memref<1x64xi32, #tpu.memory_space<vmem>> -> memref<64xi32, #tpu.memory_space<vmem>>
    %dma_start3A_54 = tpu.memref_slice %arg2[%dma_start3A_44, %mul3A_2] : memref<4x2048xi32, #tpu.memory_space<hbm>> -> memref<1x64xi32, #tpu.memory_space<hbm>>
    %dma_start3A_55 = tpu.memref_squeeze %dma_start3A_54 : memref<1x64xi32, #tpu.memory_space<hbm>> -> memref<64xi32, #tpu.memory_space<hbm>>
    tpu.enqueue_dma source(%dma_start3A_55 : memref<64xi32, #tpu.memory_space<hbm>>) target(%dma_start3A_53 : memref<64xi32, #tpu.memory_space<vmem>>) target_semaphore(%arg9 : memref<!tpu.dma_semaphore, #tpu.memory_space<semaphore_mem>>)
    %dma_wait3A = arith.constant 0 : i32
    %dma_wait3A_56 = arith.constant 0 : i32
    %dma_wait3A_57 = arith.constant 0 : i32
    %dma_wait3A_58 = tpu.memref_slice %arg6[%dma_wait3A_56, %dma_wait3A_57] : memref<4x64xi32, #tpu.memory_space<vmem>> -> memref<1x64xi32, #tpu.memory_space<vmem>>
    %dma_wait3A_59 = tpu.memref_squeeze %dma_wait3A_58 : memref<1x64xi32, #tpu.memory_space<vmem>> -> memref<64xi32, #tpu.memory_space<vmem>>
    %dma_wait3A_60 = tpu.memref_slice %arg2[%dma_wait3A, %mul3A_2] : memref<4x2048xi32, #tpu.memory_space<hbm>> -> memref<1x64xi32, #tpu.memory_space<hbm>>
    %dma_wait3A_61 = tpu.memref_squeeze %dma_wait3A_60 : memref<1x64xi32, #tpu.memory_space<hbm>> -> memref<64xi32, #tpu.memory_space<hbm>>
    %dma_wait3A_62 = arith.constant 0 : i32
    %dma_wait3A_63 = tpu.memref_slice %arg6[%dma_wait3A_56, %dma_wait3A_62] : memref<4x64xi32, #tpu.memory_space<vmem>> -> memref<1x64xi32, #tpu.memory_space<vmem>>
    %dma_wait3A_64 = tpu.memref_squeeze %dma_wait3A_63 : memref<1x64xi32, #tpu.memory_space<vmem>> -> memref<64xi32, #tpu.memory_space<vmem>>
    %dma_wait3A_65 = tpu.memref_slice %arg2[%dma_wait3A, %mul3A_2] : memref<4x2048xi32, #tpu.memory_space<hbm>> -> memref<1x64xi32, #tpu.memory_space<hbm>>
    %dma_wait3A_66 = tpu.memref_squeeze %dma_wait3A_65 : memref<1x64xi32, #tpu.memory_space<hbm>> -> memref<64xi32, #tpu.memory_space<hbm>>
    tpu.wait_dma2 semaphore(%arg9 : memref<!tpu.dma_semaphore, #tpu.memory_space<semaphore_mem>>) src(%dma_wait3A_66 : memref<64xi32, #tpu.memory_space<hbm>>) dst(%dma_wait3A_64 : memref<64xi32, #tpu.memory_space<vmem>>)
    %dma_wait3A_67 = arith.constant 1 : i32
    %dma_wait3A_68 = arith.constant 1 : i32
    %dma_wait3A_69 = arith.constant 0 : i32
    %dma_wait3A_70 = tpu.memref_slice %arg6[%dma_wait3A_68, %dma_wait3A_69] : memref<4x64xi32, #tpu.memory_space<vmem>> -> memref<1x64xi32, #tpu.memory_space<vmem>>
    %dma_wait3A_71 = tpu.memref_squeeze %dma_wait3A_70 : memref<1x64xi32, #tpu.memory_space<vmem>> -> memref<64xi32, #tpu.memory_space<vmem>>
    %dma_wait3A_72 = tpu.memref_slice %arg2[%dma_wait3A_67, %mul3A_2] : memref<4x2048xi32, #tpu.memory_space<hbm>> -> memref<1x64xi32, #tpu.memory_space<hbm>>
    %dma_wait3A_73 = tpu.memref_squeeze %dma_wait3A_72 : memref<1x64xi32, #tpu.memory_space<hbm>> -> memref<64xi32, #tpu.memory_space<hbm>>
    %dma_wait3A_74 = arith.constant 0 : i32
    %dma_wait3A_75 = tpu.memref_slice %arg6[%dma_wait3A_68, %dma_wait3A_74] : memref<4x64xi32, #tpu.memory_space<vmem>> -> memref<1x64xi32, #tpu.memory_space<vmem>>
    %dma_wait3A_76 = tpu.memref_squeeze %dma_wait3A_75 : memref<1x64xi32, #tpu.memory_space<vmem>> -> memref<64xi32, #tpu.memory_space<vmem>>
    %dma_wait3A_77 = tpu.memref_slice %arg2[%dma_wait3A_67, %mul3A_2] : memref<4x2048xi32, #tpu.memory_space<hbm>> -> memref<1x64xi32, #tpu.memory_space<hbm>>
    %dma_wait3A_78 = tpu.memref_squeeze %dma_wait3A_77 : memref<1x64xi32, #tpu.memory_space<hbm>> -> memref<64xi32, #tpu.memory_space<hbm>>
    tpu.wait_dma2 semaphore(%arg9 : memref<!tpu.dma_semaphore, #tpu.memory_space<semaphore_mem>>) src(%dma_wait3A_78 : memref<64xi32, #tpu.memory_space<hbm>>) dst(%dma_wait3A_76 : memref<64xi32, #tpu.memory_space<vmem>>)
    %dma_wait3A_79 = arith.constant 2 : i32
    %dma_wait3A_80 = arith.constant 2 : i32
    %dma_wait3A_81 = arith.constant 0 : i32
    %dma_wait3A_82 = tpu.memref_slice %arg6[%dma_wait3A_80, %dma_wait3A_81] : memref<4x64xi32, #tpu.memory_space<vmem>> -> memref<1x64xi32, #tpu.memory_space<vmem>>
    %dma_wait3A_83 = tpu.memref_squeeze %dma_wait3A_82 : memref<1x64xi32, #tpu.memory_space<vmem>> -> memref<64xi32, #tpu.memory_space<vmem>>
    %dma_wait3A_84 = tpu.memref_slice %arg2[%dma_wait3A_79, %mul3A_2] : memref<4x2048xi32, #tpu.memory_space<hbm>> -> memref<1x64xi32, #tpu.memory_space<hbm>>
    %dma_wait3A_85 = tpu.memref_squeeze %dma_wait3A_84 : memref<1x64xi32, #tpu.memory_space<hbm>> -> memref<64xi32, #tpu.memory_space<hbm>>
    %dma_wait3A_86 = arith.constant 0 : i32
    %dma_wait3A_87 = tpu.memref_slice %arg6[%dma_wait3A_80, %dma_wait3A_86] : memref<4x64xi32, #tpu.memory_space<vmem>> -> memref<1x64xi32, #tpu.memory_space<vmem>>
    %dma_wait3A_88 = tpu.memref_squeeze %dma_wait3A_87 : memref<1x64xi32, #tpu.memory_space<vmem>> -> memref<64xi32, #tpu.memory_space<vmem>>
    %dma_wait3A_89 = tpu.memref_slice %arg2[%dma_wait3A_79, %mul3A_2] : memref<4x2048xi32, #tpu.memory_space<hbm>> -> memref<1x64xi32, #tpu.memory_space<hbm>>
    %dma_wait3A_90 = tpu.memref_squeeze %dma_wait3A_89 : memref<1x64xi32, #tpu.memory_space<hbm>> -> memref<64xi32, #tpu.memory_space<hbm>>
    tpu.wait_dma2 semaphore(%arg9 : memref<!tpu.dma_semaphore, #tpu.memory_space<semaphore_mem>>) src(%dma_wait3A_90 : memref<64xi32, #tpu.memory_space<hbm>>) dst(%dma_wait3A_88 : memref<64xi32, #tpu.memory_space<vmem>>)
    %dma_wait3A_91 = arith.constant 3 : i32
    %dma_wait3A_92 = arith.constant 3 : i32
    %dma_wait3A_93 = arith.constant 0 : i32
    %dma_wait3A_94 = tpu.memref_slice %arg6[%dma_wait3A_92, %dma_wait3A_93] : memref<4x64xi32, #tpu.memory_space<vmem>> -> memref<1x64xi32, #tpu.memory_space<vmem>>
    %dma_wait3A_95 = tpu.memref_squeeze %dma_wait3A_94 : memref<1x64xi32, #tpu.memory_space<vmem>> -> memref<64xi32, #tpu.memory_space<vmem>>
    %dma_wait3A_96 = tpu.memref_slice %arg2[%dma_wait3A_91, %mul3A_2] : memref<4x2048xi32, #tpu.memory_space<hbm>> -> memref<1x64xi32, #tpu.memory_space<hbm>>
    %dma_wait3A_97 = tpu.memref_squeeze %dma_wait3A_96 : memref<1x64xi32, #tpu.memory_space<hbm>> -> memref<64xi32, #tpu.memory_space<hbm>>
    %dma_wait3A_98 = arith.constant 0 : i32
    %dma_wait3A_99 = tpu.memref_slice %arg6[%dma_wait3A_92, %dma_wait3A_98] : memref<4x64xi32, #tpu.memory_space<vmem>> -> memref<1x64xi32, #tpu.memory_space<vmem>>
    %dma_wait3A_100 = tpu.memref_squeeze %dma_wait3A_99 : memref<1x64xi32, #tpu.memory_space<vmem>> -> memref<64xi32, #tpu.memory_space<vmem>>
    %dma_wait3A_101 = tpu.memref_slice %arg2[%dma_wait3A_91, %mul3A_2] : memref<4x2048xi32, #tpu.memory_space<hbm>> -> memref<1x64xi32, #tpu.memory_space<hbm>>
    %dma_wait3A_102 = tpu.memref_squeeze %dma_wait3A_101 : memref<1x64xi32, #tpu.memory_space<hbm>> -> memref<64xi32, #tpu.memory_space<hbm>>
    tpu.wait_dma2 semaphore(%arg9 : memref<!tpu.dma_semaphore, #tpu.memory_space<semaphore_mem>>) src(%dma_wait3A_102 : memref<64xi32, #tpu.memory_space<hbm>>) dst(%dma_wait3A_100 : memref<64xi32, #tpu.memory_space<vmem>>)
    %dma_start3A_103 = arith.constant 0 : i32
    %dma_start3A_104 = arith.constant 0 : i32
    %dma_start3A_105 = arith.constant 0 : i32
    %dma_start3A_106 = arith.constant 0 : i32
    %dma_start3A_107 = tpu.memref_slice %arg8[%dma_start3A_104, %dma_start3A_105, %dma_start3A_106] : memref<5x16x1024xf32, #tpu.memory_space<vmem>> -> memref<1x16x1024xf32, #tpu.memory_space<vmem>>
    %dma_start3A_108 = tpu.memref_squeeze %dma_start3A_107 : memref<1x16x1024xf32, #tpu.memory_space<vmem>> -> memref<16x1024xf32, #tpu.memory_space<vmem>>
    %dma_start3A_109 = arith.constant 0 : i32
    %dma_start3A_110 = tpu.memref_slice %arg6[%dma_start3A_103, %dma_start3A_109] : memref<4x64xi32, #tpu.memory_space<vmem>> -> memref<1x16xi32, #tpu.memory_space<vmem>>
    %dma_start3A_111 = tpu.memref_squeeze %dma_start3A_110 : memref<1x16xi32, #tpu.memory_space<vmem>> -> memref<16xi32, #tpu.memory_space<vmem>>
    %dma_start3A_112 = arith.constant 0 : i32
    %dma_start3A_113 = arith.constant 0 : i32
    %dma_start3A_114 = tpu.memref_slice %arg3[%dma_start3A_112, %dma_start3A_113] : memref<100000x1024xf32, #tpu.memory_space<hbm>> -> memref<100000x1024xf32, #tpu.memory_space<hbm>>
    tpu.enqueue_indirect_dma source(%dma_start3A_114 : memref<100000x1024xf32, #tpu.memory_space<hbm>>) target(%dma_start3A_108 : memref<16x1024xf32, #tpu.memory_space<vmem>>) offsets(%dma_start3A_111 : memref<16xi32, #tpu.memory_space<vmem>>) semaphore(%arg9 : memref<!tpu.dma_semaphore, #tpu.memory_space<semaphore_mem>>)
    %dma_start3A_115 = arith.constant 0 : i32
    %dma_start3A_116 = arith.constant 1 : i32
    %dma_start3A_117 = arith.constant 0 : i32
    %dma_start3A_118 = arith.constant 0 : i32
    %dma_start3A_119 = tpu.memref_slice %arg8[%dma_start3A_116, %dma_start3A_117, %dma_start3A_118] : memref<5x16x1024xf32, #tpu.memory_space<vmem>> -> memref<1x16x1024xf32, #tpu.memory_space<vmem>>
    %dma_start3A_120 = tpu.memref_squeeze %dma_start3A_119 : memref<1x16x1024xf32, #tpu.memory_space<vmem>> -> memref<16x1024xf32, #tpu.memory_space<vmem>>
    %dma_start3A_121 = arith.constant 16 : i32
    %dma_start3A_122 = tpu.memref_slice %arg6[%dma_start3A_115, %dma_start3A_121] : memref<4x64xi32, #tpu.memory_space<vmem>> -> memref<1x16xi32, #tpu.memory_space<vmem>>
    %dma_start3A_123 = tpu.memref_squeeze %dma_start3A_122 : memref<1x16xi32, #tpu.memory_space<vmem>> -> memref<16xi32, #tpu.memory_space<vmem>>
    %dma_start3A_124 = arith.constant 0 : i32
    %dma_start3A_125 = arith.constant 0 : i32
    %dma_start3A_126 = tpu.memref_slice %arg3[%dma_start3A_124, %dma_start3A_125] : memref<100000x1024xf32, #tpu.memory_space<hbm>> -> memref<100000x1024xf32, #tpu.memory_space<hbm>>
    tpu.enqueue_indirect_dma source(%dma_start3A_126 : memref<100000x1024xf32, #tpu.memory_space<hbm>>) target(%dma_start3A_120 : memref<16x1024xf32, #tpu.memory_space<vmem>>) offsets(%dma_start3A_123 : memref<16xi32, #tpu.memory_space<vmem>>) semaphore(%arg9 : memref<!tpu.dma_semaphore, #tpu.memory_space<semaphore_mem>>)
    %dma_start3A_127 = arith.constant 1 : i32
    %dma_start3A_128 = arith.constant 2 : i32
    %dma_start3A_129 = arith.constant 0 : i32
    %dma_start3A_130 = arith.constant 0 : i32
    %dma_start3A_131 = tpu.memref_slice %arg8[%dma_start3A_128, %dma_start3A_129, %dma_start3A_130] : memref<5x16x1024xf32, #tpu.memory_space<vmem>> -> memref<1x16x1024xf32, #tpu.memory_space<vmem>>
    %dma_start3A_132 = tpu.memref_squeeze %dma_start3A_131 : memref<1x16x1024xf32, #tpu.memory_space<vmem>> -> memref<16x1024xf32, #tpu.memory_space<vmem>>
    %dma_start3A_133 = arith.constant 0 : i32
    %dma_start3A_134 = tpu.memref_slice %arg6[%dma_start3A_127, %dma_start3A_133] : memref<4x64xi32, #tpu.memory_space<vmem>> -> memref<1x16xi32, #tpu.memory_space<vmem>>
    %dma_start3A_135 = tpu.memref_squeeze %dma_start3A_134 : memref<1x16xi32, #tpu.memory_space<vmem>> -> memref<16xi32, #tpu.memory_space<vmem>>
    %dma_start3A_136 = arith.constant 0 : i32
    %dma_start3A_137 = arith.constant 0 : i32
    %dma_start3A_138 = tpu.memref_slice %arg3[%dma_start3A_136, %dma_start3A_137] : memref<100000x1024xf32, #tpu.memory_space<hbm>> -> memref<100000x1024xf32, #tpu.memory_space<hbm>>
    tpu.enqueue_indirect_dma source(%dma_start3A_138 : memref<100000x1024xf32, #tpu.memory_space<hbm>>) target(%dma_start3A_132 : memref<16x1024xf32, #tpu.memory_space<vmem>>) offsets(%dma_start3A_135 : memref<16xi32, #tpu.memory_space<vmem>>) semaphore(%arg9 : memref<!tpu.dma_semaphore, #tpu.memory_space<semaphore_mem>>)
    %scan3A = arith.constant 0 : i32
    %scan3A_139 = arith.constant 0 : i32
    %scan3A_140 = arith.constant 16 : i32
    %scan3A_141 = arith.addi %scan3A_139, %scan3A_140 : i32
    %scan3A_142 = arith.constant 1 : i32
    scf.for %scan3A_244 = %scan3A_139 to %scan3A_141 step %scan3A_142  : i32 {
      %add3A_245 = arith.constant 3 : i32
      %add3A_246 = arith.addi %scan3A_244, %add3A_245 : i32
      %ge3A = arith.constant 5 : i32
      %ge3A_247 = arith.cmpi sge, %add3A_246, %ge3A : i32
      %lt3A = arith.constant 16 : i32
      %lt3A_248 = arith.cmpi slt, %add3A_246, %lt3A : i32
      %and3A = arith.andi %ge3A_247, %lt3A_248 : i1
      %convert_element_type3A = arith.extui %and3A : i1 to i32
      %cond3A = arith.constant 0 : i32
      %cond3A_249 = arith.cmpi ne, %convert_element_type3A, %cond3A : i32
      scf.if %cond3A_249 {
        %sub3A_614 = arith.constant 5 : i32
        %sub3A_615 = arith.subi %add3A_246, %sub3A_614 : i32
        %jit3A_616 = arith.constant 8 : i32
        %div3A_617 = arith.divsi %sub3A_615, %jit3A_616 : i32
        %sign3A_618 = arith.constant 0 : i32
        %sign3A_619 = arith.cmpi sgt, %sub3A_615, %sign3A_618 : i32
        %sign3A_620 = arith.extui %sign3A_619 : i1 to i32
        %sign3A_621 = arith.constant 0 : i32
        %sign3A_622 = arith.cmpi slt, %sub3A_615, %sign3A_621 : i32
        %sign3A_623 = arith.extui %sign3A_622 : i1 to i32
        %sign3A_624 = arith.subi %sign3A_620, %sign3A_623 : i32
        %sign3A_625 = arith.constant 0 : i32
        %sign3A_626 = arith.cmpi sgt, %jit3A_616, %sign3A_625 : i32
        %sign3A_627 = arith.extui %sign3A_626 : i1 to i32
        %sign3A_628 = arith.constant 0 : i32
        %sign3A_629 = arith.cmpi slt, %jit3A_616, %sign3A_628 : i32
        %sign3A_630 = arith.extui %sign3A_629 : i1 to i32
        %sign3A_631 = arith.subi %sign3A_627, %sign3A_630 : i32
        %ne3A_632 = arith.cmpi ne, %sign3A_624, %sign3A_631 : i32
        %rem3A_633 = arith.remsi %sub3A_615, %jit3A_616 : i32
        %ne3A_634 = arith.constant 0 : i32
        %ne3A_635 = arith.cmpi ne, %rem3A_633, %ne3A_634 : i32
        %and3A_636 = arith.andi %ne3A_632, %ne3A_635 : i1
        %sub3A_637 = arith.constant 1 : i32
        %sub3A_638 = arith.subi %div3A_617, %sub3A_637 : i32
        %select_n3A_639 = arith.select %and3A_636, %sub3A_638, %div3A_617 : i32
        %eq3A_640 = arith.constant 0 : i32
        %eq3A_641 = arith.cmpi eq, %jit3A_616, %eq3A_640 : i32
        %jit3A_642 = arith.constant 1 : i32
        %select_n3A_643 = arith.select %eq3A_641, %jit3A_642, %jit3A_616 : i32
        %rem3A_644 = arith.remsi %sub3A_615, %select_n3A_643 : i32
        %ne3A_645 = arith.constant 0 : i32
        %ne3A_646 = arith.cmpi ne, %rem3A_644, %ne3A_645 : i32
        %lt3A_647 = arith.constant 0 : i32
        %lt3A_648 = arith.cmpi slt, %rem3A_644, %lt3A_647 : i32
        %lt3A_649 = arith.constant 0 : i32
        %lt3A_650 = arith.cmpi slt, %select_n3A_643, %lt3A_649 : i32
        %ne3A_651 = arith.xori %lt3A_648, %lt3A_650 : i1
        %and3A_652 = arith.andi %ne3A_651, %ne3A_646 : i1
        %add3A_653 = arith.addi %rem3A_644, %select_n3A_643 : i32
        %select_n3A_654 = arith.select %and3A_652, %add3A_653, %rem3A_644 : i32
        %jit3A_655 = arith.constant 2 : i32
        %div3A_656 = arith.divsi %select_n3A_654, %jit3A_655 : i32
        %sign3A_657 = arith.constant 0 : i32
        %sign3A_658 = arith.cmpi sgt, %select_n3A_654, %sign3A_657 : i32
        %sign3A_659 = arith.extui %sign3A_658 : i1 to i32
        %sign3A_660 = arith.constant 0 : i32
        %sign3A_661 = arith.cmpi slt, %select_n3A_654, %sign3A_660 : i32
        %sign3A_662 = arith.extui %sign3A_661 : i1 to i32
        %sign3A_663 = arith.subi %sign3A_659, %sign3A_662 : i32
        %sign3A_664 = arith.constant 0 : i32
        %sign3A_665 = arith.cmpi sgt, %jit3A_655, %sign3A_664 : i32
        %sign3A_666 = arith.extui %sign3A_665 : i1 to i32
        %sign3A_667 = arith.constant 0 : i32
        %sign3A_668 = arith.cmpi slt, %jit3A_655, %sign3A_667 : i32
        %sign3A_669 = arith.extui %sign3A_668 : i1 to i32
        %sign3A_670 = arith.subi %sign3A_666, %sign3A_669 : i32
        %ne3A_671 = arith.cmpi ne, %sign3A_663, %sign3A_670 : i32
        %rem3A_672 = arith.remsi %select_n3A_654, %jit3A_655 : i32
        %ne3A_673 = arith.constant 0 : i32
        %ne3A_674 = arith.cmpi ne, %rem3A_672, %ne3A_673 : i32
        %and3A_675 = arith.andi %ne3A_671, %ne3A_674 : i1
        %sub3A_676 = arith.constant 1 : i32
        %sub3A_677 = arith.subi %div3A_656, %sub3A_676 : i32
        %select_n3A_678 = arith.select %and3A_675, %sub3A_677, %div3A_656 : i32
        %eq3A_679 = arith.constant 0 : i32
        %eq3A_680 = arith.cmpi eq, %jit3A_655, %eq3A_679 : i32
        %jit3A_681 = arith.constant 1 : i32
        %select_n3A_682 = arith.select %eq3A_680, %jit3A_681, %jit3A_655 : i32
        %rem3A_683 = arith.remsi %select_n3A_654, %select_n3A_682 : i32
        %ne3A_684 = arith.constant 0 : i32
        %ne3A_685 = arith.cmpi ne, %rem3A_683, %ne3A_684 : i32
        %lt3A_686 = arith.constant 0 : i32
        %lt3A_687 = arith.cmpi slt, %rem3A_683, %lt3A_686 : i32
        %lt3A_688 = arith.constant 0 : i32
        %lt3A_689 = arith.cmpi slt, %select_n3A_682, %lt3A_688 : i32
        %ne3A_690 = arith.xori %lt3A_687, %lt3A_689 : i1
        %and3A_691 = arith.andi %ne3A_690, %ne3A_685 : i1
        %add3A_692 = arith.addi %rem3A_683, %select_n3A_682 : i32
        %select_n3A_693 = arith.select %and3A_691, %add3A_692, %rem3A_683 : i32
        %jit3A_694 = arith.constant 5 : i32
        %eq3A_695 = arith.constant 0 : i32
        %eq3A_696 = arith.cmpi eq, %jit3A_694, %eq3A_695 : i32
        %jit3A_697 = arith.constant 1 : i32
        %select_n3A_698 = arith.select %eq3A_696, %jit3A_697, %jit3A_694 : i32
        %rem3A_699 = arith.remsi %sub3A_615, %select_n3A_698 : i32
        %ne3A_700 = arith.constant 0 : i32
        %ne3A_701 = arith.cmpi ne, %rem3A_699, %ne3A_700 : i32
        %lt3A_702 = arith.constant 0 : i32
        %lt3A_703 = arith.cmpi slt, %rem3A_699, %lt3A_702 : i32
        %lt3A_704 = arith.constant 0 : i32
        %lt3A_705 = arith.cmpi slt, %select_n3A_698, %lt3A_704 : i32
        %ne3A_706 = arith.xori %lt3A_703, %lt3A_705 : i1
        %and3A_707 = arith.andi %ne3A_706, %ne3A_701 : i1
        %add3A_708 = arith.addi %rem3A_699, %select_n3A_698 : i32
        %select_n3A_709 = arith.select %and3A_707, %add3A_708, %rem3A_699 : i32
        %mul3A_710 = arith.constant 32 : i32
        %mul3A_711 = arith.muli %select_n3A_639, %mul3A_710 : i32
        %add3A_712 = arith.addi %mul3A_2, %mul3A_711 : i32
        %mul3A_713 = arith.constant 16 : i32
        %mul3A_714 = arith.muli %select_n3A_693, %mul3A_713 : i32
        %add3A_715 = arith.addi %add3A_712, %mul3A_714 : i32
        %dma_wait3A_716 = arith.constant 0 : i32
        %dma_wait3A_717 = arith.constant 0 : i32
        %dma_wait3A_718 = tpu.memref_slice %arg8[%select_n3A_709, %dma_wait3A_716, %dma_wait3A_717] : memref<5x16x1024xf32, #tpu.memory_space<vmem>> -> memref<1x16x1024xf32, #tpu.memory_space<vmem>>
        %dma_wait3A_719 = tpu.memref_squeeze %dma_wait3A_718 : memref<1x16x1024xf32, #tpu.memory_space<vmem>> -> memref<16x1024xf32, #tpu.memory_space<vmem>>
        %dma_wait3A_720 = arith.constant 0 : i32
        %dma_wait3A_721 = tpu.memref_slice %arg5[%select_n3A_678, %add3A_715, %dma_wait3A_720] : memref<4x2048x1024xf32, #tpu.memory_space<hbm>> -> memref<1x16x1024xf32, #tpu.memory_space<hbm>>
        %dma_wait3A_722 = tpu.memref_squeeze %dma_wait3A_721 : memref<1x16x1024xf32, #tpu.memory_space<hbm>> -> memref<16x1024xf32, #tpu.memory_space<hbm>>
        %dma_wait3A_723 = arith.constant 0 : i32
        %dma_wait3A_724 = tpu.memref_slice %arg5[%select_n3A_678, %add3A_715, %dma_wait3A_723] : memref<4x2048x1024xf32, #tpu.memory_space<hbm>> -> memref<1x16x1024xf32, #tpu.memory_space<hbm>>
        %dma_wait3A_725 = tpu.memref_squeeze %dma_wait3A_724 : memref<1x16x1024xf32, #tpu.memory_space<hbm>> -> memref<16x1024xf32, #tpu.memory_space<hbm>>
        %dma_wait3A_726 = arith.constant 0 : i32
        %dma_wait3A_727 = arith.constant 0 : i32
        %dma_wait3A_728 = tpu.memref_slice %arg8[%select_n3A_709, %dma_wait3A_726, %dma_wait3A_727] : memref<5x16x1024xf32, #tpu.memory_space<vmem>> -> memref<1x16x1024xf32, #tpu.memory_space<vmem>>
        %dma_wait3A_729 = tpu.memref_squeeze %dma_wait3A_728 : memref<1x16x1024xf32, #tpu.memory_space<vmem>> -> memref<16x1024xf32, #tpu.memory_space<vmem>>
        tpu.wait_dma2 semaphore(%arg10 : memref<!tpu.dma_semaphore, #tpu.memory_space<semaphore_mem>>) src(%dma_wait3A_729 : memref<16x1024xf32, #tpu.memory_space<vmem>>) dst(%dma_wait3A_725 : memref<16x1024xf32, #tpu.memory_space<hbm>>)
      } else {
      }
      %lt3A_250 = arith.constant 16 : i32
      %lt3A_251 = arith.cmpi slt, %add3A_246, %lt3A_250 : i32
      %convert_element_type3A_252 = arith.extui %lt3A_251 : i1 to i32
      %cond3A_253 = arith.constant 0 : i32
      %cond3A_254 = arith.cmpi ne, %convert_element_type3A_252, %cond3A_253 : i32
      scf.if %cond3A_254 {
        %jit3A_614 = arith.constant 8 : i32
        %div3A_615 = arith.divsi %add3A_246, %jit3A_614 : i32
        %sign3A_616 = arith.constant 0 : i32
        %sign3A_617 = arith.cmpi sgt, %add3A_246, %sign3A_616 : i32
        %sign3A_618 = arith.extui %sign3A_617 : i1 to i32
        %sign3A_619 = arith.constant 0 : i32
        %sign3A_620 = arith.cmpi slt, %add3A_246, %sign3A_619 : i32
        %sign3A_621 = arith.extui %sign3A_620 : i1 to i32
        %sign3A_622 = arith.subi %sign3A_618, %sign3A_621 : i32
        %sign3A_623 = arith.constant 0 : i32
        %sign3A_624 = arith.cmpi sgt, %jit3A_614, %sign3A_623 : i32
        %sign3A_625 = arith.extui %sign3A_624 : i1 to i32
        %sign3A_626 = arith.constant 0 : i32
        %sign3A_627 = arith.cmpi slt, %jit3A_614, %sign3A_626 : i32
        %sign3A_628 = arith.extui %sign3A_627 : i1 to i32
        %sign3A_629 = arith.subi %sign3A_625, %sign3A_628 : i32
        %ne3A_630 = arith.cmpi ne, %sign3A_622, %sign3A_629 : i32
        %rem3A_631 = arith.remsi %add3A_246, %jit3A_614 : i32
        %ne3A_632 = arith.constant 0 : i32
        %ne3A_633 = arith.cmpi ne, %rem3A_631, %ne3A_632 : i32
        %and3A_634 = arith.andi %ne3A_630, %ne3A_633 : i1
        %sub3A_635 = arith.constant 1 : i32
        %sub3A_636 = arith.subi %div3A_615, %sub3A_635 : i32
        %select_n3A_637 = arith.select %and3A_634, %sub3A_636, %div3A_615 : i32
        %eq3A_638 = arith.constant 0 : i32
        %eq3A_639 = arith.cmpi eq, %jit3A_614, %eq3A_638 : i32
        %jit3A_640 = arith.constant 1 : i32
        %select_n3A_641 = arith.select %eq3A_639, %jit3A_640, %jit3A_614 : i32
        %rem3A_642 = arith.remsi %add3A_246, %select_n3A_641 : i32
        %ne3A_643 = arith.constant 0 : i32
        %ne3A_644 = arith.cmpi ne, %rem3A_642, %ne3A_643 : i32
        %lt3A_645 = arith.constant 0 : i32
        %lt3A_646 = arith.cmpi slt, %rem3A_642, %lt3A_645 : i32
        %lt3A_647 = arith.constant 0 : i32
        %lt3A_648 = arith.cmpi slt, %select_n3A_641, %lt3A_647 : i32
        %ne3A_649 = arith.xori %lt3A_646, %lt3A_648 : i1
        %and3A_650 = arith.andi %ne3A_649, %ne3A_644 : i1
        %add3A_651 = arith.addi %rem3A_642, %select_n3A_641 : i32
        %select_n3A_652 = arith.select %and3A_650, %add3A_651, %rem3A_642 : i32
        %jit3A_653 = arith.constant 2 : i32
        %div3A_654 = arith.divsi %select_n3A_652, %jit3A_653 : i32
        %sign3A_655 = arith.constant 0 : i32
        %sign3A_656 = arith.cmpi sgt, %select_n3A_652, %sign3A_655 : i32
        %sign3A_657 = arith.extui %sign3A_656 : i1 to i32
        %sign3A_658 = arith.constant 0 : i32
        %sign3A_659 = arith.cmpi slt, %select_n3A_652, %sign3A_658 : i32
        %sign3A_660 = arith.extui %sign3A_659 : i1 to i32
        %sign3A_661 = arith.subi %sign3A_657, %sign3A_660 : i32
        %sign3A_662 = arith.constant 0 : i32
        %sign3A_663 = arith.cmpi sgt, %jit3A_653, %sign3A_662 : i32
        %sign3A_664 = arith.extui %sign3A_663 : i1 to i32
        %sign3A_665 = arith.constant 0 : i32
        %sign3A_666 = arith.cmpi slt, %jit3A_653, %sign3A_665 : i32
        %sign3A_667 = arith.extui %sign3A_666 : i1 to i32
        %sign3A_668 = arith.subi %sign3A_664, %sign3A_667 : i32
        %ne3A_669 = arith.cmpi ne, %sign3A_661, %sign3A_668 : i32
        %rem3A_670 = arith.remsi %select_n3A_652, %jit3A_653 : i32
        %ne3A_671 = arith.constant 0 : i32
        %ne3A_672 = arith.cmpi ne, %rem3A_670, %ne3A_671 : i32
        %and3A_673 = arith.andi %ne3A_669, %ne3A_672 : i1
        %sub3A_674 = arith.constant 1 : i32
        %sub3A_675 = arith.subi %div3A_654, %sub3A_674 : i32
        %select_n3A_676 = arith.select %and3A_673, %sub3A_675, %div3A_654 : i32
        %eq3A_677 = arith.constant 0 : i32
        %eq3A_678 = arith.cmpi eq, %jit3A_653, %eq3A_677 : i32
        %jit3A_679 = arith.constant 1 : i32
        %select_n3A_680 = arith.select %eq3A_678, %jit3A_679, %jit3A_653 : i32
        %rem3A_681 = arith.remsi %select_n3A_652, %select_n3A_680 : i32
        %ne3A_682 = arith.constant 0 : i32
        %ne3A_683 = arith.cmpi ne, %rem3A_681, %ne3A_682 : i32
        %lt3A_684 = arith.constant 0 : i32
        %lt3A_685 = arith.cmpi slt, %rem3A_681, %lt3A_684 : i32
        %lt3A_686 = arith.constant 0 : i32
        %lt3A_687 = arith.cmpi slt, %select_n3A_680, %lt3A_686 : i32
        %ne3A_688 = arith.xori %lt3A_685, %lt3A_687 : i1
        %and3A_689 = arith.andi %ne3A_688, %ne3A_683 : i1
        %add3A_690 = arith.addi %rem3A_681, %select_n3A_680 : i32
        %select_n3A_691 = arith.select %and3A_689, %add3A_690, %rem3A_681 : i32
        %mul3A_692 = arith.constant 32 : i32
        %mul3A_693 = arith.muli %select_n3A_637, %mul3A_692 : i32
        %mul3A_694 = arith.constant 16 : i32
        %mul3A_695 = arith.muli %select_n3A_691, %mul3A_694 : i32
        %add3A_696 = arith.addi %mul3A_693, %mul3A_695 : i32
        %jit3A_697 = arith.constant 5 : i32
        %eq3A_698 = arith.constant 0 : i32
        %eq3A_699 = arith.cmpi eq, %jit3A_697, %eq3A_698 : i32
        %jit3A_700 = arith.constant 1 : i32
        %select_n3A_701 = arith.select %eq3A_699, %jit3A_700, %jit3A_697 : i32
        %rem3A_702 = arith.remsi %add3A_246, %select_n3A_701 : i32
        %ne3A_703 = arith.constant 0 : i32
        %ne3A_704 = arith.cmpi ne, %rem3A_702, %ne3A_703 : i32
        %lt3A_705 = arith.constant 0 : i32
        %lt3A_706 = arith.cmpi slt, %rem3A_702, %lt3A_705 : i32
        %lt3A_707 = arith.constant 0 : i32
        %lt3A_708 = arith.cmpi slt, %select_n3A_701, %lt3A_707 : i32
        %ne3A_709 = arith.xori %lt3A_706, %lt3A_708 : i1
        %and3A_710 = arith.andi %ne3A_709, %ne3A_704 : i1
        %add3A_711 = arith.addi %rem3A_702, %select_n3A_701 : i32
        %select_n3A_712 = arith.select %and3A_710, %add3A_711, %rem3A_702 : i32
        %dma_start3A_713 = arith.constant 0 : i32
        %dma_start3A_714 = arith.constant 0 : i32
        %dma_start3A_715 = tpu.memref_slice %arg8[%select_n3A_712, %dma_start3A_713, %dma_start3A_714] : memref<5x16x1024xf32, #tpu.memory_space<vmem>> -> memref<1x16x1024xf32, #tpu.memory_space<vmem>>
        %dma_start3A_716 = tpu.memref_squeeze %dma_start3A_715 : memref<1x16x1024xf32, #tpu.memory_space<vmem>> -> memref<16x1024xf32, #tpu.memory_space<vmem>>
        %dma_start3A_717 = tpu.memref_slice %arg6[%select_n3A_676, %add3A_696] : memref<4x64xi32, #tpu.memory_space<vmem>> -> memref<1x16xi32, #tpu.memory_space<vmem>>
        %dma_start3A_718 = tpu.memref_squeeze %dma_start3A_717 : memref<1x16xi32, #tpu.memory_space<vmem>> -> memref<16xi32, #tpu.memory_space<vmem>>
        %dma_start3A_719 = arith.constant 0 : i32
        %dma_start3A_720 = arith.constant 0 : i32
        %dma_start3A_721 = tpu.memref_slice %arg3[%dma_start3A_719, %dma_start3A_720] : memref<100000x1024xf32, #tpu.memory_space<hbm>> -> memref<100000x1024xf32, #tpu.memory_space<hbm>>
        tpu.enqueue_indirect_dma source(%dma_start3A_721 : memref<100000x1024xf32, #tpu.memory_space<hbm>>) target(%dma_start3A_716 : memref<16x1024xf32, #tpu.memory_space<vmem>>) offsets(%dma_start3A_718 : memref<16xi32, #tpu.memory_space<vmem>>) semaphore(%arg9 : memref<!tpu.dma_semaphore, #tpu.memory_space<semaphore_mem>>)
      } else {
      }
      %jit3A = arith.constant 8 : i32
      %eq3A = arith.constant 0 : i32
      %eq3A_255 = arith.cmpi eq, %jit3A, %eq3A : i32
      %jit3A_256 = arith.constant 1 : i32
      %select_n3A = arith.select %eq3A_255, %jit3A_256, %jit3A : i32
      %rem3A = arith.remsi %scan3A_244, %select_n3A : i32
      %ne3A = arith.constant 0 : i32
      %ne3A_257 = arith.cmpi ne, %rem3A, %ne3A : i32
      %lt3A_258 = arith.constant 0 : i32
      %lt3A_259 = arith.cmpi slt, %rem3A, %lt3A_258 : i32
      %lt3A_260 = arith.constant 0 : i32
      %lt3A_261 = arith.cmpi slt, %select_n3A, %lt3A_260 : i32
      %ne3A_262 = arith.xori %lt3A_259, %lt3A_261 : i1
      %and3A_263 = arith.andi %ne3A_262, %ne3A_257 : i1
      %add3A_264 = arith.addi %rem3A, %select_n3A : i32
      %select_n3A_265 = arith.select %and3A_263, %add3A_264, %rem3A : i32
      %eq3A_266 = arith.constant 0 : i32
      %eq3A_267 = arith.cmpi eq, %select_n3A_265, %eq3A_266 : i32
      %convert_element_type3A_268 = arith.extui %eq3A_267 : i1 to i32
      %cond3A_269 = arith.constant 0 : i32
      %cond3A_270 = arith.cmpi ne, %convert_element_type3A_268, %cond3A_269 : i32
      scf.if %cond3A_270 {
        %jit3A_614 = arith.constant 8 : i32
        %div3A_615 = arith.divsi %scan3A_244, %jit3A_614 : i32
        %sign3A_616 = arith.constant 0 : i32
        %sign3A_617 = arith.cmpi sgt, %scan3A_244, %sign3A_616 : i32
        %sign3A_618 = arith.extui %sign3A_617 : i1 to i32
        %sign3A_619 = arith.constant 0 : i32
        %sign3A_620 = arith.cmpi slt, %scan3A_244, %sign3A_619 : i32
        %sign3A_621 = arith.extui %sign3A_620 : i1 to i32
        %sign3A_622 = arith.subi %sign3A_618, %sign3A_621 : i32
        %sign3A_623 = arith.constant 0 : i32
        %sign3A_624 = arith.cmpi sgt, %jit3A_614, %sign3A_623 : i32
        %sign3A_625 = arith.extui %sign3A_624 : i1 to i32
        %sign3A_626 = arith.constant 0 : i32
        %sign3A_627 = arith.cmpi slt, %jit3A_614, %sign3A_626 : i32
        %sign3A_628 = arith.extui %sign3A_627 : i1 to i32
        %sign3A_629 = arith.subi %sign3A_625, %sign3A_628 : i32
        %ne3A_630 = arith.cmpi ne, %sign3A_622, %sign3A_629 : i32
        %rem3A_631 = arith.remsi %scan3A_244, %jit3A_614 : i32
        %ne3A_632 = arith.constant 0 : i32
        %ne3A_633 = arith.cmpi ne, %rem3A_631, %ne3A_632 : i32
        %and3A_634 = arith.andi %ne3A_630, %ne3A_633 : i1
        %sub3A_635 = arith.constant 1 : i32
        %sub3A_636 = arith.subi %div3A_615, %sub3A_635 : i32
        %select_n3A_637 = arith.select %and3A_634, %sub3A_636, %div3A_615 : i32
        %mul3A_638 = arith.constant 32 : i32
        %mul3A_639 = arith.muli %select_n3A_637, %mul3A_638 : i32
        %add3A_640 = arith.addi %mul3A_2, %mul3A_639 : i32
        %dma_wait3A_641 = arith.constant 0 : i32
        %dma_wait3A_642 = tpu.memref_slice %arg4[%add3A_640, %dma_wait3A_641] : memref<2048x1024xf32, #tpu.memory_space<hbm>> -> memref<32x1024xf32, #tpu.memory_space<hbm>>
        %dma_wait3A_643 = arith.constant 0 : i32
        %dma_wait3A_644 = tpu.memref_slice %arg4[%add3A_640, %dma_wait3A_643] : memref<2048x1024xf32, #tpu.memory_space<hbm>> -> memref<32x1024xf32, #tpu.memory_space<hbm>>
        tpu.wait_dma2 semaphore(%arg11 : memref<!tpu.dma_semaphore, #tpu.memory_space<semaphore_mem>>) src(%dma_wait3A_644 : memref<32x1024xf32, #tpu.memory_space<hbm>>) dst(%arg7 : memref<32x1024xf32, #tpu.memory_space<vmem>>)
      } else {
      }
      %jit3A_271 = arith.constant 8 : i32
      %div3A = arith.divsi %scan3A_244, %jit3A_271 : i32
      %sign3A = arith.constant 0 : i32
      %sign3A_272 = arith.cmpi sgt, %scan3A_244, %sign3A : i32
      %sign3A_273 = arith.extui %sign3A_272 : i1 to i32
      %sign3A_274 = arith.constant 0 : i32
      %sign3A_275 = arith.cmpi slt, %scan3A_244, %sign3A_274 : i32
      %sign3A_276 = arith.extui %sign3A_275 : i1 to i32
      %sign3A_277 = arith.subi %sign3A_273, %sign3A_276 : i32
      %sign3A_278 = arith.constant 0 : i32
      %sign3A_279 = arith.cmpi sgt, %jit3A_271, %sign3A_278 : i32
      %sign3A_280 = arith.extui %sign3A_279 : i1 to i32
      %sign3A_281 = arith.constant 0 : i32
      %sign3A_282 = arith.cmpi slt, %jit3A_271, %sign3A_281 : i32
      %sign3A_283 = arith.extui %sign3A_282 : i1 to i32
      %sign3A_284 = arith.subi %sign3A_280, %sign3A_283 : i32
      %ne3A_285 = arith.cmpi ne, %sign3A_277, %sign3A_284 : i32
      %rem3A_286 = arith.remsi %scan3A_244, %jit3A_271 : i32
      %ne3A_287 = arith.constant 0 : i32
      %ne3A_288 = arith.cmpi ne, %rem3A_286, %ne3A_287 : i32
      %and3A_289 = arith.andi %ne3A_285, %ne3A_288 : i1
      %sub3A = arith.constant 1 : i32
      %sub3A_290 = arith.subi %div3A, %sub3A : i32
      %select_n3A_291 = arith.select %and3A_289, %sub3A_290, %div3A : i32
      %eq3A_292 = arith.constant 0 : i32
      %eq3A_293 = arith.cmpi eq, %jit3A_271, %eq3A_292 : i32
      %jit3A_294 = arith.constant 1 : i32
      %select_n3A_295 = arith.select %eq3A_293, %jit3A_294, %jit3A_271 : i32
      %rem3A_296 = arith.remsi %scan3A_244, %select_n3A_295 : i32
      %ne3A_297 = arith.constant 0 : i32
      %ne3A_298 = arith.cmpi ne, %rem3A_296, %ne3A_297 : i32
      %lt3A_299 = arith.constant 0 : i32
      %lt3A_300 = arith.cmpi slt, %rem3A_296, %lt3A_299 : i32
      %lt3A_301 = arith.constant 0 : i32
      %lt3A_302 = arith.cmpi slt, %select_n3A_295, %lt3A_301 : i32
      %ne3A_303 = arith.xori %lt3A_300, %lt3A_302 : i1
      %and3A_304 = arith.andi %ne3A_303, %ne3A_298 : i1
      %add3A_305 = arith.addi %rem3A_296, %select_n3A_295 : i32
      %select_n3A_306 = arith.select %and3A_304, %add3A_305, %rem3A_296 : i32
      %jit3A_307 = arith.constant 2 : i32
      %div3A_308 = arith.divsi %select_n3A_306, %jit3A_307 : i32
      %sign3A_309 = arith.constant 0 : i32
      %sign3A_310 = arith.cmpi sgt, %select_n3A_306, %sign3A_309 : i32
      %sign3A_311 = arith.extui %sign3A_310 : i1 to i32
      %sign3A_312 = arith.constant 0 : i32
      %sign3A_313 = arith.cmpi slt, %select_n3A_306, %sign3A_312 : i32
      %sign3A_314 = arith.extui %sign3A_313 : i1 to i32
      %sign3A_315 = arith.subi %sign3A_311, %sign3A_314 : i32
      %sign3A_316 = arith.constant 0 : i32
      %sign3A_317 = arith.cmpi sgt, %jit3A_307, %sign3A_316 : i32
      %sign3A_318 = arith.extui %sign3A_317 : i1 to i32
      %sign3A_319 = arith.constant 0 : i32
      %sign3A_320 = arith.cmpi slt, %jit3A_307, %sign3A_319 : i32
      %sign3A_321 = arith.extui %sign3A_320 : i1 to i32
      %sign3A_322 = arith.subi %sign3A_318, %sign3A_321 : i32
      %ne3A_323 = arith.cmpi ne, %sign3A_315, %sign3A_322 : i32
      %rem3A_324 = arith.remsi %select_n3A_306, %jit3A_307 : i32
      %ne3A_325 = arith.constant 0 : i32
      %ne3A_326 = arith.cmpi ne, %rem3A_324, %ne3A_325 : i32
      %and3A_327 = arith.andi %ne3A_323, %ne3A_326 : i1
      %sub3A_328 = arith.constant 1 : i32
      %sub3A_329 = arith.subi %div3A_308, %sub3A_328 : i32
      %select_n3A_330 = arith.select %and3A_327, %sub3A_329, %div3A_308 : i32
      %eq3A_331 = arith.constant 0 : i32
      %eq3A_332 = arith.cmpi eq, %jit3A_307, %eq3A_331 : i32
      %jit3A_333 = arith.constant 1 : i32
      %select_n3A_334 = arith.select %eq3A_332, %jit3A_333, %jit3A_307 : i32
      %rem3A_335 = arith.remsi %select_n3A_306, %select_n3A_334 : i32
      %ne3A_336 = arith.constant 0 : i32
      %ne3A_337 = arith.cmpi ne, %rem3A_335, %ne3A_336 : i32
      %lt3A_338 = arith.constant 0 : i32
      %lt3A_339 = arith.cmpi slt, %rem3A_335, %lt3A_338 : i32
      %lt3A_340 = arith.constant 0 : i32
      %lt3A_341 = arith.cmpi slt, %select_n3A_334, %lt3A_340 : i32
      %ne3A_342 = arith.xori %lt3A_339, %lt3A_341 : i1
      %and3A_343 = arith.andi %ne3A_342, %ne3A_337 : i1
      %add3A_344 = arith.addi %rem3A_335, %select_n3A_334 : i32
      %select_n3A_345 = arith.select %and3A_343, %add3A_344, %rem3A_335 : i32
      %mul3A_346 = arith.constant 32 : i32
      %mul3A_347 = arith.muli %select_n3A_291, %mul3A_346 : i32
      %mul3A_348 = arith.constant 16 : i32
      %mul3A_349 = arith.muli %select_n3A_345, %mul3A_348 : i32
      %add3A_350 = arith.addi %mul3A_347, %mul3A_349 : i32
      %jit3A_351 = arith.constant 5 : i32
      %eq3A_352 = arith.constant 0 : i32
      %eq3A_353 = arith.cmpi eq, %jit3A_351, %eq3A_352 : i32
      %jit3A_354 = arith.constant 1 : i32
      %select_n3A_355 = arith.select %eq3A_353, %jit3A_354, %jit3A_351 : i32
      %rem3A_356 = arith.remsi %scan3A_244, %select_n3A_355 : i32
      %ne3A_357 = arith.constant 0 : i32
      %ne3A_358 = arith.cmpi ne, %rem3A_356, %ne3A_357 : i32
      %lt3A_359 = arith.constant 0 : i32
      %lt3A_360 = arith.cmpi slt, %rem3A_356, %lt3A_359 : i32
      %lt3A_361 = arith.constant 0 : i32
      %lt3A_362 = arith.cmpi slt, %select_n3A_355, %lt3A_361 : i32
      %ne3A_363 = arith.xori %lt3A_360, %lt3A_362 : i1
      %and3A_364 = arith.andi %ne3A_363, %ne3A_358 : i1
      %add3A_365 = arith.addi %rem3A_356, %select_n3A_355 : i32
      %select_n3A_366 = arith.select %and3A_364, %add3A_365, %rem3A_356 : i32
      %dma_wait3A_367 = arith.constant 0 : i32
      %dma_wait3A_368 = arith.constant 0 : i32
      %dma_wait3A_369 = tpu.memref_slice %arg8[%select_n3A_366, %dma_wait3A_367, %dma_wait3A_368] : memref<5x16x1024xf32, #tpu.memory_space<vmem>> -> memref<1x16x1024xf32, #tpu.memory_space<vmem>>
      %dma_wait3A_370 = tpu.memref_squeeze %dma_wait3A_369 : memref<1x16x1024xf32, #tpu.memory_space<vmem>> -> memref<16x1024xf32, #tpu.memory_space<vmem>>
      %dma_wait3A_371 = tpu.memref_slice %arg6[%select_n3A_330, %add3A_350] : memref<4x64xi32, #tpu.memory_space<vmem>> -> memref<1x16xi32, #tpu.memory_space<vmem>>
      %dma_wait3A_372 = tpu.memref_squeeze %dma_wait3A_371 : memref<1x16xi32, #tpu.memory_space<vmem>> -> memref<16xi32, #tpu.memory_space<vmem>>
      %dma_wait3A_373 = arith.constant 0 : i32
      %dma_wait3A_374 = arith.constant 0 : i32
      %dma_wait3A_375 = tpu.memref_slice %arg3[%dma_wait3A_373, %dma_wait3A_374] : memref<100000x1024xf32, #tpu.memory_space<hbm>> -> memref<100000x1024xf32, #tpu.memory_space<hbm>>
      tpu.wait_indirect_dma semaphore(%arg9 : memref<!tpu.dma_semaphore, #tpu.memory_space<semaphore_mem>>) src(%dma_wait3A_375 : memref<100000x1024xf32, #tpu.memory_space<hbm>>) dst(%dma_wait3A_370 : memref<16x1024xf32, #tpu.memory_space<vmem>>)
      %jit3A_376 = arith.constant 5 : i32
      %eq3A_377 = arith.constant 0 : i32
      %eq3A_378 = arith.cmpi eq, %jit3A_376, %eq3A_377 : i32
      %jit3A_379 = arith.constant 1 : i32
      %select_n3A_380 = arith.select %eq3A_378, %jit3A_379, %jit3A_376 : i32
      %rem3A_381 = arith.remsi %scan3A_244, %select_n3A_380 : i32
      %ne3A_382 = arith.constant 0 : i32
      %ne3A_383 = arith.cmpi ne, %rem3A_381, %ne3A_382 : i32
      %lt3A_384 = arith.constant 0 : i32
      %lt3A_385 = arith.cmpi slt, %rem3A_381, %lt3A_384 : i32
      %lt3A_386 = arith.constant 0 : i32
      %lt3A_387 = arith.cmpi slt, %select_n3A_380, %lt3A_386 : i32
      %ne3A_388 = arith.xori %lt3A_385, %lt3A_387 : i1
      %and3A_389 = arith.andi %ne3A_388, %ne3A_383 : i1
      %add3A_390 = arith.addi %rem3A_381, %select_n3A_380 : i32
      %select_n3A_391 = arith.select %and3A_389, %add3A_390, %rem3A_381 : i32
      %jit3A_392 = arith.constant 8 : i32
      %div3A_393 = arith.divsi %scan3A_244, %jit3A_392 : i32
      %sign3A_394 = arith.constant 0 : i32
      %sign3A_395 = arith.cmpi sgt, %scan3A_244, %sign3A_394 : i32
      %sign3A_396 = arith.extui %sign3A_395 : i1 to i32
      %sign3A_397 = arith.constant 0 : i32
      %sign3A_398 = arith.cmpi slt, %scan3A_244, %sign3A_397 : i32
      %sign3A_399 = arith.extui %sign3A_398 : i1 to i32
      %sign3A_400 = arith.subi %sign3A_396, %sign3A_399 : i32
      %sign3A_401 = arith.constant 0 : i32
      %sign3A_402 = arith.cmpi sgt, %jit3A_392, %sign3A_401 : i32
      %sign3A_403 = arith.extui %sign3A_402 : i1 to i32
      %sign3A_404 = arith.constant 0 : i32
      %sign3A_405 = arith.cmpi slt, %jit3A_392, %sign3A_404 : i32
      %sign3A_406 = arith.extui %sign3A_405 : i1 to i32
      %sign3A_407 = arith.subi %sign3A_403, %sign3A_406 : i32
      %ne3A_408 = arith.cmpi ne, %sign3A_400, %sign3A_407 : i32
      %rem3A_409 = arith.remsi %scan3A_244, %jit3A_392 : i32
      %ne3A_410 = arith.constant 0 : i32
      %ne3A_411 = arith.cmpi ne, %rem3A_409, %ne3A_410 : i32
      %and3A_412 = arith.andi %ne3A_408, %ne3A_411 : i1
      %sub3A_413 = arith.constant 1 : i32
      %sub3A_414 = arith.subi %div3A_393, %sub3A_413 : i32
      %select_n3A_415 = arith.select %and3A_412, %sub3A_414, %div3A_393 : i32
      %eq3A_416 = arith.constant 0 : i32
      %eq3A_417 = arith.cmpi eq, %jit3A_392, %eq3A_416 : i32
      %jit3A_418 = arith.constant 1 : i32
      %select_n3A_419 = arith.select %eq3A_417, %jit3A_418, %jit3A_392 : i32
      %rem3A_420 = arith.remsi %scan3A_244, %select_n3A_419 : i32
      %ne3A_421 = arith.constant 0 : i32
      %ne3A_422 = arith.cmpi ne, %rem3A_420, %ne3A_421 : i32
      %lt3A_423 = arith.constant 0 : i32
      %lt3A_424 = arith.cmpi slt, %rem3A_420, %lt3A_423 : i32
      %lt3A_425 = arith.constant 0 : i32
      %lt3A_426 = arith.cmpi slt, %select_n3A_419, %lt3A_425 : i32
      %ne3A_427 = arith.xori %lt3A_424, %lt3A_426 : i1
      %and3A_428 = arith.andi %ne3A_427, %ne3A_422 : i1
      %add3A_429 = arith.addi %rem3A_420, %select_n3A_419 : i32
      %select_n3A_430 = arith.select %and3A_428, %add3A_429, %rem3A_420 : i32
      %jit3A_431 = arith.constant 2 : i32
      %div3A_432 = arith.divsi %select_n3A_430, %jit3A_431 : i32
      %sign3A_433 = arith.constant 0 : i32
      %sign3A_434 = arith.cmpi sgt, %select_n3A_430, %sign3A_433 : i32
      %sign3A_435 = arith.extui %sign3A_434 : i1 to i32
      %sign3A_436 = arith.constant 0 : i32
      %sign3A_437 = arith.cmpi slt, %select_n3A_430, %sign3A_436 : i32
      %sign3A_438 = arith.extui %sign3A_437 : i1 to i32
      %sign3A_439 = arith.subi %sign3A_435, %sign3A_438 : i32
      %sign3A_440 = arith.constant 0 : i32
      %sign3A_441 = arith.cmpi sgt, %jit3A_431, %sign3A_440 : i32
      %sign3A_442 = arith.extui %sign3A_441 : i1 to i32
      %sign3A_443 = arith.constant 0 : i32
      %sign3A_444 = arith.cmpi slt, %jit3A_431, %sign3A_443 : i32
      %sign3A_445 = arith.extui %sign3A_444 : i1 to i32
      %sign3A_446 = arith.subi %sign3A_442, %sign3A_445 : i32
      %ne3A_447 = arith.cmpi ne, %sign3A_439, %sign3A_446 : i32
      %rem3A_448 = arith.remsi %select_n3A_430, %jit3A_431 : i32
      %ne3A_449 = arith.constant 0 : i32
      %ne3A_450 = arith.cmpi ne, %rem3A_448, %ne3A_449 : i32
      %and3A_451 = arith.andi %ne3A_447, %ne3A_450 : i1
      %sub3A_452 = arith.constant 1 : i32
      %sub3A_453 = arith.subi %div3A_432, %sub3A_452 : i32
      %select_n3A_454 = arith.select %and3A_451, %sub3A_453, %div3A_432 : i32
      %eq3A_455 = arith.constant 0 : i32
      %eq3A_456 = arith.cmpi eq, %jit3A_431, %eq3A_455 : i32
      %jit3A_457 = arith.constant 1 : i32
      %select_n3A_458 = arith.select %eq3A_456, %jit3A_457, %jit3A_431 : i32
      %rem3A_459 = arith.remsi %select_n3A_430, %select_n3A_458 : i32
      %ne3A_460 = arith.constant 0 : i32
      %ne3A_461 = arith.cmpi ne, %rem3A_459, %ne3A_460 : i32
      %lt3A_462 = arith.constant 0 : i32
      %lt3A_463 = arith.cmpi slt, %rem3A_459, %lt3A_462 : i32
      %lt3A_464 = arith.constant 0 : i32
      %lt3A_465 = arith.cmpi slt, %select_n3A_458, %lt3A_464 : i32
      %ne3A_466 = arith.xori %lt3A_463, %lt3A_465 : i1
      %and3A_467 = arith.andi %ne3A_466, %ne3A_461 : i1
      %add3A_468 = arith.addi %rem3A_459, %select_n3A_458 : i32
      %select_n3A_469 = arith.select %and3A_467, %add3A_468, %rem3A_459 : i32
      %mul3A_470 = arith.constant 16 : i32
      %mul3A_471 = arith.muli %select_n3A_469, %mul3A_470 : i32
      %parallel_loop3A = arith.constant 0 : i32
      %parallel_loop3A_472 = arith.constant 16 : i32
      %parallel_loop3A_473 = arith.constant 1 : i32
      scf.for %parallel_loop3A_614 = %parallel_loop3A to %parallel_loop3A_472 step %parallel_loop3A_473  : i32 {
        %parallel_loop3A_615 = arith.addi %mul3A_471, %parallel_loop3A_614 : i32
        %parallel_loop3A_616 = arith.index_cast %parallel_loop3A_615 : i32 to index
        %parallel_loop3A_617 = arith.constant 0 : index
        %parallel_loop3A_618 = tpu.vector_load %arg7[%parallel_loop3A_616, %parallel_loop3A_617] {strides = array<i32>} : memref<32x1024xf32, #tpu.memory_space<vmem>>, vector<1x16xf32>,
        %parallel_loop3A_619 = vector.shape_cast %parallel_loop3A_618 : vector<1x16xf32> to vector<16xf32>
        %parallel_loop3A_620 = arith.index_cast %select_n3A_391 : i32 to index
        %parallel_loop3A_621 = arith.index_cast %parallel_loop3A_614 : i32 to index
        %parallel_loop3A_622 = arith.constant 0 : index
        %parallel_loop3A_623 = tpu.vector_load %arg8[%parallel_loop3A_620, %parallel_loop3A_621, %parallel_loop3A_622] {strides = array<i32>} : memref<5x16x1024xf32, #tpu.memory_space<vmem>>, vector<1x1x16xf32>,
        %parallel_loop3A_624 = vector.shape_cast %parallel_loop3A_623 : vector<1x1x16xf32> to vector<16xf32>
        %parallel_loop3A_625 = vector.shape_cast %parallel_loop3A_619 : vector<16xf32> to vector<1x1x16xf32>
        tpu.vector_store %arg8[%parallel_loop3A_620, %parallel_loop3A_621, %parallel_loop3A_622], %parallel_loop3A_625 {add = true, strides = array<i32>} : memref<5x16x1024xf32, #tpu.memory_space<vmem>>, vector<1x1x16xf32>,
        %parallel_loop3A_626 = arith.addi %mul3A_471, %parallel_loop3A_614 : i32
        %parallel_loop3A_627 = arith.index_cast %parallel_loop3A_626 : i32 to index
        %parallel_loop3A_628 = arith.constant 16 : index
        %parallel_loop3A_629 = tpu.vector_load %arg7[%parallel_loop3A_627, %parallel_loop3A_628] {strides = array<i32>} : memref<32x1024xf32, #tpu.memory_space<vmem>>, vector<1x16xf32>,
        %parallel_loop3A_630 = vector.shape_cast %parallel_loop3A_629 : vector<1x16xf32> to vector<16xf32>
        %parallel_loop3A_631 = arith.index_cast %select_n3A_391 : i32 to index
        %parallel_loop3A_632 = arith.index_cast %parallel_loop3A_614 : i32 to index
        %parallel_loop3A_633 = arith.constant 16 : index
        %parallel_loop3A_634 = tpu.vector_load %arg8[%parallel_loop3A_631, %parallel_loop3A_632, %parallel_loop3A_633] {strides = array<i32>} : memref<5x16x1024xf32, #tpu.memory_space<vmem>>, vector<1x1x16xf32>,
        %parallel_loop3A_635 = vector.shape_cast %parallel_loop3A_634 : vector<1x1x16xf32> to vector<16xf32>
        %parallel_loop3A_636 = vector.shape_cast %parallel_loop3A_630 : vector<16xf32> to vector<1x1x16xf32>
        tpu.vector_store %arg8[%parallel_loop3A_631, %parallel_loop3A_632, %parallel_loop3A_633], %parallel_loop3A_636 {add = true, strides = array<i32>} : memref<5x16x1024xf32, #tpu.memory_space<vmem>>, vector<1x1x16xf32>,
        %parallel_loop3A_637 = arith.addi %mul3A_471, %parallel_loop3A_614 : i32
        %parallel_loop3A_638 = arith.index_cast %parallel_loop3A_637 : i32 to index
        %parallel_loop3A_639 = arith.constant 32 : index
        %parallel_loop3A_640 = tpu.vector_load %arg7[%parallel_loop3A_638, %parallel_loop3A_639] {strides = array<i32>} : memref<32x1024xf32, #tpu.memory_space<vmem>>, vector<1x16xf32>,
        %parallel_loop3A_641 = vector.shape_cast %parallel_loop3A_640 : vector<1x16xf32> to vector<16xf32>
        %parallel_loop3A_642 = arith.index_cast %select_n3A_391 : i32 to index
        %parallel_loop3A_643 = arith.index_cast %parallel_loop3A_614 : i32 to index
        %parallel_loop3A_644 = arith.constant 32 : index
        %parallel_loop3A_645 = tpu.vector_load %arg8[%parallel_loop3A_642, %parallel_loop3A_643, %parallel_loop3A_644] {strides = array<i32>} : memref<5x16x1024xf32, #tpu.memory_space<vmem>>, vector<1x1x16xf32>,
        %parallel_loop3A_646 = vector.shape_cast %parallel_loop3A_645 : vector<1x1x16xf32> to vector<16xf32>
        %parallel_loop3A_647 = vector.shape_cast %parallel_loop3A_641 : vector<16xf32> to vector<1x1x16xf32>
        tpu.vector_store %arg8[%parallel_loop3A_642, %parallel_loop3A_643, %parallel_loop3A_644], %parallel_loop3A_647 {add = true, strides = array<i32>} : memref<5x16x1024xf32, #tpu.memory_space<vmem>>, vector<1x1x16xf32>,
        %parallel_loop3A_648 = arith.addi %mul3A_471, %parallel_loop3A_614 : i32
        %parallel_loop3A_649 = arith.index_cast %parallel_loop3A_648 : i32 to index
        %parallel_loop3A_650 = arith.constant 48 : index
        %parallel_loop3A_651 = tpu.vector_load %arg7[%parallel_loop3A_649, %parallel_loop3A_650] {strides = array<i32>} : memref<32x1024xf32, #tpu.memory_space<vmem>>, vector<1x16xf32>,
        %parallel_loop3A_652 = vector.shape_cast %parallel_loop3A_651 : vector<1x16xf32> to vector<16xf32>
        %parallel_loop3A_653 = arith.index_cast %select_n3A_391 : i32 to index
        %parallel_loop3A_654 = arith.index_cast %parallel_loop3A_614 : i32 to index
        %parallel_loop3A_655 = arith.constant 48 : index
        %parallel_loop3A_656 = tpu.vector_load %arg8[%parallel_loop3A_653, %parallel_loop3A_654, %parallel_loop3A_655] {strides = array<i32>} : memref<5x16x1024xf32, #tpu.memory_space<vmem>>, vector<1x1x16xf32>,
        %parallel_loop3A_657 = vector.shape_cast %parallel_loop3A_656 : vector<1x1x16xf32> to vector<16xf32>
        %parallel_loop3A_658 = vector.shape_cast %parallel_loop3A_652 : vector<16xf32> to vector<1x1x16xf32>
        tpu.vector_store %arg8[%parallel_loop3A_653, %parallel_loop3A_654, %parallel_loop3A_655], %parallel_loop3A_658 {add = true, strides = array<i32>} : memref<5x16x1024xf32, #tpu.memory_space<vmem>>, vector<1x1x16xf32>,
        %parallel_loop3A_659 = arith.addi %mul3A_471, %parallel_loop3A_614 : i32
        %parallel_loop3A_660 = arith.index_cast %parallel_loop3A_659 : i32 to index
        %parallel_loop3A_661 = arith.constant 64 : index
        %parallel_loop3A_662 = tpu.vector_load %arg7[%parallel_loop3A_660, %parallel_loop3A_661] {strides = array<i32>} : memref<32x1024xf32, #tpu.memory_space<vmem>>, vector<1x16xf32>,
        %parallel_loop3A_663 = vector.shape_cast %parallel_loop3A_662 : vector<1x16xf32> to vector<16xf32>
        %parallel_loop3A_664 = arith.index_cast %select_n3A_391 : i32 to index
        %parallel_loop3A_665 = arith.index_cast %parallel_loop3A_614 : i32 to index
        %parallel_loop3A_666 = arith.constant 64 : index
        %parallel_loop3A_667 = tpu.vector_load %arg8[%parallel_loop3A_664, %parallel_loop3A_665, %parallel_loop3A_666] {strides = array<i32>} : memref<5x16x1024xf32, #tpu.memory_space<vmem>>, vector<1x1x16xf32>,
        %parallel_loop3A_668 = vector.shape_cast %parallel_loop3A_667 : vector<1x1x16xf32> to vector<16xf32>
        %parallel_loop3A_669 = vector.shape_cast %parallel_loop3A_663 : vector<16xf32> to vector<1x1x16xf32>
        tpu.vector_store %arg8[%parallel_loop3A_664, %parallel_loop3A_665, %parallel_loop3A_666], %parallel_loop3A_669 {add = true, strides = array<i32>} : memref<5x16x1024xf32, #tpu.memory_space<vmem>>, vector<1x1x16xf32>,
        %parallel_loop3A_670 = arith.addi %mul3A_471, %parallel_loop3A_614 : i32
        %parallel_loop3A_671 = arith.index_cast %parallel_loop3A_670 : i32 to index
        %parallel_loop3A_672 = arith.constant 80 : index
        %parallel_loop3A_673 = tpu.vector_load %arg7[%parallel_loop3A_671, %parallel_loop3A_672] {strides = array<i32>} : memref<32x1024xf32, #tpu.memory_space<vmem>>, vector<1x16xf32>,
        %parallel_loop3A_674 = vector.shape_cast %parallel_loop3A_673 : vector<1x16xf32> to vector<16xf32>
        %parallel_loop3A_675 = arith.index_cast %select_n3A_391 : i32 to index
        %parallel_loop3A_676 = arith.index_cast %parallel_loop3A_614 : i32 to index
        %parallel_loop3A_677 = arith.constant 80 : index
        %parallel_loop3A_678 = tpu.vector_load %arg8[%parallel_loop3A_675, %parallel_loop3A_676, %parallel_loop3A_677] {strides = array<i32>} : memref<5x16x1024xf32, #tpu.memory_space<vmem>>, vector<1x1x16xf32>,
        %parallel_loop3A_679 = vector.shape_cast %parallel_loop3A_678 : vector<1x1x16xf32> to vector<16xf32>
        %parallel_loop3A_680 = vector.shape_cast %parallel_loop3A_674 : vector<16xf32> to vector<1x1x16xf32>
        tpu.vector_store %arg8[%parallel_loop3A_675, %parallel_loop3A_676, %parallel_loop3A_677], %parallel_loop3A_680 {add = true, strides = array<i32>} : memref<5x16x1024xf32, #tpu.memory_space<vmem>>, vector<1x1x16xf32>,
        %parallel_loop3A_681 = arith.addi %mul3A_471, %parallel_loop3A_614 : i32
        %parallel_loop3A_682 = arith.index_cast %parallel_loop3A_681 : i32 to index
        %parallel_loop3A_683 = arith.constant 96 : index
        %parallel_loop3A_684 = tpu.vector_load %arg7[%parallel_loop3A_682, %parallel_loop3A_683] {strides = array<i32>} : memref<32x1024xf32, #tpu.memory_space<vmem>>, vector<1x16xf32>,
        %parallel_loop3A_685 = vector.shape_cast %parallel_loop3A_684 : vector<1x16xf32> to vector<16xf32>
        %parallel_loop3A_686 = arith.index_cast %select_n3A_391 : i32 to index
        %parallel_loop3A_687 = arith.index_cast %parallel_loop3A_614 : i32 to index
        %parallel_loop3A_688 = arith.constant 96 : index
        %parallel_loop3A_689 = tpu.vector_load %arg8[%parallel_loop3A_686, %parallel_loop3A_687, %parallel_loop3A_688] {strides = array<i32>} : memref<5x16x1024xf32, #tpu.memory_space<vmem>>, vector<1x1x16xf32>,
        %parallel_loop3A_690 = vector.shape_cast %parallel_loop3A_689 : vector<1x1x16xf32> to vector<16xf32>
        %parallel_loop3A_691 = vector.shape_cast %parallel_loop3A_685 : vector<16xf32> to vector<1x1x16xf32>
        tpu.vector_store %arg8[%parallel_loop3A_686, %parallel_loop3A_687, %parallel_loop3A_688], %parallel_loop3A_691 {add = true, strides = array<i32>} : memref<5x16x1024xf32, #tpu.memory_space<vmem>>, vector<1x1x16xf32>,
        %parallel_loop3A_692 = arith.addi %mul3A_471, %parallel_loop3A_614 : i32
        %parallel_loop3A_693 = arith.index_cast %parallel_loop3A_692 : i32 to index
        %parallel_loop3A_694 = arith.constant 112 : index
        %parallel_loop3A_695 = tpu.vector_load %arg7[%parallel_loop3A_693, %parallel_loop3A_694] {strides = array<i32>} : memref<32x1024xf32, #tpu.memory_space<vmem>>, vector<1x16xf32>,
        %parallel_loop3A_696 = vector.shape_cast %parallel_loop3A_695 : vector<1x16xf32> to vector<16xf32>
        %parallel_loop3A_697 = arith.index_cast %select_n3A_391 : i32 to index
        %parallel_loop3A_698 = arith.index_cast %parallel_loop3A_614 : i32 to index
        %parallel_loop3A_699 = arith.constant 112 : index
        %parallel_loop3A_700 = tpu.vector_load %arg8[%parallel_loop3A_697, %parallel_loop3A_698, %parallel_loop3A_699] {strides = array<i32>} : memref<5x16x1024xf32, #tpu.memory_space<vmem>>, vector<1x1x16xf32>,
        %parallel_loop3A_701 = vector.shape_cast %parallel_loop3A_700 : vector<1x1x16xf32> to vector<16xf32>
        %parallel_loop3A_702 = vector.shape_cast %parallel_loop3A_696 : vector<16xf32> to vector<1x1x16xf32>
        tpu.vector_store %arg8[%parallel_loop3A_697, %parallel_loop3A_698, %parallel_loop3A_699], %parallel_loop3A_702 {add = true, strides = array<i32>} : memref<5x16x1024xf32, #tpu.memory_space<vmem>>, vector<1x1x16xf32>,
        %parallel_loop3A_703 = arith.addi %mul3A_471, %parallel_loop3A_614 : i32
        %parallel_loop3A_704 = arith.index_cast %parallel_loop3A_703 : i32 to index
        %parallel_loop3A_705 = arith.constant 128 : index
        %parallel_loop3A_706 = tpu.vector_load %arg7[%parallel_loop3A_704, %parallel_loop3A_705] {strides = array<i32>} : memref<32x1024xf32, #tpu.memory_space<vmem>>, vector<1x16xf32>,
        %parallel_loop3A_707 = vector.shape_cast %parallel_loop3A_706 : vector<1x16xf32> to vector<16xf32>
        %parallel_loop3A_708 = arith.index_cast %select_n3A_391 : i32 to index
        %parallel_loop3A_709 = arith.index_cast %parallel_loop3A_614 : i32 to index
        %parallel_loop3A_710 = arith.constant 128 : index
        %parallel_loop3A_711 = tpu.vector_load %arg8[%parallel_loop3A_708, %parallel_loop3A_709, %parallel_loop3A_710] {strides = array<i32>} : memref<5x16x1024xf32, #tpu.memory_space<vmem>>, vector<1x1x16xf32>,
        %parallel_loop3A_712 = vector.shape_cast %parallel_loop3A_711 : vector<1x1x16xf32> to vector<16xf32>
        %parallel_loop3A_713 = vector.shape_cast %parallel_loop3A_707 : vector<16xf32> to vector<1x1x16xf32>
        tpu.vector_store %arg8[%parallel_loop3A_708, %parallel_loop3A_709, %parallel_loop3A_710], %parallel_loop3A_713 {add = true, strides = array<i32>} : memref<5x16x1024xf32, #tpu.memory_space<vmem>>, vector<1x1x16xf32>,
        %parallel_loop3A_714 = arith.addi %mul3A_471, %parallel_loop3A_614 : i32
        %parallel_loop3A_715 = arith.index_cast %parallel_loop3A_714 : i32 to index
        %parallel_loop3A_716 = arith.constant 144 : index
        %parallel_loop3A_717 = tpu.vector_load %arg7[%parallel_loop3A_715, %parallel_loop3A_716] {strides = array<i32>} : memref<32x1024xf32, #tpu.memory_space<vmem>>, vector<1x16xf32>,
        %parallel_loop3A_718 = vector.shape_cast %parallel_loop3A_717 : vector<1x16xf32> to vector<16xf32>
        %parallel_loop3A_719 = arith.index_cast %select_n3A_391 : i32 to index
        %parallel_loop3A_720 = arith.index_cast %parallel_loop3A_614 : i32 to index
        %parallel_loop3A_721 = arith.constant 144 : index
        %parallel_loop3A_722 = tpu.vector_load %arg8[%parallel_loop3A_719, %parallel_loop3A_720, %parallel_loop3A_721] {strides = array<i32>} : memref<5x16x1024xf32, #tpu.memory_space<vmem>>, vector<1x1x16xf32>,
        %parallel_loop3A_723 = vector.shape_cast %parallel_loop3A_722 : vector<1x1x16xf32> to vector<16xf32>
        %parallel_loop3A_724 = vector.shape_cast %parallel_loop3A_718 : vector<16xf32> to vector<1x1x16xf32>
        tpu.vector_store %arg8[%parallel_loop3A_719, %parallel_loop3A_720, %parallel_loop3A_721], %parallel_loop3A_724 {add = true, strides = array<i32>} : memref<5x16x1024xf32, #tpu.memory_space<vmem>>, vector<1x1x16xf32>,
        %parallel_loop3A_725 = arith.addi %mul3A_471, %parallel_loop3A_614 : i32
        %parallel_loop3A_726 = arith.index_cast %parallel_loop3A_725 : i32 to index
        %parallel_loop3A_727 = arith.constant 160 : index
        %parallel_loop3A_728 = tpu.vector_load %arg7[%parallel_loop3A_726, %parallel_loop3A_727] {strides = array<i32>} : memref<32x1024xf32, #tpu.memory_space<vmem>>, vector<1x16xf32>,
        %parallel_loop3A_729 = vector.shape_cast %parallel_loop3A_728 : vector<1x16xf32> to vector<16xf32>
        %parallel_loop3A_730 = arith.index_cast %select_n3A_391 : i32 to index
        %parallel_loop3A_731 = arith.index_cast %parallel_loop3A_614 : i32 to index
        %parallel_loop3A_732 = arith.constant 160 : index
        %parallel_loop3A_733 = tpu.vector_load %arg8[%parallel_loop3A_730, %parallel_loop3A_731, %parallel_loop3A_732] {strides = array<i32>} : memref<5x16x1024xf32, #tpu.memory_space<vmem>>, vector<1x1x16xf32>,
        %parallel_loop3A_734 = vector.shape_cast %parallel_loop3A_733 : vector<1x1x16xf32> to vector<16xf32>
        %parallel_loop3A_735 = vector.shape_cast %parallel_loop3A_729 : vector<16xf32> to vector<1x1x16xf32>
        tpu.vector_store %arg8[%parallel_loop3A_730, %parallel_loop3A_731, %parallel_loop3A_732], %parallel_loop3A_735 {add = true, strides = array<i32>} : memref<5x16x1024xf32, #tpu.memory_space<vmem>>, vector<1x1x16xf32>,
        %parallel_loop3A_736 = arith.addi %mul3A_471, %parallel_loop3A_614 : i32
        %parallel_loop3A_737 = arith.index_cast %parallel_loop3A_736 : i32 to index
        %parallel_loop3A_738 = arith.constant 176 : index
        %parallel_loop3A_739 = tpu.vector_load %arg7[%parallel_loop3A_737, %parallel_loop3A_738] {strides = array<i32>} : memref<32x1024xf32, #tpu.memory_space<vmem>>, vector<1x16xf32>,
        %parallel_loop3A_740 = vector.shape_cast %parallel_loop3A_739 : vector<1x16xf32> to vector<16xf32>
        %parallel_loop3A_741 = arith.index_cast %select_n3A_391 : i32 to index
        %parallel_loop3A_742 = arith.index_cast %parallel_loop3A_614 : i32 to index
        %parallel_loop3A_743 = arith.constant 176 : index
        %parallel_loop3A_744 = tpu.vector_load %arg8[%parallel_loop3A_741, %parallel_loop3A_742, %parallel_loop3A_743] {strides = array<i32>} : memref<5x16x1024xf32, #tpu.memory_space<vmem>>, vector<1x1x16xf32>,
        %parallel_loop3A_745 = vector.shape_cast %parallel_loop3A_744 : vector<1x1x16xf32> to vector<16xf32>
        %parallel_loop3A_746 = vector.shape_cast %parallel_loop3A_740 : vector<16xf32> to vector<1x1x16xf32>
        tpu.vector_store %arg8[%parallel_loop3A_741, %parallel_loop3A_742, %parallel_loop3A_743], %parallel_loop3A_746 {add = true, strides = array<i32>} : memref<5x16x1024xf32, #tpu.memory_space<vmem>>, vector<1x1x16xf32>,
        %parallel_loop3A_747 = arith.addi %mul3A_471, %parallel_loop3A_614 : i32
        %parallel_loop3A_748 = arith.index_cast %parallel_loop3A_747 : i32 to index
        %parallel_loop3A_749 = arith.constant 192 : index
        %parallel_loop3A_750 = tpu.vector_load %arg7[%parallel_loop3A_748, %parallel_loop3A_749] {strides = array<i32>} : memref<32x1024xf32, #tpu.memory_space<vmem>>, vector<1x16xf32>,
        %parallel_loop3A_751 = vector.shape_cast %parallel_loop3A_750 : vector<1x16xf32> to vector<16xf32>
        %parallel_loop3A_752 = arith.index_cast %select_n3A_391 : i32 to index
        %parallel_loop3A_753 = arith.index_cast %parallel_loop3A_614 : i32 to index
        %parallel_loop3A_754 = arith.constant 192 : index
        %parallel_loop3A_755 = tpu.vector_load %arg8[%parallel_loop3A_752, %parallel_loop3A_753, %parallel_loop3A_754] {strides = array<i32>} : memref<5x16x1024xf32, #tpu.memory_space<vmem>>, vector<1x1x16xf32>,
        %parallel_loop3A_756 = vector.shape_cast %parallel_loop3A_755 : vector<1x1x16xf32> to vector<16xf32>
        %parallel_loop3A_757 = vector.shape_cast %parallel_loop3A_751 : vector<16xf32> to vector<1x1x16xf32>
        tpu.vector_store %arg8[%parallel_loop3A_752, %parallel_loop3A_753, %parallel_loop3A_754], %parallel_loop3A_757 {add = true, strides = array<i32>} : memref<5x16x1024xf32, #tpu.memory_space<vmem>>, vector<1x1x16xf32>,
        %parallel_loop3A_758 = arith.addi %mul3A_471, %parallel_loop3A_614 : i32
        %parallel_loop3A_759 = arith.index_cast %parallel_loop3A_758 : i32 to index
        %parallel_loop3A_760 = arith.constant 208 : index
        %parallel_loop3A_761 = tpu.vector_load %arg7[%parallel_loop3A_759, %parallel_loop3A_760] {strides = array<i32>} : memref<32x1024xf32, #tpu.memory_space<vmem>>, vector<1x16xf32>,
        %parallel_loop3A_762 = vector.shape_cast %parallel_loop3A_761 : vector<1x16xf32> to vector<16xf32>
        %parallel_loop3A_763 = arith.index_cast %select_n3A_391 : i32 to index
        %parallel_loop3A_764 = arith.index_cast %parallel_loop3A_614 : i32 to index
        %parallel_loop3A_765 = arith.constant 208 : index
        %parallel_loop3A_766 = tpu.vector_load %arg8[%parallel_loop3A_763, %parallel_loop3A_764, %parallel_loop3A_765] {strides = array<i32>} : memref<5x16x1024xf32, #tpu.memory_space<vmem>>, vector<1x1x16xf32>,
        %parallel_loop3A_767 = vector.shape_cast %parallel_loop3A_766 : vector<1x1x16xf32> to vector<16xf32>
        %parallel_loop3A_768 = vector.shape_cast %parallel_loop3A_762 : vector<16xf32> to vector<1x1x16xf32>
        tpu.vector_store %arg8[%parallel_loop3A_763, %parallel_loop3A_764, %parallel_loop3A_765], %parallel_loop3A_768 {add = true, strides = array<i32>} : memref<5x16x1024xf32, #tpu.memory_space<vmem>>, vector<1x1x16xf32>,
        %parallel_loop3A_769 = arith.addi %mul3A_471, %parallel_loop3A_614 : i32
        %parallel_loop3A_770 = arith.index_cast %parallel_loop3A_769 : i32 to index
        %parallel_loop3A_771 = arith.constant 224 : index
        %parallel_loop3A_772 = tpu.vector_load %arg7[%parallel_loop3A_770, %parallel_loop3A_771] {strides = array<i32>} : memref<32x1024xf32, #tpu.memory_space<vmem>>, vector<1x16xf32>,
        %parallel_loop3A_773 = vector.shape_cast %parallel_loop3A_772 : vector<1x16xf32> to vector<16xf32>
        %parallel_loop3A_774 = arith.index_cast %select_n3A_391 : i32 to index
        %parallel_loop3A_775 = arith.index_cast %parallel_loop3A_614 : i32 to index
        %parallel_loop3A_776 = arith.constant 224 : index
        %parallel_loop3A_777 = tpu.vector_load %arg8[%parallel_loop3A_774, %parallel_loop3A_775, %parallel_loop3A_776] {strides = array<i32>} : memref<5x16x1024xf32, #tpu.memory_space<vmem>>, vector<1x1x16xf32>,
        %parallel_loop3A_778 = vector.shape_cast %parallel_loop3A_777 : vector<1x1x16xf32> to vector<16xf32>
        %parallel_loop3A_779 = vector.shape_cast %parallel_loop3A_773 : vector<16xf32> to vector<1x1x16xf32>
        tpu.vector_store %arg8[%parallel_loop3A_774, %parallel_loop3A_775, %parallel_loop3A_776], %parallel_loop3A_779 {add = true, strides = array<i32>} : memref<5x16x1024xf32, #tpu.memory_space<vmem>>, vector<1x1x16xf32>,
        %parallel_loop3A_780 = arith.addi %mul3A_471, %parallel_loop3A_614 : i32
        %parallel_loop3A_781 = arith.index_cast %parallel_loop3A_780 : i32 to index
        %parallel_loop3A_782 = arith.constant 240 : index
        %parallel_loop3A_783 = tpu.vector_load %arg7[%parallel_loop3A_781, %parallel_loop3A_782] {strides = array<i32>} : memref<32x1024xf32, #tpu.memory_space<vmem>>, vector<1x16xf32>,
        %parallel_loop3A_784 = vector.shape_cast %parallel_loop3A_783 : vector<1x16xf32> to vector<16xf32>
        %parallel_loop3A_785 = arith.index_cast %select_n3A_391 : i32 to index
        %parallel_loop3A_786 = arith.index_cast %parallel_loop3A_614 : i32 to index
        %parallel_loop3A_787 = arith.constant 240 : index
        %parallel_loop3A_788 = tpu.vector_load %arg8[%parallel_loop3A_785, %parallel_loop3A_786, %parallel_loop3A_787] {strides = array<i32>} : memref<5x16x1024xf32, #tpu.memory_space<vmem>>, vector<1x1x16xf32>,
        %parallel_loop3A_789 = vector.shape_cast %parallel_loop3A_788 : vector<1x1x16xf32> to vector<16xf32>
        %parallel_loop3A_790 = vector.shape_cast %parallel_loop3A_784 : vector<16xf32> to vector<1x1x16xf32>
        tpu.vector_store %arg8[%parallel_loop3A_785, %parallel_loop3A_786, %parallel_loop3A_787], %parallel_loop3A_790 {add = true, strides = array<i32>} : memref<5x16x1024xf32, #tpu.memory_space<vmem>>, vector<1x1x16xf32>,
        %parallel_loop3A_791 = arith.addi %mul3A_471, %parallel_loop3A_614 : i32
        %parallel_loop3A_792 = arith.index_cast %parallel_loop3A_791 : i32 to index
        %parallel_loop3A_793 = arith.constant 256 : index
        %parallel_loop3A_794 = tpu.vector_load %arg7[%parallel_loop3A_792, %parallel_loop3A_793] {strides = array<i32>} : memref<32x1024xf32, #tpu.memory_space<vmem>>, vector<1x16xf32>,
        %parallel_loop3A_795 = vector.shape_cast %parallel_loop3A_794 : vector<1x16xf32> to vector<16xf32>
        %parallel_loop3A_796 = arith.index_cast %select_n3A_391 : i32 to index
        %parallel_loop3A_797 = arith.index_cast %parallel_loop3A_614 : i32 to index
        %parallel_loop3A_798 = arith.constant 256 : index
        %parallel_loop3A_799 = tpu.vector_load %arg8[%parallel_loop3A_796, %parallel_loop3A_797, %parallel_loop3A_798] {strides = array<i32>} : memref<5x16x1024xf32, #tpu.memory_space<vmem>>, vector<1x1x16xf32>,
        %parallel_loop3A_800 = vector.shape_cast %parallel_loop3A_799 : vector<1x1x16xf32> to vector<16xf32>
        %parallel_loop3A_801 = vector.shape_cast %parallel_loop3A_795 : vector<16xf32> to vector<1x1x16xf32>
        tpu.vector_store %arg8[%parallel_loop3A_796, %parallel_loop3A_797, %parallel_loop3A_798], %parallel_loop3A_801 {add = true, strides = array<i32>} : memref<5x16x1024xf32, #tpu.memory_space<vmem>>, vector<1x1x16xf32>,
        %parallel_loop3A_802 = arith.addi %mul3A_471, %parallel_loop3A_614 : i32
        %parallel_loop3A_803 = arith.index_cast %parallel_loop3A_802 : i32 to index
        %parallel_loop3A_804 = arith.constant 272 : index
        %parallel_loop3A_805 = tpu.vector_load %arg7[%parallel_loop3A_803, %parallel_loop3A_804] {strides = array<i32>} : memref<32x1024xf32, #tpu.memory_space<vmem>>, vector<1x16xf32>,
        %parallel_loop3A_806 = vector.shape_cast %parallel_loop3A_805 : vector<1x16xf32> to vector<16xf32>
        %parallel_loop3A_807 = arith.index_cast %select_n3A_391 : i32 to index
        %parallel_loop3A_808 = arith.index_cast %parallel_loop3A_614 : i32 to index
        %parallel_loop3A_809 = arith.constant 272 : index
        %parallel_loop3A_810 = tpu.vector_load %arg8[%parallel_loop3A_807, %parallel_loop3A_808, %parallel_loop3A_809] {strides = array<i32>} : memref<5x16x1024xf32, #tpu.memory_space<vmem>>, vector<1x1x16xf32>,
        %parallel_loop3A_811 = vector.shape_cast %parallel_loop3A_810 : vector<1x1x16xf32> to vector<16xf32>
        %parallel_loop3A_812 = vector.shape_cast %parallel_loop3A_806 : vector<16xf32> to vector<1x1x16xf32>
        tpu.vector_store %arg8[%parallel_loop3A_807, %parallel_loop3A_808, %parallel_loop3A_809], %parallel_loop3A_812 {add = true, strides = array<i32>} : memref<5x16x1024xf32, #tpu.memory_space<vmem>>, vector<1x1x16xf32>,
        %parallel_loop3A_813 = arith.addi %mul3A_471, %parallel_loop3A_614 : i32
        %parallel_loop3A_814 = arith.index_cast %parallel_loop3A_813 : i32 to index
        %parallel_loop3A_815 = arith.constant 288 : index
        %parallel_loop3A_816 = tpu.vector_load %arg7[%parallel_loop3A_814, %parallel_loop3A_815] {strides = array<i32>} : memref<32x1024xf32, #tpu.memory_space<vmem>>, vector<1x16xf32>,
        %parallel_loop3A_817 = vector.shape_cast %parallel_loop3A_816 : vector<1x16xf32> to vector<16xf32>
        %parallel_loop3A_818 = arith.index_cast %select_n3A_391 : i32 to index
        %parallel_loop3A_819 = arith.index_cast %parallel_loop3A_614 : i32 to index
        %parallel_loop3A_820 = arith.constant 288 : index
        %parallel_loop3A_821 = tpu.vector_load %arg8[%parallel_loop3A_818, %parallel_loop3A_819, %parallel_loop3A_820] {strides = array<i32>} : memref<5x16x1024xf32, #tpu.memory_space<vmem>>, vector<1x1x16xf32>,
        %parallel_loop3A_822 = vector.shape_cast %parallel_loop3A_821 : vector<1x1x16xf32> to vector<16xf32>
        %parallel_loop3A_823 = vector.shape_cast %parallel_loop3A_817 : vector<16xf32> to vector<1x1x16xf32>
        tpu.vector_store %arg8[%parallel_loop3A_818, %parallel_loop3A_819, %parallel_loop3A_820], %parallel_loop3A_823 {add = true, strides = array<i32>} : memref<5x16x1024xf32, #tpu.memory_space<vmem>>, vector<1x1x16xf32>,
        %parallel_loop3A_824 = arith.addi %mul3A_471, %parallel_loop3A_614 : i32
        %parallel_loop3A_825 = arith.index_cast %parallel_loop3A_824 : i32 to index
        %parallel_loop3A_826 = arith.constant 304 : index
        %parallel_loop3A_827 = tpu.vector_load %arg7[%parallel_loop3A_825, %parallel_loop3A_826] {strides = array<i32>} : memref<32x1024xf32, #tpu.memory_space<vmem>>, vector<1x16xf32>,
        %parallel_loop3A_828 = vector.shape_cast %parallel_loop3A_827 : vector<1x16xf32> to vector<16xf32>
        %parallel_loop3A_829 = arith.index_cast %select_n3A_391 : i32 to index
        %parallel_loop3A_830 = arith.index_cast %parallel_loop3A_614 : i32 to index
        %parallel_loop3A_831 = arith.constant 304 : index
        %parallel_loop3A_832 = tpu.vector_load %arg8[%parallel_loop3A_829, %parallel_loop3A_830, %parallel_loop3A_831] {strides = array<i32>} : memref<5x16x1024xf32, #tpu.memory_space<vmem>>, vector<1x1x16xf32>,
        %parallel_loop3A_833 = vector.shape_cast %parallel_loop3A_832 : vector<1x1x16xf32> to vector<16xf32>
        %parallel_loop3A_834 = vector.shape_cast %parallel_loop3A_828 : vector<16xf32> to vector<1x1x16xf32>
        tpu.vector_store %arg8[%parallel_loop3A_829, %parallel_loop3A_830, %parallel_loop3A_831], %parallel_loop3A_834 {add = true, strides = array<i32>} : memref<5x16x1024xf32, #tpu.memory_space<vmem>>, vector<1x1x16xf32>,
        %parallel_loop3A_835 = arith.addi %mul3A_471, %parallel_loop3A_614 : i32
        %parallel_loop3A_836 = arith.index_cast %parallel_loop3A_835 : i32 to index
        %parallel_loop3A_837 = arith.constant 320 : index
        %parallel_loop3A_838 = tpu.vector_load %arg7[%parallel_loop3A_836, %parallel_loop3A_837] {strides = array<i32>} : memref<32x1024xf32, #tpu.memory_space<vmem>>, vector<1x16xf32>,
        %parallel_loop3A_839 = vector.shape_cast %parallel_loop3A_838 : vector<1x16xf32> to vector<16xf32>
        %parallel_loop3A_840 = arith.index_cast %select_n3A_391 : i32 to index
        %parallel_loop3A_841 = arith.index_cast %parallel_loop3A_614 : i32 to index
        %parallel_loop3A_842 = arith.constant 320 : index
        %parallel_loop3A_843 = tpu.vector_load %arg8[%parallel_loop3A_840, %parallel_loop3A_841, %parallel_loop3A_842] {strides = array<i32>} : memref<5x16x1024xf32, #tpu.memory_space<vmem>>, vector<1x1x16xf32>,
        %parallel_loop3A_844 = vector.shape_cast %parallel_loop3A_843 : vector<1x1x16xf32> to vector<16xf32>
        %parallel_loop3A_845 = vector.shape_cast %parallel_loop3A_839 : vector<16xf32> to vector<1x1x16xf32>
        tpu.vector_store %arg8[%parallel_loop3A_840, %parallel_loop3A_841, %parallel_loop3A_842], %parallel_loop3A_845 {add = true, strides = array<i32>} : memref<5x16x1024xf32, #tpu.memory_space<vmem>>, vector<1x1x16xf32>,
        %parallel_loop3A_846 = arith.addi %mul3A_471, %parallel_loop3A_614 : i32
        %parallel_loop3A_847 = arith.index_cast %parallel_loop3A_846 : i32 to index
        %parallel_loop3A_848 = arith.constant 336 : index
        %parallel_loop3A_849 = tpu.vector_load %arg7[%parallel_loop3A_847, %parallel_loop3A_848] {strides = array<i32>} : memref<32x1024xf32, #tpu.memory_space<vmem>>, vector<1x16xf32>,
        %parallel_loop3A_850 = vector.shape_cast %parallel_loop3A_849 : vector<1x16xf32> to vector<16xf32>
        %parallel_loop3A_851 = arith.index_cast %select_n3A_391 : i32 to index
        %parallel_loop3A_852 = arith.index_cast %parallel_loop3A_614 : i32 to index
        %parallel_loop3A_853 = arith.constant 336 : index
        %parallel_loop3A_854 = tpu.vector_load %arg8[%parallel_loop3A_851, %parallel_loop3A_852, %parallel_loop3A_853] {strides = array<i32>} : memref<5x16x1024xf32, #tpu.memory_space<vmem>>, vector<1x1x16xf32>,
        %parallel_loop3A_855 = vector.shape_cast %parallel_loop3A_854 : vector<1x1x16xf32> to vector<16xf32>
        %parallel_loop3A_856 = vector.shape_cast %parallel_loop3A_850 : vector<16xf32> to vector<1x1x16xf32>
        tpu.vector_store %arg8[%parallel_loop3A_851, %parallel_loop3A_852, %parallel_loop3A_853], %parallel_loop3A_856 {add = true, strides = array<i32>} : memref<5x16x1024xf32, #tpu.memory_space<vmem>>, vector<1x1x16xf32>,
        %parallel_loop3A_857 = arith.addi %mul3A_471, %parallel_loop3A_614 : i32
        %parallel_loop3A_858 = arith.index_cast %parallel_loop3A_857 : i32 to index
        %parallel_loop3A_859 = arith.constant 352 : index
        %parallel_loop3A_860 = tpu.vector_load %arg7[%parallel_loop3A_858, %parallel_loop3A_859] {strides = array<i32>} : memref<32x1024xf32, #tpu.memory_space<vmem>>, vector<1x16xf32>,
        %parallel_loop3A_861 = vector.shape_cast %parallel_loop3A_860 : vector<1x16xf32> to vector<16xf32>
        %parallel_loop3A_862 = arith.index_cast %select_n3A_391 : i32 to index
        %parallel_loop3A_863 = arith.index_cast %parallel_loop3A_614 : i32 to index
        %parallel_loop3A_864 = arith.constant 352 : index
        %parallel_loop3A_865 = tpu.vector_load %arg8[%parallel_loop3A_862, %parallel_loop3A_863, %parallel_loop3A_864] {strides = array<i32>} : memref<5x16x1024xf32, #tpu.memory_space<vmem>>, vector<1x1x16xf32>,
        %parallel_loop3A_866 = vector.shape_cast %parallel_loop3A_865 : vector<1x1x16xf32> to vector<16xf32>
        %parallel_loop3A_867 = vector.shape_cast %parallel_loop3A_861 : vector<16xf32> to vector<1x1x16xf32>
        tpu.vector_store %arg8[%parallel_loop3A_862, %parallel_loop3A_863, %parallel_loop3A_864], %parallel_loop3A_867 {add = true, strides = array<i32>} : memref<5x16x1024xf32, #tpu.memory_space<vmem>>, vector<1x1x16xf32>,
        %parallel_loop3A_868 = arith.addi %mul3A_471, %parallel_loop3A_614 : i32
        %parallel_loop3A_869 = arith.index_cast %parallel_loop3A_868 : i32 to index
        %parallel_loop3A_870 = arith.constant 368 : index
        %parallel_loop3A_871 = tpu.vector_load %arg7[%parallel_loop3A_869, %parallel_loop3A_870] {strides = array<i32>} : memref<32x1024xf32, #tpu.memory_space<vmem>>, vector<1x16xf32>,
        %parallel_loop3A_872 = vector.shape_cast %parallel_loop3A_871 : vector<1x16xf32> to vector<16xf32>
        %parallel_loop3A_873 = arith.index_cast %select_n3A_391 : i32 to index
        %parallel_loop3A_874 = arith.index_cast %parallel_loop3A_614 : i32 to index
        %parallel_loop3A_875 = arith.constant 368 : index
        %parallel_loop3A_876 = tpu.vector_load %arg8[%parallel_loop3A_873, %parallel_loop3A_874, %parallel_loop3A_875] {strides = array<i32>} : memref<5x16x1024xf32, #tpu.memory_space<vmem>>, vector<1x1x16xf32>,
        %parallel_loop3A_877 = vector.shape_cast %parallel_loop3A_876 : vector<1x1x16xf32> to vector<16xf32>
        %parallel_loop3A_878 = vector.shape_cast %parallel_loop3A_872 : vector<16xf32> to vector<1x1x16xf32>
        tpu.vector_store %arg8[%parallel_loop3A_873, %parallel_loop3A_874, %parallel_loop3A_875], %parallel_loop3A_878 {add = true, strides = array<i32>} : memref<5x16x1024xf32, #tpu.memory_space<vmem>>, vector<1x1x16xf32>,
        %parallel_loop3A_879 = arith.addi %mul3A_471, %parallel_loop3A_614 : i32
        %parallel_loop3A_880 = arith.index_cast %parallel_loop3A_879 : i32 to index
        %parallel_loop3A_881 = arith.constant 384 : index
        %parallel_loop3A_882 = tpu.vector_load %arg7[%parallel_loop3A_880, %parallel_loop3A_881] {strides = array<i32>} : memref<32x1024xf32, #tpu.memory_space<vmem>>, vector<1x16xf32>,
        %parallel_loop3A_883 = vector.shape_cast %parallel_loop3A_882 : vector<1x16xf32> to vector<16xf32>
        %parallel_loop3A_884 = arith.index_cast %select_n3A_391 : i32 to index
        %parallel_loop3A_885 = arith.index_cast %parallel_loop3A_614 : i32 to index
        %parallel_loop3A_886 = arith.constant 384 : index
        %parallel_loop3A_887 = tpu.vector_load %arg8[%parallel_loop3A_884, %parallel_loop3A_885, %parallel_loop3A_886] {strides = array<i32>} : memref<5x16x1024xf32, #tpu.memory_space<vmem>>, vector<1x1x16xf32>,
        %parallel_loop3A_888 = vector.shape_cast %parallel_loop3A_887 : vector<1x1x16xf32> to vector<16xf32>
        %parallel_loop3A_889 = vector.shape_cast %parallel_loop3A_883 : vector<16xf32> to vector<1x1x16xf32>
        tpu.vector_store %arg8[%parallel_loop3A_884, %parallel_loop3A_885, %parallel_loop3A_886], %parallel_loop3A_889 {add = true, strides = array<i32>} : memref<5x16x1024xf32, #tpu.memory_space<vmem>>, vector<1x1x16xf32>,
        %parallel_loop3A_890 = arith.addi %mul3A_471, %parallel_loop3A_614 : i32
        %parallel_loop3A_891 = arith.index_cast %parallel_loop3A_890 : i32 to index
        %parallel_loop3A_892 = arith.constant 400 : index
        %parallel_loop3A_893 = tpu.vector_load %arg7[%parallel_loop3A_891, %parallel_loop3A_892] {strides = array<i32>} : memref<32x1024xf32, #tpu.memory_space<vmem>>, vector<1x16xf32>,
        %parallel_loop3A_894 = vector.shape_cast %parallel_loop3A_893 : vector<1x16xf32> to vector<16xf32>
        %parallel_loop3A_895 = arith.index_cast %select_n3A_391 : i32 to index
        %parallel_loop3A_896 = arith.index_cast %parallel_loop3A_614 : i32 to index
        %parallel_loop3A_897 = arith.constant 400 : index
        %parallel_loop3A_898 = tpu.vector_load %arg8[%parallel_loop3A_895, %parallel_loop3A_896, %parallel_loop3A_897] {strides = array<i32>} : memref<5x16x1024xf32, #tpu.memory_space<vmem>>, vector<1x1x16xf32>,
        %parallel_loop3A_899 = vector.shape_cast %parallel_loop3A_898 : vector<1x1x16xf32> to vector<16xf32>
        %parallel_loop3A_900 = vector.shape_cast %parallel_loop3A_894 : vector<16xf32> to vector<1x1x16xf32>
        tpu.vector_store %arg8[%parallel_loop3A_895, %parallel_loop3A_896, %parallel_loop3A_897], %parallel_loop3A_900 {add = true, strides = array<i32>} : memref<5x16x1024xf32, #tpu.memory_space<vmem>>, vector<1x1x16xf32>,
        %parallel_loop3A_901 = arith.addi %mul3A_471, %parallel_loop3A_614 : i32
        %parallel_loop3A_902 = arith.index_cast %parallel_loop3A_901 : i32 to index
        %parallel_loop3A_903 = arith.constant 416 : index
        %parallel_loop3A_904 = tpu.vector_load %arg7[%parallel_loop3A_902, %parallel_loop3A_903] {strides = array<i32>} : memref<32x1024xf32, #tpu.memory_space<vmem>>, vector<1x16xf32>,
        %parallel_loop3A_905 = vector.shape_cast %parallel_loop3A_904 : vector<1x16xf32> to vector<16xf32>
        %parallel_loop3A_906 = arith.index_cast %select_n3A_391 : i32 to index
        %parallel_loop3A_907 = arith.index_cast %parallel_loop3A_614 : i32 to index
        %parallel_loop3A_908 = arith.constant 416 : index
        %parallel_loop3A_909 = tpu.vector_load %arg8[%parallel_loop3A_906, %parallel_loop3A_907, %parallel_loop3A_908] {strides = array<i32>} : memref<5x16x1024xf32, #tpu.memory_space<vmem>>, vector<1x1x16xf32>,
        %parallel_loop3A_910 = vector.shape_cast %parallel_loop3A_909 : vector<1x1x16xf32> to vector<16xf32>
        %parallel_loop3A_911 = vector.shape_cast %parallel_loop3A_905 : vector<16xf32> to vector<1x1x16xf32>
        tpu.vector_store %arg8[%parallel_loop3A_906, %parallel_loop3A_907, %parallel_loop3A_908], %parallel_loop3A_911 {add = true, strides = array<i32>} : memref<5x16x1024xf32, #tpu.memory_space<vmem>>, vector<1x1x16xf32>,
        %parallel_loop3A_912 = arith.addi %mul3A_471, %parallel_loop3A_614 : i32
        %parallel_loop3A_913 = arith.index_cast %parallel_loop3A_912 : i32 to index
        %parallel_loop3A_914 = arith.constant 432 : index
        %parallel_loop3A_915 = tpu.vector_load %arg7[%parallel_loop3A_913, %parallel_loop3A_914] {strides = array<i32>} : memref<32x1024xf32, #tpu.memory_space<vmem>>, vector<1x16xf32>,
        %parallel_loop3A_916 = vector.shape_cast %parallel_loop3A_915 : vector<1x16xf32> to vector<16xf32>
        %parallel_loop3A_917 = arith.index_cast %select_n3A_391 : i32 to index
        %parallel_loop3A_918 = arith.index_cast %parallel_loop3A_614 : i32 to index
        %parallel_loop3A_919 = arith.constant 432 : index
        %parallel_loop3A_920 = tpu.vector_load %arg8[%parallel_loop3A_917, %parallel_loop3A_918, %parallel_loop3A_919] {strides = array<i32>} : memref<5x16x1024xf32, #tpu.memory_space<vmem>>, vector<1x1x16xf32>,
        %parallel_loop3A_921 = vector.shape_cast %parallel_loop3A_920 : vector<1x1x16xf32> to vector<16xf32>
        %parallel_loop3A_922 = vector.shape_cast %parallel_loop3A_916 : vector<16xf32> to vector<1x1x16xf32>
        tpu.vector_store %arg8[%parallel_loop3A_917, %parallel_loop3A_918, %parallel_loop3A_919], %parallel_loop3A_922 {add = true, strides = array<i32>} : memref<5x16x1024xf32, #tpu.memory_space<vmem>>, vector<1x1x16xf32>,
        %parallel_loop3A_923 = arith.addi %mul3A_471, %parallel_loop3A_614 : i32
        %parallel_loop3A_924 = arith.index_cast %parallel_loop3A_923 : i32 to index
        %parallel_loop3A_925 = arith.constant 448 : index
        %parallel_loop3A_926 = tpu.vector_load %arg7[%parallel_loop3A_924, %parallel_loop3A_925] {strides = array<i32>} : memref<32x1024xf32, #tpu.memory_space<vmem>>, vector<1x16xf32>,
        %parallel_loop3A_927 = vector.shape_cast %parallel_loop3A_926 : vector<1x16xf32> to vector<16xf32>
        %parallel_loop3A_928 = arith.index_cast %select_n3A_391 : i32 to index
        %parallel_loop3A_929 = arith.index_cast %parallel_loop3A_614 : i32 to index
        %parallel_loop3A_930 = arith.constant 448 : index
        %parallel_loop3A_931 = tpu.vector_load %arg8[%parallel_loop3A_928, %parallel_loop3A_929, %parallel_loop3A_930] {strides = array<i32>} : memref<5x16x1024xf32, #tpu.memory_space<vmem>>, vector<1x1x16xf32>,
        %parallel_loop3A_932 = vector.shape_cast %parallel_loop3A_931 : vector<1x1x16xf32> to vector<16xf32>
        %parallel_loop3A_933 = vector.shape_cast %parallel_loop3A_927 : vector<16xf32> to vector<1x1x16xf32>
        tpu.vector_store %arg8[%parallel_loop3A_928, %parallel_loop3A_929, %parallel_loop3A_930], %parallel_loop3A_933 {add = true, strides = array<i32>} : memref<5x16x1024xf32, #tpu.memory_space<vmem>>, vector<1x1x16xf32>,
        %parallel_loop3A_934 = arith.addi %mul3A_471, %parallel_loop3A_614 : i32
        %parallel_loop3A_935 = arith.index_cast %parallel_loop3A_934 : i32 to index
        %parallel_loop3A_936 = arith.constant 464 : index
        %parallel_loop3A_937 = tpu.vector_load %arg7[%parallel_loop3A_935, %parallel_loop3A_936] {strides = array<i32>} : memref<32x1024xf32, #tpu.memory_space<vmem>>, vector<1x16xf32>,
        %parallel_loop3A_938 = vector.shape_cast %parallel_loop3A_937 : vector<1x16xf32> to vector<16xf32>
        %parallel_loop3A_939 = arith.index_cast %select_n3A_391 : i32 to index
        %parallel_loop3A_940 = arith.index_cast %parallel_loop3A_614 : i32 to index
        %parallel_loop3A_941 = arith.constant 464 : index
        %parallel_loop3A_942 = tpu.vector_load %arg8[%parallel_loop3A_939, %parallel_loop3A_940, %parallel_loop3A_941] {strides = array<i32>} : memref<5x16x1024xf32, #tpu.memory_space<vmem>>, vector<1x1x16xf32>,
        %parallel_loop3A_943 = vector.shape_cast %parallel_loop3A_942 : vector<1x1x16xf32> to vector<16xf32>
        %parallel_loop3A_944 = vector.shape_cast %parallel_loop3A_938 : vector<16xf32> to vector<1x1x16xf32>
        tpu.vector_store %arg8[%parallel_loop3A_939, %parallel_loop3A_940, %parallel_loop3A_941], %parallel_loop3A_944 {add = true, strides = array<i32>} : memref<5x16x1024xf32, #tpu.memory_space<vmem>>, vector<1x1x16xf32>,
        %parallel_loop3A_945 = arith.addi %mul3A_471, %parallel_loop3A_614 : i32
        %parallel_loop3A_946 = arith.index_cast %parallel_loop3A_945 : i32 to index
        %parallel_loop3A_947 = arith.constant 480 : index
        %parallel_loop3A_948 = tpu.vector_load %arg7[%parallel_loop3A_946, %parallel_loop3A_947] {strides = array<i32>} : memref<32x1024xf32, #tpu.memory_space<vmem>>, vector<1x16xf32>,
        %parallel_loop3A_949 = vector.shape_cast %parallel_loop3A_948 : vector<1x16xf32> to vector<16xf32>
        %parallel_loop3A_950 = arith.index_cast %select_n3A_391 : i32 to index
        %parallel_loop3A_951 = arith.index_cast %parallel_loop3A_614 : i32 to index
        %parallel_loop3A_952 = arith.constant 480 : index
        %parallel_loop3A_953 = tpu.vector_load %arg8[%parallel_loop3A_950, %parallel_loop3A_951, %parallel_loop3A_952] {strides = array<i32>} : memref<5x16x1024xf32, #tpu.memory_space<vmem>>, vector<1x1x16xf32>,
        %parallel_loop3A_954 = vector.shape_cast %parallel_loop3A_953 : vector<1x1x16xf32> to vector<16xf32>
        %parallel_loop3A_955 = vector.shape_cast %parallel_loop3A_949 : vector<16xf32> to vector<1x1x16xf32>
        tpu.vector_store %arg8[%parallel_loop3A_950, %parallel_loop3A_951, %parallel_loop3A_952], %parallel_loop3A_955 {add = true, strides = array<i32>} : memref<5x16x1024xf32, #tpu.memory_space<vmem>>, vector<1x1x16xf32>,
        %parallel_loop3A_956 = arith.addi %mul3A_471, %parallel_loop3A_614 : i32
        %parallel_loop3A_957 = arith.index_cast %parallel_loop3A_956 : i32 to index
        %parallel_loop3A_958 = arith.constant 496 : index
        %parallel_loop3A_959 = tpu.vector_load %arg7[%parallel_loop3A_957, %parallel_loop3A_958] {strides = array<i32>} : memref<32x1024xf32, #tpu.memory_space<vmem>>, vector<1x16xf32>,
        %parallel_loop3A_960 = vector.shape_cast %parallel_loop3A_959 : vector<1x16xf32> to vector<16xf32>
        %parallel_loop3A_961 = arith.index_cast %select_n3A_391 : i32 to index
        %parallel_loop3A_962 = arith.index_cast %parallel_loop3A_614 : i32 to index
        %parallel_loop3A_963 = arith.constant 496 : index
        %parallel_loop3A_964 = tpu.vector_load %arg8[%parallel_loop3A_961, %parallel_loop3A_962, %parallel_loop3A_963] {strides = array<i32>} : memref<5x16x1024xf32, #tpu.memory_space<vmem>>, vector<1x1x16xf32>,
        %parallel_loop3A_965 = vector.shape_cast %parallel_loop3A_964 : vector<1x1x16xf32> to vector<16xf32>
        %parallel_loop3A_966 = vector.shape_cast %parallel_loop3A_960 : vector<16xf32> to vector<1x1x16xf32>
        tpu.vector_store %arg8[%parallel_loop3A_961, %parallel_loop3A_962, %parallel_loop3A_963], %parallel_loop3A_966 {add = true, strides = array<i32>} : memref<5x16x1024xf32, #tpu.memory_space<vmem>>, vector<1x1x16xf32>,
        %parallel_loop3A_967 = arith.addi %mul3A_471, %parallel_loop3A_614 : i32
        %parallel_loop3A_968 = arith.index_cast %parallel_loop3A_967 : i32 to index
        %parallel_loop3A_969 = arith.constant 512 : index
        %parallel_loop3A_970 = tpu.vector_load %arg7[%parallel_loop3A_968, %parallel_loop3A_969] {strides = array<i32>} : memref<32x1024xf32, #tpu.memory_space<vmem>>, vector<1x16xf32>,
        %parallel_loop3A_971 = vector.shape_cast %parallel_loop3A_970 : vector<1x16xf32> to vector<16xf32>
        %parallel_loop3A_972 = arith.index_cast %select_n3A_391 : i32 to index
        %parallel_loop3A_973 = arith.index_cast %parallel_loop3A_614 : i32 to index
        %parallel_loop3A_974 = arith.constant 512 : index
        %parallel_loop3A_975 = tpu.vector_load %arg8[%parallel_loop3A_972, %parallel_loop3A_973, %parallel_loop3A_974] {strides = array<i32>} : memref<5x16x1024xf32, #tpu.memory_space<vmem>>, vector<1x1x16xf32>,
        %parallel_loop3A_976 = vector.shape_cast %parallel_loop3A_975 : vector<1x1x16xf32> to vector<16xf32>
        %parallel_loop3A_977 = vector.shape_cast %parallel_loop3A_971 : vector<16xf32> to vector<1x1x16xf32>
        tpu.vector_store %arg8[%parallel_loop3A_972, %parallel_loop3A_973, %parallel_loop3A_974], %parallel_loop3A_977 {add = true, strides = array<i32>} : memref<5x16x1024xf32, #tpu.memory_space<vmem>>, vector<1x1x16xf32>,
        %parallel_loop3A_978 = arith.addi %mul3A_471, %parallel_loop3A_614 : i32
        %parallel_loop3A_979 = arith.index_cast %parallel_loop3A_978 : i32 to index
        %parallel_loop3A_980 = arith.constant 528 : index
        %parallel_loop3A_981 = tpu.vector_load %arg7[%parallel_loop3A_979, %parallel_loop3A_980] {strides = array<i32>} : memref<32x1024xf32, #tpu.memory_space<vmem>>, vector<1x16xf32>,
        %parallel_loop3A_982 = vector.shape_cast %parallel_loop3A_981 : vector<1x16xf32> to vector<16xf32>
        %parallel_loop3A_983 = arith.index_cast %select_n3A_391 : i32 to index
        %parallel_loop3A_984 = arith.index_cast %parallel_loop3A_614 : i32 to index
        %parallel_loop3A_985 = arith.constant 528 : index
        %parallel_loop3A_986 = tpu.vector_load %arg8[%parallel_loop3A_983, %parallel_loop3A_984, %parallel_loop3A_985] {strides = array<i32>} : memref<5x16x1024xf32, #tpu.memory_space<vmem>>, vector<1x1x16xf32>,
        %parallel_loop3A_987 = vector.shape_cast %parallel_loop3A_986 : vector<1x1x16xf32> to vector<16xf32>
        %parallel_loop3A_988 = vector.shape_cast %parallel_loop3A_982 : vector<16xf32> to vector<1x1x16xf32>
        tpu.vector_store %arg8[%parallel_loop3A_983, %parallel_loop3A_984, %parallel_loop3A_985], %parallel_loop3A_988 {add = true, strides = array<i32>} : memref<5x16x1024xf32, #tpu.memory_space<vmem>>, vector<1x1x16xf32>,
        %parallel_loop3A_989 = arith.addi %mul3A_471, %parallel_loop3A_614 : i32
        %parallel_loop3A_990 = arith.index_cast %parallel_loop3A_989 : i32 to index
        %parallel_loop3A_991 = arith.constant 544 : index
        %parallel_loop3A_992 = tpu.vector_load %arg7[%parallel_loop3A_990, %parallel_loop3A_991] {strides = array<i32>} : memref<32x1024xf32, #tpu.memory_space<vmem>>, vector<1x16xf32>,
        %parallel_loop3A_993 = vector.shape_cast %parallel_loop3A_992 : vector<1x16xf32> to vector<16xf32>
        %parallel_loop3A_994 = arith.index_cast %select_n3A_391 : i32 to index
        %parallel_loop3A_995 = arith.index_cast %parallel_loop3A_614 : i32 to index
        %parallel_loop3A_996 = arith.constant 544 : index
        %parallel_loop3A_997 = tpu.vector_load %arg8[%parallel_loop3A_994, %parallel_loop3A_995, %parallel_loop3A_996] {strides = array<i32>} : memref<5x16x1024xf32, #tpu.memory_space<vmem>>, vector<1x1x16xf32>,
        %parallel_loop3A_998 = vector.shape_cast %parallel_loop3A_997 : vector<1x1x16xf32> to vector<16xf32>
        %parallel_loop3A_999 = vector.shape_cast %parallel_loop3A_993 : vector<16xf32> to vector<1x1x16xf32>
        tpu.vector_store %arg8[%parallel_loop3A_994, %parallel_loop3A_995, %parallel_loop3A_996], %parallel_loop3A_999 {add = true, strides = array<i32>} : memref<5x16x1024xf32, #tpu.memory_space<vmem>>, vector<1x1x16xf32>,
        %parallel_loop3A_1000 = arith.addi %mul3A_471, %parallel_loop3A_614 : i32
        %parallel_loop3A_1001 = arith.index_cast %parallel_loop3A_1000 : i32 to index
        %parallel_loop3A_1002 = arith.constant 560 : index
        %parallel_loop3A_1003 = tpu.vector_load %arg7[%parallel_loop3A_1001, %parallel_loop3A_1002] {strides = array<i32>} : memref<32x1024xf32, #tpu.memory_space<vmem>>, vector<1x16xf32>,
        %parallel_loop3A_1004 = vector.shape_cast %parallel_loop3A_1003 : vector<1x16xf32> to vector<16xf32>
        %parallel_loop3A_1005 = arith.index_cast %select_n3A_391 : i32 to index
        %parallel_loop3A_1006 = arith.index_cast %parallel_loop3A_614 : i32 to index
        %parallel_loop3A_1007 = arith.constant 560 : index
        %parallel_loop3A_1008 = tpu.vector_load %arg8[%parallel_loop3A_1005, %parallel_loop3A_1006, %parallel_loop3A_1007] {strides = array<i32>} : memref<5x16x1024xf32, #tpu.memory_space<vmem>>, vector<1x1x16xf32>,
        %parallel_loop3A_1009 = vector.shape_cast %parallel_loop3A_1008 : vector<1x1x16xf32> to vector<16xf32>
        %parallel_loop3A_1010 = vector.shape_cast %parallel_loop3A_1004 : vector<16xf32> to vector<1x1x16xf32>
        tpu.vector_store %arg8[%parallel_loop3A_1005, %parallel_loop3A_1006, %parallel_loop3A_1007], %parallel_loop3A_1010 {add = true, strides = array<i32>} : memref<5x16x1024xf32, #tpu.memory_space<vmem>>, vector<1x1x16xf32>,
        %parallel_loop3A_1011 = arith.addi %mul3A_471, %parallel_loop3A_614 : i32
        %parallel_loop3A_1012 = arith.index_cast %parallel_loop3A_1011 : i32 to index
        %parallel_loop3A_1013 = arith.constant 576 : index
        %parallel_loop3A_1014 = tpu.vector_load %arg7[%parallel_loop3A_1012, %parallel_loop3A_1013] {strides = array<i32>} : memref<32x1024xf32, #tpu.memory_space<vmem>>, vector<1x16xf32>,
        %parallel_loop3A_1015 = vector.shape_cast %parallel_loop3A_1014 : vector<1x16xf32> to vector<16xf32>
        %parallel_loop3A_1016 = arith.index_cast %select_n3A_391 : i32 to index
        %parallel_loop3A_1017 = arith.index_cast %parallel_loop3A_614 : i32 to index
        %parallel_loop3A_1018 = arith.constant 576 : index
        %parallel_loop3A_1019 = tpu.vector_load %arg8[%parallel_loop3A_1016, %parallel_loop3A_1017, %parallel_loop3A_1018] {strides = array<i32>} : memref<5x16x1024xf32, #tpu.memory_space<vmem>>, vector<1x1x16xf32>,
        %parallel_loop3A_1020 = vector.shape_cast %parallel_loop3A_1019 : vector<1x1x16xf32> to vector<16xf32>
        %parallel_loop3A_1021 = vector.shape_cast %parallel_loop3A_1015 : vector<16xf32> to vector<1x1x16xf32>
        tpu.vector_store %arg8[%parallel_loop3A_1016, %parallel_loop3A_1017, %parallel_loop3A_1018], %parallel_loop3A_1021 {add = true, strides = array<i32>} : memref<5x16x1024xf32, #tpu.memory_space<vmem>>, vector<1x1x16xf32>,
        %parallel_loop3A_1022 = arith.addi %mul3A_471, %parallel_loop3A_614 : i32
        %parallel_loop3A_1023 = arith.index_cast %parallel_loop3A_1022 : i32 to index
        %parallel_loop3A_1024 = arith.constant 592 : index
        %parallel_loop3A_1025 = tpu.vector_load %arg7[%parallel_loop3A_1023, %parallel_loop3A_1024] {strides = array<i32>} : memref<32x1024xf32, #tpu.memory_space<vmem>>, vector<1x16xf32>,
        %parallel_loop3A_1026 = vector.shape_cast %parallel_loop3A_1025 : vector<1x16xf32> to vector<16xf32>
        %parallel_loop3A_1027 = arith.index_cast %select_n3A_391 : i32 to index
        %parallel_loop3A_1028 = arith.index_cast %parallel_loop3A_614 : i32 to index
        %parallel_loop3A_1029 = arith.constant 592 : index
        %parallel_loop3A_1030 = tpu.vector_load %arg8[%parallel_loop3A_1027, %parallel_loop3A_1028, %parallel_loop3A_1029] {strides = array<i32>} : memref<5x16x1024xf32, #tpu.memory_space<vmem>>, vector<1x1x16xf32>,
        %parallel_loop3A_1031 = vector.shape_cast %parallel_loop3A_1030 : vector<1x1x16xf32> to vector<16xf32>
        %parallel_loop3A_1032 = vector.shape_cast %parallel_loop3A_1026 : vector<16xf32> to vector<1x1x16xf32>
        tpu.vector_store %arg8[%parallel_loop3A_1027, %parallel_loop3A_1028, %parallel_loop3A_1029], %parallel_loop3A_1032 {add = true, strides = array<i32>} : memref<5x16x1024xf32, #tpu.memory_space<vmem>>, vector<1x1x16xf32>,
        %parallel_loop3A_1033 = arith.addi %mul3A_471, %parallel_loop3A_614 : i32
        %parallel_loop3A_1034 = arith.index_cast %parallel_loop3A_1033 : i32 to index
        %parallel_loop3A_1035 = arith.constant 608 : index
        %parallel_loop3A_1036 = tpu.vector_load %arg7[%parallel_loop3A_1034, %parallel_loop3A_1035] {strides = array<i32>} : memref<32x1024xf32, #tpu.memory_space<vmem>>, vector<1x16xf32>,
        %parallel_loop3A_1037 = vector.shape_cast %parallel_loop3A_1036 : vector<1x16xf32> to vector<16xf32>
        %parallel_loop3A_1038 = arith.index_cast %select_n3A_391 : i32 to index
        %parallel_loop3A_1039 = arith.index_cast %parallel_loop3A_614 : i32 to index
        %parallel_loop3A_1040 = arith.constant 608 : index
        %parallel_loop3A_1041 = tpu.vector_load %arg8[%parallel_loop3A_1038, %parallel_loop3A_1039, %parallel_loop3A_1040] {strides = array<i32>} : memref<5x16x1024xf32, #tpu.memory_space<vmem>>, vector<1x1x16xf32>,
        %parallel_loop3A_1042 = vector.shape_cast %parallel_loop3A_1041 : vector<1x1x16xf32> to vector<16xf32>
        %parallel_loop3A_1043 = vector.shape_cast %parallel_loop3A_1037 : vector<16xf32> to vector<1x1x16xf32>
        tpu.vector_store %arg8[%parallel_loop3A_1038, %parallel_loop3A_1039, %parallel_loop3A_1040], %parallel_loop3A_1043 {add = true, strides = array<i32>} : memref<5x16x1024xf32, #tpu.memory_space<vmem>>, vector<1x1x16xf32>,
        %parallel_loop3A_1044 = arith.addi %mul3A_471, %parallel_loop3A_614 : i32
        %parallel_loop3A_1045 = arith.index_cast %parallel_loop3A_1044 : i32 to index
        %parallel_loop3A_1046 = arith.constant 624 : index
        %parallel_loop3A_1047 = tpu.vector_load %arg7[%parallel_loop3A_1045, %parallel_loop3A_1046] {strides = array<i32>} : memref<32x1024xf32, #tpu.memory_space<vmem>>, vector<1x16xf32>,
        %parallel_loop3A_1048 = vector.shape_cast %parallel_loop3A_1047 : vector<1x16xf32> to vector<16xf32>
        %parallel_loop3A_1049 = arith.index_cast %select_n3A_391 : i32 to index
        %parallel_loop3A_1050 = arith.index_cast %parallel_loop3A_614 : i32 to index
        %parallel_loop3A_1051 = arith.constant 624 : index
        %parallel_loop3A_1052 = tpu.vector_load %arg8[%parallel_loop3A_1049, %parallel_loop3A_1050, %parallel_loop3A_1051] {strides = array<i32>} : memref<5x16x1024xf32, #tpu.memory_space<vmem>>, vector<1x1x16xf32>,
        %parallel_loop3A_1053 = vector.shape_cast %parallel_loop3A_1052 : vector<1x1x16xf32> to vector<16xf32>
        %parallel_loop3A_1054 = vector.shape_cast %parallel_loop3A_1048 : vector<16xf32> to vector<1x1x16xf32>
        tpu.vector_store %arg8[%parallel_loop3A_1049, %parallel_loop3A_1050, %parallel_loop3A_1051], %parallel_loop3A_1054 {add = true, strides = array<i32>} : memref<5x16x1024xf32, #tpu.memory_space<vmem>>, vector<1x1x16xf32>,
        %parallel_loop3A_1055 = arith.addi %mul3A_471, %parallel_loop3A_614 : i32
        %parallel_loop3A_1056 = arith.index_cast %parallel_loop3A_1055 : i32 to index
        %parallel_loop3A_1057 = arith.constant 640 : index
        %parallel_loop3A_1058 = tpu.vector_load %arg7[%parallel_loop3A_1056, %parallel_loop3A_1057] {strides = array<i32>} : memref<32x1024xf32, #tpu.memory_space<vmem>>, vector<1x16xf32>,
        %parallel_loop3A_1059 = vector.shape_cast %parallel_loop3A_1058 : vector<1x16xf32> to vector<16xf32>
        %parallel_loop3A_1060 = arith.index_cast %select_n3A_391 : i32 to index
        %parallel_loop3A_1061 = arith.index_cast %parallel_loop3A_614 : i32 to index
        %parallel_loop3A_1062 = arith.constant 640 : index
        %parallel_loop3A_1063 = tpu.vector_load %arg8[%parallel_loop3A_1060, %parallel_loop3A_1061, %parallel_loop3A_1062] {strides = array<i32>} : memref<5x16x1024xf32, #tpu.memory_space<vmem>>, vector<1x1x16xf32>,
        %parallel_loop3A_1064 = vector.shape_cast %parallel_loop3A_1063 : vector<1x1x16xf32> to vector<16xf32>
        %parallel_loop3A_1065 = vector.shape_cast %parallel_loop3A_1059 : vector<16xf32> to vector<1x1x16xf32>
        tpu.vector_store %arg8[%parallel_loop3A_1060, %parallel_loop3A_1061, %parallel_loop3A_1062], %parallel_loop3A_1065 {add = true, strides = array<i32>} : memref<5x16x1024xf32, #tpu.memory_space<vmem>>, vector<1x1x16xf32>,
        %parallel_loop3A_1066 = arith.addi %mul3A_471, %parallel_loop3A_614 : i32
        %parallel_loop3A_1067 = arith.index_cast %parallel_loop3A_1066 : i32 to index
        %parallel_loop3A_1068 = arith.constant 656 : index
        %parallel_loop3A_1069 = tpu.vector_load %arg7[%parallel_loop3A_1067, %parallel_loop3A_1068] {strides = array<i32>} : memref<32x1024xf32, #tpu.memory_space<vmem>>, vector<1x16xf32>,
        %parallel_loop3A_1070 = vector.shape_cast %parallel_loop3A_1069 : vector<1x16xf32> to vector<16xf32>
        %parallel_loop3A_1071 = arith.index_cast %select_n3A_391 : i32 to index
        %parallel_loop3A_1072 = arith.index_cast %parallel_loop3A_614 : i32 to index
        %parallel_loop3A_1073 = arith.constant 656 : index
        %parallel_loop3A_1074 = tpu.vector_load %arg8[%parallel_loop3A_1071, %parallel_loop3A_1072, %parallel_loop3A_1073] {strides = array<i32>} : memref<5x16x1024xf32, #tpu.memory_space<vmem>>, vector<1x1x16xf32>,
        %parallel_loop3A_1075 = vector.shape_cast %parallel_loop3A_1074 : vector<1x1x16xf32> to vector<16xf32>
        %parallel_loop3A_1076 = vector.shape_cast %parallel_loop3A_1070 : vector<16xf32> to vector<1x1x16xf32>
        tpu.vector_store %arg8[%parallel_loop3A_1071, %parallel_loop3A_1072, %parallel_loop3A_1073], %parallel_loop3A_1076 {add = true, strides = array<i32>} : memref<5x16x1024xf32, #tpu.memory_space<vmem>>, vector<1x1x16xf32>,
        %parallel_loop3A_1077 = arith.addi %mul3A_471, %parallel_loop3A_614 : i32
        %parallel_loop3A_1078 = arith.index_cast %parallel_loop3A_1077 : i32 to index
        %parallel_loop3A_1079 = arith.constant 672 : index
        %parallel_loop3A_1080 = tpu.vector_load %arg7[%parallel_loop3A_1078, %parallel_loop3A_1079] {strides = array<i32>} : memref<32x1024xf32, #tpu.memory_space<vmem>>, vector<1x16xf32>,
        %parallel_loop3A_1081 = vector.shape_cast %parallel_loop3A_1080 : vector<1x16xf32> to vector<16xf32>
        %parallel_loop3A_1082 = arith.index_cast %select_n3A_391 : i32 to index
        %parallel_loop3A_1083 = arith.index_cast %parallel_loop3A_614 : i32 to index
        %parallel_loop3A_1084 = arith.constant 672 : index
        %parallel_loop3A_1085 = tpu.vector_load %arg8[%parallel_loop3A_1082, %parallel_loop3A_1083, %parallel_loop3A_1084] {strides = array<i32>} : memref<5x16x1024xf32, #tpu.memory_space<vmem>>, vector<1x1x16xf32>,
        %parallel_loop3A_1086 = vector.shape_cast %parallel_loop3A_1085 : vector<1x1x16xf32> to vector<16xf32>
        %parallel_loop3A_1087 = vector.shape_cast %parallel_loop3A_1081 : vector<16xf32> to vector<1x1x16xf32>
        tpu.vector_store %arg8[%parallel_loop3A_1082, %parallel_loop3A_1083, %parallel_loop3A_1084], %parallel_loop3A_1087 {add = true, strides = array<i32>} : memref<5x16x1024xf32, #tpu.memory_space<vmem>>, vector<1x1x16xf32>,
        %parallel_loop3A_1088 = arith.addi %mul3A_471, %parallel_loop3A_614 : i32
        %parallel_loop3A_1089 = arith.index_cast %parallel_loop3A_1088 : i32 to index
        %parallel_loop3A_1090 = arith.constant 688 : index
        %parallel_loop3A_1091 = tpu.vector_load %arg7[%parallel_loop3A_1089, %parallel_loop3A_1090] {strides = array<i32>} : memref<32x1024xf32, #tpu.memory_space<vmem>>, vector<1x16xf32>,
        %parallel_loop3A_1092 = vector.shape_cast %parallel_loop3A_1091 : vector<1x16xf32> to vector<16xf32>
        %parallel_loop3A_1093 = arith.index_cast %select_n3A_391 : i32 to index
        %parallel_loop3A_1094 = arith.index_cast %parallel_loop3A_614 : i32 to index
        %parallel_loop3A_1095 = arith.constant 688 : index
        %parallel_loop3A_1096 = tpu.vector_load %arg8[%parallel_loop3A_1093, %parallel_loop3A_1094, %parallel_loop3A_1095] {strides = array<i32>} : memref<5x16x1024xf32, #tpu.memory_space<vmem>>, vector<1x1x16xf32>,
        %parallel_loop3A_1097 = vector.shape_cast %parallel_loop3A_1096 : vector<1x1x16xf32> to vector<16xf32>
        %parallel_loop3A_1098 = vector.shape_cast %parallel_loop3A_1092 : vector<16xf32> to vector<1x1x16xf32>
        tpu.vector_store %arg8[%parallel_loop3A_1093, %parallel_loop3A_1094, %parallel_loop3A_1095], %parallel_loop3A_1098 {add = true, strides = array<i32>} : memref<5x16x1024xf32, #tpu.memory_space<vmem>>, vector<1x1x16xf32>,
        %parallel_loop3A_1099 = arith.addi %mul3A_471, %parallel_loop3A_614 : i32
        %parallel_loop3A_1100 = arith.index_cast %parallel_loop3A_1099 : i32 to index
        %parallel_loop3A_1101 = arith.constant 704 : index
        %parallel_loop3A_1102 = tpu.vector_load %arg7[%parallel_loop3A_1100, %parallel_loop3A_1101] {strides = array<i32>} : memref<32x1024xf32, #tpu.memory_space<vmem>>, vector<1x16xf32>,
        %parallel_loop3A_1103 = vector.shape_cast %parallel_loop3A_1102 : vector<1x16xf32> to vector<16xf32>
        %parallel_loop3A_1104 = arith.index_cast %select_n3A_391 : i32 to index
        %parallel_loop3A_1105 = arith.index_cast %parallel_loop3A_614 : i32 to index
        %parallel_loop3A_1106 = arith.constant 704 : index
        %parallel_loop3A_1107 = tpu.vector_load %arg8[%parallel_loop3A_1104, %parallel_loop3A_1105, %parallel_loop3A_1106] {strides = array<i32>} : memref<5x16x1024xf32, #tpu.memory_space<vmem>>, vector<1x1x16xf32>,
        %parallel_loop3A_1108 = vector.shape_cast %parallel_loop3A_1107 : vector<1x1x16xf32> to vector<16xf32>
        %parallel_loop3A_1109 = vector.shape_cast %parallel_loop3A_1103 : vector<16xf32> to vector<1x1x16xf32>
        tpu.vector_store %arg8[%parallel_loop3A_1104, %parallel_loop3A_1105, %parallel_loop3A_1106], %parallel_loop3A_1109 {add = true, strides = array<i32>} : memref<5x16x1024xf32, #tpu.memory_space<vmem>>, vector<1x1x16xf32>,
        %parallel_loop3A_1110 = arith.addi %mul3A_471, %parallel_loop3A_614 : i32
        %parallel_loop3A_1111 = arith.index_cast %parallel_loop3A_1110 : i32 to index
        %parallel_loop3A_1112 = arith.constant 720 : index
        %parallel_loop3A_1113 = tpu.vector_load %arg7[%parallel_loop3A_1111, %parallel_loop3A_1112] {strides = array<i32>} : memref<32x1024xf32, #tpu.memory_space<vmem>>, vector<1x16xf32>,
        %parallel_loop3A_1114 = vector.shape_cast %parallel_loop3A_1113 : vector<1x16xf32> to vector<16xf32>
        %parallel_loop3A_1115 = arith.index_cast %select_n3A_391 : i32 to index
        %parallel_loop3A_1116 = arith.index_cast %parallel_loop3A_614 : i32 to index
        %parallel_loop3A_1117 = arith.constant 720 : index
        %parallel_loop3A_1118 = tpu.vector_load %arg8[%parallel_loop3A_1115, %parallel_loop3A_1116, %parallel_loop3A_1117] {strides = array<i32>} : memref<5x16x1024xf32, #tpu.memory_space<vmem>>, vector<1x1x16xf32>,
        %parallel_loop3A_1119 = vector.shape_cast %parallel_loop3A_1118 : vector<1x1x16xf32> to vector<16xf32>
        %parallel_loop3A_1120 = vector.shape_cast %parallel_loop3A_1114 : vector<16xf32> to vector<1x1x16xf32>
        tpu.vector_store %arg8[%parallel_loop3A_1115, %parallel_loop3A_1116, %parallel_loop3A_1117], %parallel_loop3A_1120 {add = true, strides = array<i32>} : memref<5x16x1024xf32, #tpu.memory_space<vmem>>, vector<1x1x16xf32>,
        %parallel_loop3A_1121 = arith.addi %mul3A_471, %parallel_loop3A_614 : i32
        %parallel_loop3A_1122 = arith.index_cast %parallel_loop3A_1121 : i32 to index
        %parallel_loop3A_1123 = arith.constant 736 : index
        %parallel_loop3A_1124 = tpu.vector_load %arg7[%parallel_loop3A_1122, %parallel_loop3A_1123] {strides = array<i32>} : memref<32x1024xf32, #tpu.memory_space<vmem>>, vector<1x16xf32>,
        %parallel_loop3A_1125 = vector.shape_cast %parallel_loop3A_1124 : vector<1x16xf32> to vector<16xf32>
        %parallel_loop3A_1126 = arith.index_cast %select_n3A_391 : i32 to index
        %parallel_loop3A_1127 = arith.index_cast %parallel_loop3A_614 : i32 to index
        %parallel_loop3A_1128 = arith.constant 736 : index
        %parallel_loop3A_1129 = tpu.vector_load %arg8[%parallel_loop3A_1126, %parallel_loop3A_1127, %parallel_loop3A_1128] {strides = array<i32>} : memref<5x16x1024xf32, #tpu.memory_space<vmem>>, vector<1x1x16xf32>,
        %parallel_loop3A_1130 = vector.shape_cast %parallel_loop3A_1129 : vector<1x1x16xf32> to vector<16xf32>
        %parallel_loop3A_1131 = vector.shape_cast %parallel_loop3A_1125 : vector<16xf32> to vector<1x1x16xf32>
        tpu.vector_store %arg8[%parallel_loop3A_1126, %parallel_loop3A_1127, %parallel_loop3A_1128], %parallel_loop3A_1131 {add = true, strides = array<i32>} : memref<5x16x1024xf32, #tpu.memory_space<vmem>>, vector<1x1x16xf32>,
        %parallel_loop3A_1132 = arith.addi %mul3A_471, %parallel_loop3A_614 : i32
        %parallel_loop3A_1133 = arith.index_cast %parallel_loop3A_1132 : i32 to index
        %parallel_loop3A_1134 = arith.constant 752 : index
        %parallel_loop3A_1135 = tpu.vector_load %arg7[%parallel_loop3A_1133, %parallel_loop3A_1134] {strides = array<i32>} : memref<32x1024xf32, #tpu.memory_space<vmem>>, vector<1x16xf32>,
        %parallel_loop3A_1136 = vector.shape_cast %parallel_loop3A_1135 : vector<1x16xf32> to vector<16xf32>
        %parallel_loop3A_1137 = arith.index_cast %select_n3A_391 : i32 to index
        %parallel_loop3A_1138 = arith.index_cast %parallel_loop3A_614 : i32 to index
        %parallel_loop3A_1139 = arith.constant 752 : index
        %parallel_loop3A_1140 = tpu.vector_load %arg8[%parallel_loop3A_1137, %parallel_loop3A_1138, %parallel_loop3A_1139] {strides = array<i32>} : memref<5x16x1024xf32, #tpu.memory_space<vmem>>, vector<1x1x16xf32>,
        %parallel_loop3A_1141 = vector.shape_cast %parallel_loop3A_1140 : vector<1x1x16xf32> to vector<16xf32>
        %parallel_loop3A_1142 = vector.shape_cast %parallel_loop3A_1136 : vector<16xf32> to vector<1x1x16xf32>
        tpu.vector_store %arg8[%parallel_loop3A_1137, %parallel_loop3A_1138, %parallel_loop3A_1139], %parallel_loop3A_1142 {add = true, strides = array<i32>} : memref<5x16x1024xf32, #tpu.memory_space<vmem>>, vector<1x1x16xf32>,
        %parallel_loop3A_1143 = arith.addi %mul3A_471, %parallel_loop3A_614 : i32
        %parallel_loop3A_1144 = arith.index_cast %parallel_loop3A_1143 : i32 to index
        %parallel_loop3A_1145 = arith.constant 768 : index
        %parallel_loop3A_1146 = tpu.vector_load %arg7[%parallel_loop3A_1144, %parallel_loop3A_1145] {strides = array<i32>} : memref<32x1024xf32, #tpu.memory_space<vmem>>, vector<1x16xf32>,
        %parallel_loop3A_1147 = vector.shape_cast %parallel_loop3A_1146 : vector<1x16xf32> to vector<16xf32>
        %parallel_loop3A_1148 = arith.index_cast %select_n3A_391 : i32 to index
        %parallel_loop3A_1149 = arith.index_cast %parallel_loop3A_614 : i32 to index
        %parallel_loop3A_1150 = arith.constant 768 : index
        %parallel_loop3A_1151 = tpu.vector_load %arg8[%parallel_loop3A_1148, %parallel_loop3A_1149, %parallel_loop3A_1150] {strides = array<i32>} : memref<5x16x1024xf32, #tpu.memory_space<vmem>>, vector<1x1x16xf32>,
        %parallel_loop3A_1152 = vector.shape_cast %parallel_loop3A_1151 : vector<1x1x16xf32> to vector<16xf32>
        %parallel_loop3A_1153 = vector.shape_cast %parallel_loop3A_1147 : vector<16xf32> to vector<1x1x16xf32>
        tpu.vector_store %arg8[%parallel_loop3A_1148, %parallel_loop3A_1149, %parallel_loop3A_1150], %parallel_loop3A_1153 {add = true, strides = array<i32>} : memref<5x16x1024xf32, #tpu.memory_space<vmem>>, vector<1x1x16xf32>,
        %parallel_loop3A_1154 = arith.addi %mul3A_471, %parallel_loop3A_614 : i32
        %parallel_loop3A_1155 = arith.index_cast %parallel_loop3A_1154 : i32 to index
        %parallel_loop3A_1156 = arith.constant 784 : index
        %parallel_loop3A_1157 = tpu.vector_load %arg7[%parallel_loop3A_1155, %parallel_loop3A_1156] {strides = array<i32>} : memref<32x1024xf32, #tpu.memory_space<vmem>>, vector<1x16xf32>,
        %parallel_loop3A_1158 = vector.shape_cast %parallel_loop3A_1157 : vector<1x16xf32> to vector<16xf32>
        %parallel_loop3A_1159 = arith.index_cast %select_n3A_391 : i32 to index
        %parallel_loop3A_1160 = arith.index_cast %parallel_loop3A_614 : i32 to index
        %parallel_loop3A_1161 = arith.constant 784 : index
        %parallel_loop3A_1162 = tpu.vector_load %arg8[%parallel_loop3A_1159, %parallel_loop3A_1160, %parallel_loop3A_1161] {strides = array<i32>} : memref<5x16x1024xf32, #tpu.memory_space<vmem>>, vector<1x1x16xf32>,
        %parallel_loop3A_1163 = vector.shape_cast %parallel_loop3A_1162 : vector<1x1x16xf32> to vector<16xf32>
        %parallel_loop3A_1164 = vector.shape_cast %parallel_loop3A_1158 : vector<16xf32> to vector<1x1x16xf32>
        tpu.vector_store %arg8[%parallel_loop3A_1159, %parallel_loop3A_1160, %parallel_loop3A_1161], %parallel_loop3A_1164 {add = true, strides = array<i32>} : memref<5x16x1024xf32, #tpu.memory_space<vmem>>, vector<1x1x16xf32>,
        %parallel_loop3A_1165 = arith.addi %mul3A_471, %parallel_loop3A_614 : i32
        %parallel_loop3A_1166 = arith.index_cast %parallel_loop3A_1165 : i32 to index
        %parallel_loop3A_1167 = arith.constant 800 : index
        %parallel_loop3A_1168 = tpu.vector_load %arg7[%parallel_loop3A_1166, %parallel_loop3A_1167] {strides = array<i32>} : memref<32x1024xf32, #tpu.memory_space<vmem>>, vector<1x16xf32>,
        %parallel_loop3A_1169 = vector.shape_cast %parallel_loop3A_1168 : vector<1x16xf32> to vector<16xf32>
        %parallel_loop3A_1170 = arith.index_cast %select_n3A_391 : i32 to index
        %parallel_loop3A_1171 = arith.index_cast %parallel_loop3A_614 : i32 to index
        %parallel_loop3A_1172 = arith.constant 800 : index
        %parallel_loop3A_1173 = tpu.vector_load %arg8[%parallel_loop3A_1170, %parallel_loop3A_1171, %parallel_loop3A_1172] {strides = array<i32>} : memref<5x16x1024xf32, #tpu.memory_space<vmem>>, vector<1x1x16xf32>,
        %parallel_loop3A_1174 = vector.shape_cast %parallel_loop3A_1173 : vector<1x1x16xf32> to vector<16xf32>
        %parallel_loop3A_1175 = vector.shape_cast %parallel_loop3A_1169 : vector<16xf32> to vector<1x1x16xf32>
        tpu.vector_store %arg8[%parallel_loop3A_1170, %parallel_loop3A_1171, %parallel_loop3A_1172], %parallel_loop3A_1175 {add = true, strides = array<i32>} : memref<5x16x1024xf32, #tpu.memory_space<vmem>>, vector<1x1x16xf32>,
        %parallel_loop3A_1176 = arith.addi %mul3A_471, %parallel_loop3A_614 : i32
        %parallel_loop3A_1177 = arith.index_cast %parallel_loop3A_1176 : i32 to index
        %parallel_loop3A_1178 = arith.constant 816 : index
        %parallel_loop3A_1179 = tpu.vector_load %arg7[%parallel_loop3A_1177, %parallel_loop3A_1178] {strides = array<i32>} : memref<32x1024xf32, #tpu.memory_space<vmem>>, vector<1x16xf32>,
        %parallel_loop3A_1180 = vector.shape_cast %parallel_loop3A_1179 : vector<1x16xf32> to vector<16xf32>
        %parallel_loop3A_1181 = arith.index_cast %select_n3A_391 : i32 to index
        %parallel_loop3A_1182 = arith.index_cast %parallel_loop3A_614 : i32 to index
        %parallel_loop3A_1183 = arith.constant 816 : index
        %parallel_loop3A_1184 = tpu.vector_load %arg8[%parallel_loop3A_1181, %parallel_loop3A_1182, %parallel_loop3A_1183] {strides = array<i32>} : memref<5x16x1024xf32, #tpu.memory_space<vmem>>, vector<1x1x16xf32>,
        %parallel_loop3A_1185 = vector.shape_cast %parallel_loop3A_1184 : vector<1x1x16xf32> to vector<16xf32>
        %parallel_loop3A_1186 = vector.shape_cast %parallel_loop3A_1180 : vector<16xf32> to vector<1x1x16xf32>
        tpu.vector_store %arg8[%parallel_loop3A_1181, %parallel_loop3A_1182, %parallel_loop3A_1183], %parallel_loop3A_1186 {add = true, strides = array<i32>} : memref<5x16x1024xf32, #tpu.memory_space<vmem>>, vector<1x1x16xf32>,
        %parallel_loop3A_1187 = arith.addi %mul3A_471, %parallel_loop3A_614 : i32
        %parallel_loop3A_1188 = arith.index_cast %parallel_loop3A_1187 : i32 to index
        %parallel_loop3A_1189 = arith.constant 832 : index
        %parallel_loop3A_1190 = tpu.vector_load %arg7[%parallel_loop3A_1188, %parallel_loop3A_1189] {strides = array<i32>} : memref<32x1024xf32, #tpu.memory_space<vmem>>, vector<1x16xf32>,
        %parallel_loop3A_1191 = vector.shape_cast %parallel_loop3A_1190 : vector<1x16xf32> to vector<16xf32>
        %parallel_loop3A_1192 = arith.index_cast %select_n3A_391 : i32 to index
        %parallel_loop3A_1193 = arith.index_cast %parallel_loop3A_614 : i32 to index
        %parallel_loop3A_1194 = arith.constant 832 : index
        %parallel_loop3A_1195 = tpu.vector_load %arg8[%parallel_loop3A_1192, %parallel_loop3A_1193, %parallel_loop3A_1194] {strides = array<i32>} : memref<5x16x1024xf32, #tpu.memory_space<vmem>>, vector<1x1x16xf32>,
        %parallel_loop3A_1196 = vector.shape_cast %parallel_loop3A_1195 : vector<1x1x16xf32> to vector<16xf32>
        %parallel_loop3A_1197 = vector.shape_cast %parallel_loop3A_1191 : vector<16xf32> to vector<1x1x16xf32>
        tpu.vector_store %arg8[%parallel_loop3A_1192, %parallel_loop3A_1193, %parallel_loop3A_1194], %parallel_loop3A_1197 {add = true, strides = array<i32>} : memref<5x16x1024xf32, #tpu.memory_space<vmem>>, vector<1x1x16xf32>,
        %parallel_loop3A_1198 = arith.addi %mul3A_471, %parallel_loop3A_614 : i32
        %parallel_loop3A_1199 = arith.index_cast %parallel_loop3A_1198 : i32 to index
        %parallel_loop3A_1200 = arith.constant 848 : index
        %parallel_loop3A_1201 = tpu.vector_load %arg7[%parallel_loop3A_1199, %parallel_loop3A_1200] {strides = array<i32>} : memref<32x1024xf32, #tpu.memory_space<vmem>>, vector<1x16xf32>,
        %parallel_loop3A_1202 = vector.shape_cast %parallel_loop3A_1201 : vector<1x16xf32> to vector<16xf32>
        %parallel_loop3A_1203 = arith.index_cast %select_n3A_391 : i32 to index
        %parallel_loop3A_1204 = arith.index_cast %parallel_loop3A_614 : i32 to index
        %parallel_loop3A_1205 = arith.constant 848 : index
        %parallel_loop3A_1206 = tpu.vector_load %arg8[%parallel_loop3A_1203, %parallel_loop3A_1204, %parallel_loop3A_1205] {strides = array<i32>} : memref<5x16x1024xf32, #tpu.memory_space<vmem>>, vector<1x1x16xf32>,
        %parallel_loop3A_1207 = vector.shape_cast %parallel_loop3A_1206 : vector<1x1x16xf32> to vector<16xf32>
        %parallel_loop3A_1208 = vector.shape_cast %parallel_loop3A_1202 : vector<16xf32> to vector<1x1x16xf32>
        tpu.vector_store %arg8[%parallel_loop3A_1203, %parallel_loop3A_1204, %parallel_loop3A_1205], %parallel_loop3A_1208 {add = true, strides = array<i32>} : memref<5x16x1024xf32, #tpu.memory_space<vmem>>, vector<1x1x16xf32>,
        %parallel_loop3A_1209 = arith.addi %mul3A_471, %parallel_loop3A_614 : i32
        %parallel_loop3A_1210 = arith.index_cast %parallel_loop3A_1209 : i32 to index
        %parallel_loop3A_1211 = arith.constant 864 : index
        %parallel_loop3A_1212 = tpu.vector_load %arg7[%parallel_loop3A_1210, %parallel_loop3A_1211] {strides = array<i32>} : memref<32x1024xf32, #tpu.memory_space<vmem>>, vector<1x16xf32>,
        %parallel_loop3A_1213 = vector.shape_cast %parallel_loop3A_1212 : vector<1x16xf32> to vector<16xf32>
        %parallel_loop3A_1214 = arith.index_cast %select_n3A_391 : i32 to index
        %parallel_loop3A_1215 = arith.index_cast %parallel_loop3A_614 : i32 to index
        %parallel_loop3A_1216 = arith.constant 864 : index
        %parallel_loop3A_1217 = tpu.vector_load %arg8[%parallel_loop3A_1214, %parallel_loop3A_1215, %parallel_loop3A_1216] {strides = array<i32>} : memref<5x16x1024xf32, #tpu.memory_space<vmem>>, vector<1x1x16xf32>,
        %parallel_loop3A_1218 = vector.shape_cast %parallel_loop3A_1217 : vector<1x1x16xf32> to vector<16xf32>
        %parallel_loop3A_1219 = vector.shape_cast %parallel_loop3A_1213 : vector<16xf32> to vector<1x1x16xf32>
        tpu.vector_store %arg8[%parallel_loop3A_1214, %parallel_loop3A_1215, %parallel_loop3A_1216], %parallel_loop3A_1219 {add = true, strides = array<i32>} : memref<5x16x1024xf32, #tpu.memory_space<vmem>>, vector<1x1x16xf32>,
        %parallel_loop3A_1220 = arith.addi %mul3A_471, %parallel_loop3A_614 : i32
        %parallel_loop3A_1221 = arith.index_cast %parallel_loop3A_1220 : i32 to index
        %parallel_loop3A_1222 = arith.constant 880 : index
        %parallel_loop3A_1223 = tpu.vector_load %arg7[%parallel_loop3A_1221, %parallel_loop3A_1222] {strides = array<i32>} : memref<32x1024xf32, #tpu.memory_space<vmem>>, vector<1x16xf32>,
        %parallel_loop3A_1224 = vector.shape_cast %parallel_loop3A_1223 : vector<1x16xf32> to vector<16xf32>
        %parallel_loop3A_1225 = arith.index_cast %select_n3A_391 : i32 to index
        %parallel_loop3A_1226 = arith.index_cast %parallel_loop3A_614 : i32 to index
        %parallel_loop3A_1227 = arith.constant 880 : index
        %parallel_loop3A_1228 = tpu.vector_load %arg8[%parallel_loop3A_1225, %parallel_loop3A_1226, %parallel_loop3A_1227] {strides = array<i32>} : memref<5x16x1024xf32, #tpu.memory_space<vmem>>, vector<1x1x16xf32>,
        %parallel_loop3A_1229 = vector.shape_cast %parallel_loop3A_1228 : vector<1x1x16xf32> to vector<16xf32>
        %parallel_loop3A_1230 = vector.shape_cast %parallel_loop3A_1224 : vector<16xf32> to vector<1x1x16xf32>
        tpu.vector_store %arg8[%parallel_loop3A_1225, %parallel_loop3A_1226, %parallel_loop3A_1227], %parallel_loop3A_1230 {add = true, strides = array<i32>} : memref<5x16x1024xf32, #tpu.memory_space<vmem>>, vector<1x1x16xf32>,
        %parallel_loop3A_1231 = arith.addi %mul3A_471, %parallel_loop3A_614 : i32
        %parallel_loop3A_1232 = arith.index_cast %parallel_loop3A_1231 : i32 to index
        %parallel_loop3A_1233 = arith.constant 896 : index
        %parallel_loop3A_1234 = tpu.vector_load %arg7[%parallel_loop3A_1232, %parallel_loop3A_1233] {strides = array<i32>} : memref<32x1024xf32, #tpu.memory_space<vmem>>, vector<1x16xf32>,
        %parallel_loop3A_1235 = vector.shape_cast %parallel_loop3A_1234 : vector<1x16xf32> to vector<16xf32>
        %parallel_loop3A_1236 = arith.index_cast %select_n3A_391 : i32 to index
        %parallel_loop3A_1237 = arith.index_cast %parallel_loop3A_614 : i32 to index
        %parallel_loop3A_1238 = arith.constant 896 : index
        %parallel_loop3A_1239 = tpu.vector_load %arg8[%parallel_loop3A_1236, %parallel_loop3A_1237, %parallel_loop3A_1238] {strides = array<i32>} : memref<5x16x1024xf32, #tpu.memory_space<vmem>>, vector<1x1x16xf32>,
        %parallel_loop3A_1240 = vector.shape_cast %parallel_loop3A_1239 : vector<1x1x16xf32> to vector<16xf32>
        %parallel_loop3A_1241 = vector.shape_cast %parallel_loop3A_1235 : vector<16xf32> to vector<1x1x16xf32>
        tpu.vector_store %arg8[%parallel_loop3A_1236, %parallel_loop3A_1237, %parallel_loop3A_1238], %parallel_loop3A_1241 {add = true, strides = array<i32>} : memref<5x16x1024xf32, #tpu.memory_space<vmem>>, vector<1x1x16xf32>,
        %parallel_loop3A_1242 = arith.addi %mul3A_471, %parallel_loop3A_614 : i32
        %parallel_loop3A_1243 = arith.index_cast %parallel_loop3A_1242 : i32 to index
        %parallel_loop3A_1244 = arith.constant 912 : index
        %parallel_loop3A_1245 = tpu.vector_load %arg7[%parallel_loop3A_1243, %parallel_loop3A_1244] {strides = array<i32>} : memref<32x1024xf32, #tpu.memory_space<vmem>>, vector<1x16xf32>,
        %parallel_loop3A_1246 = vector.shape_cast %parallel_loop3A_1245 : vector<1x16xf32> to vector<16xf32>
        %parallel_loop3A_1247 = arith.index_cast %select_n3A_391 : i32 to index
        %parallel_loop3A_1248 = arith.index_cast %parallel_loop3A_614 : i32 to index
        %parallel_loop3A_1249 = arith.constant 912 : index
        %parallel_loop3A_1250 = tpu.vector_load %arg8[%parallel_loop3A_1247, %parallel_loop3A_1248, %parallel_loop3A_1249] {strides = array<i32>} : memref<5x16x1024xf32, #tpu.memory_space<vmem>>, vector<1x1x16xf32>,
        %parallel_loop3A_1251 = vector.shape_cast %parallel_loop3A_1250 : vector<1x1x16xf32> to vector<16xf32>
        %parallel_loop3A_1252 = vector.shape_cast %parallel_loop3A_1246 : vector<16xf32> to vector<1x1x16xf32>
        tpu.vector_store %arg8[%parallel_loop3A_1247, %parallel_loop3A_1248, %parallel_loop3A_1249], %parallel_loop3A_1252 {add = true, strides = array<i32>} : memref<5x16x1024xf32, #tpu.memory_space<vmem>>, vector<1x1x16xf32>,
        %parallel_loop3A_1253 = arith.addi %mul3A_471, %parallel_loop3A_614 : i32
        %parallel_loop3A_1254 = arith.index_cast %parallel_loop3A_1253 : i32 to index
        %parallel_loop3A_1255 = arith.constant 928 : index
        %parallel_loop3A_1256 = tpu.vector_load %arg7[%parallel_loop3A_1254, %parallel_loop3A_1255] {strides = array<i32>} : memref<32x1024xf32, #tpu.memory_space<vmem>>, vector<1x16xf32>,
        %parallel_loop3A_1257 = vector.shape_cast %parallel_loop3A_1256 : vector<1x16xf32> to vector<16xf32>
        %parallel_loop3A_1258 = arith.index_cast %select_n3A_391 : i32 to index
        %parallel_loop3A_1259 = arith.index_cast %parallel_loop3A_614 : i32 to index
        %parallel_loop3A_1260 = arith.constant 928 : index
        %parallel_loop3A_1261 = tpu.vector_load %arg8[%parallel_loop3A_1258, %parallel_loop3A_1259, %parallel_loop3A_1260] {strides = array<i32>} : memref<5x16x1024xf32, #tpu.memory_space<vmem>>, vector<1x1x16xf32>,
        %parallel_loop3A_1262 = vector.shape_cast %parallel_loop3A_1261 : vector<1x1x16xf32> to vector<16xf32>
        %parallel_loop3A_1263 = vector.shape_cast %parallel_loop3A_1257 : vector<16xf32> to vector<1x1x16xf32>
        tpu.vector_store %arg8[%parallel_loop3A_1258, %parallel_loop3A_1259, %parallel_loop3A_1260], %parallel_loop3A_1263 {add = true, strides = array<i32>} : memref<5x16x1024xf32, #tpu.memory_space<vmem>>, vector<1x1x16xf32>,
        %parallel_loop3A_1264 = arith.addi %mul3A_471, %parallel_loop3A_614 : i32
        %parallel_loop3A_1265 = arith.index_cast %parallel_loop3A_1264 : i32 to index
        %parallel_loop3A_1266 = arith.constant 944 : index
        %parallel_loop3A_1267 = tpu.vector_load %arg7[%parallel_loop3A_1265, %parallel_loop3A_1266] {strides = array<i32>} : memref<32x1024xf32, #tpu.memory_space<vmem>>, vector<1x16xf32>,
        %parallel_loop3A_1268 = vector.shape_cast %parallel_loop3A_1267 : vector<1x16xf32> to vector<16xf32>
        %parallel_loop3A_1269 = arith.index_cast %select_n3A_391 : i32 to index
        %parallel_loop3A_1270 = arith.index_cast %parallel_loop3A_614 : i32 to index
        %parallel_loop3A_1271 = arith.constant 944 : index
        %parallel_loop3A_1272 = tpu.vector_load %arg8[%parallel_loop3A_1269, %parallel_loop3A_1270, %parallel_loop3A_1271] {strides = array<i32>} : memref<5x16x1024xf32, #tpu.memory_space<vmem>>, vector<1x1x16xf32>,
        %parallel_loop3A_1273 = vector.shape_cast %parallel_loop3A_1272 : vector<1x1x16xf32> to vector<16xf32>
        %parallel_loop3A_1274 = vector.shape_cast %parallel_loop3A_1268 : vector<16xf32> to vector<1x1x16xf32>
        tpu.vector_store %arg8[%parallel_loop3A_1269, %parallel_loop3A_1270, %parallel_loop3A_1271], %parallel_loop3A_1274 {add = true, strides = array<i32>} : memref<5x16x1024xf32, #tpu.memory_space<vmem>>, vector<1x1x16xf32>,
        %parallel_loop3A_1275 = arith.addi %mul3A_471, %parallel_loop3A_614 : i32
        %parallel_loop3A_1276 = arith.index_cast %parallel_loop3A_1275 : i32 to index
        %parallel_loop3A_1277 = arith.constant 960 : index
        %parallel_loop3A_1278 = tpu.vector_load %arg7[%parallel_loop3A_1276, %parallel_loop3A_1277] {strides = array<i32>} : memref<32x1024xf32, #tpu.memory_space<vmem>>, vector<1x16xf32>,
        %parallel_loop3A_1279 = vector.shape_cast %parallel_loop3A_1278 : vector<1x16xf32> to vector<16xf32>
        %parallel_loop3A_1280 = arith.index_cast %select_n3A_391 : i32 to index
        %parallel_loop3A_1281 = arith.index_cast %parallel_loop3A_614 : i32 to index
        %parallel_loop3A_1282 = arith.constant 960 : index
        %parallel_loop3A_1283 = tpu.vector_load %arg8[%parallel_loop3A_1280, %parallel_loop3A_1281, %parallel_loop3A_1282] {strides = array<i32>} : memref<5x16x1024xf32, #tpu.memory_space<vmem>>, vector<1x1x16xf32>,
        %parallel_loop3A_1284 = vector.shape_cast %parallel_loop3A_1283 : vector<1x1x16xf32> to vector<16xf32>
        %parallel_loop3A_1285 = vector.shape_cast %parallel_loop3A_1279 : vector<16xf32> to vector<1x1x16xf32>
        tpu.vector_store %arg8[%parallel_loop3A_1280, %parallel_loop3A_1281, %parallel_loop3A_1282], %parallel_loop3A_1285 {add = true, strides = array<i32>} : memref<5x16x1024xf32, #tpu.memory_space<vmem>>, vector<1x1x16xf32>,
        %parallel_loop3A_1286 = arith.addi %mul3A_471, %parallel_loop3A_614 : i32
        %parallel_loop3A_1287 = arith.index_cast %parallel_loop3A_1286 : i32 to index
        %parallel_loop3A_1288 = arith.constant 976 : index
        %parallel_loop3A_1289 = tpu.vector_load %arg7[%parallel_loop3A_1287, %parallel_loop3A_1288] {strides = array<i32>} : memref<32x1024xf32, #tpu.memory_space<vmem>>, vector<1x16xf32>,
        %parallel_loop3A_1290 = vector.shape_cast %parallel_loop3A_1289 : vector<1x16xf32> to vector<16xf32>
        %parallel_loop3A_1291 = arith.index_cast %select_n3A_391 : i32 to index
        %parallel_loop3A_1292 = arith.index_cast %parallel_loop3A_614 : i32 to index
        %parallel_loop3A_1293 = arith.constant 976 : index
        %parallel_loop3A_1294 = tpu.vector_load %arg8[%parallel_loop3A_1291, %parallel_loop3A_1292, %parallel_loop3A_1293] {strides = array<i32>} : memref<5x16x1024xf32, #tpu.memory_space<vmem>>, vector<1x1x16xf32>,
        %parallel_loop3A_1295 = vector.shape_cast %parallel_loop3A_1294 : vector<1x1x16xf32> to vector<16xf32>
        %parallel_loop3A_1296 = vector.shape_cast %parallel_loop3A_1290 : vector<16xf32> to vector<1x1x16xf32>
        tpu.vector_store %arg8[%parallel_loop3A_1291, %parallel_loop3A_1292, %parallel_loop3A_1293], %parallel_loop3A_1296 {add = true, strides = array<i32>} : memref<5x16x1024xf32, #tpu.memory_space<vmem>>, vector<1x1x16xf32>,
        %parallel_loop3A_1297 = arith.addi %mul3A_471, %parallel_loop3A_614 : i32
        %parallel_loop3A_1298 = arith.index_cast %parallel_loop3A_1297 : i32 to index
        %parallel_loop3A_1299 = arith.constant 992 : index
        %parallel_loop3A_1300 = tpu.vector_load %arg7[%parallel_loop3A_1298, %parallel_loop3A_1299] {strides = array<i32>} : memref<32x1024xf32, #tpu.memory_space<vmem>>, vector<1x16xf32>,
        %parallel_loop3A_1301 = vector.shape_cast %parallel_loop3A_1300 : vector<1x16xf32> to vector<16xf32>
        %parallel_loop3A_1302 = arith.index_cast %select_n3A_391 : i32 to index
        %parallel_loop3A_1303 = arith.index_cast %parallel_loop3A_614 : i32 to index
        %parallel_loop3A_1304 = arith.constant 992 : index
        %parallel_loop3A_1305 = tpu.vector_load %arg8[%parallel_loop3A_1302, %parallel_loop3A_1303, %parallel_loop3A_1304] {strides = array<i32>} : memref<5x16x1024xf32, #tpu.memory_space<vmem>>, vector<1x1x16xf32>,
        %parallel_loop3A_1306 = vector.shape_cast %parallel_loop3A_1305 : vector<1x1x16xf32> to vector<16xf32>
        %parallel_loop3A_1307 = vector.shape_cast %parallel_loop3A_1301 : vector<16xf32> to vector<1x1x16xf32>
        tpu.vector_store %arg8[%parallel_loop3A_1302, %parallel_loop3A_1303, %parallel_loop3A_1304], %parallel_loop3A_1307 {add = true, strides = array<i32>} : memref<5x16x1024xf32, #tpu.memory_space<vmem>>, vector<1x1x16xf32>,
        %parallel_loop3A_1308 = arith.addi %mul3A_471, %parallel_loop3A_614 : i32
        %parallel_loop3A_1309 = arith.index_cast %parallel_loop3A_1308 : i32 to index
        %parallel_loop3A_1310 = arith.constant 1008 : index
        %parallel_loop3A_1311 = tpu.vector_load %arg7[%parallel_loop3A_1309, %parallel_loop3A_1310] {strides = array<i32>} : memref<32x1024xf32, #tpu.memory_space<vmem>>, vector<1x16xf32>,
        %parallel_loop3A_1312 = vector.shape_cast %parallel_loop3A_1311 : vector<1x16xf32> to vector<16xf32>
        %parallel_loop3A_1313 = arith.index_cast %select_n3A_391 : i32 to index
        %parallel_loop3A_1314 = arith.index_cast %parallel_loop3A_614 : i32 to index
        %parallel_loop3A_1315 = arith.constant 1008 : index
        %parallel_loop3A_1316 = tpu.vector_load %arg8[%parallel_loop3A_1313, %parallel_loop3A_1314, %parallel_loop3A_1315] {strides = array<i32>} : memref<5x16x1024xf32, #tpu.memory_space<vmem>>, vector<1x1x16xf32>,
        %parallel_loop3A_1317 = vector.shape_cast %parallel_loop3A_1316 : vector<1x1x16xf32> to vector<16xf32>
        %parallel_loop3A_1318 = vector.shape_cast %parallel_loop3A_1312 : vector<16xf32> to vector<1x1x16xf32>
        tpu.vector_store %arg8[%parallel_loop3A_1313, %parallel_loop3A_1314, %parallel_loop3A_1315], %parallel_loop3A_1318 {add = true, strides = array<i32>} : memref<5x16x1024xf32, #tpu.memory_space<vmem>>, vector<1x1x16xf32>,
      } {sc.loop_unroll_factor = 2 : i64, sc.parallel_access}
      %jit3A_474 = arith.constant 8 : i32
      %div3A_475 = arith.divsi %scan3A_244, %jit3A_474 : i32
      %sign3A_476 = arith.constant 0 : i32
      %sign3A_477 = arith.cmpi sgt, %scan3A_244, %sign3A_476 : i32
      %sign3A_478 = arith.extui %sign3A_477 : i1 to i32
      %sign3A_479 = arith.constant 0 : i32
      %sign3A_480 = arith.cmpi slt, %scan3A_244, %sign3A_479 : i32
      %sign3A_481 = arith.extui %sign3A_480 : i1 to i32
      %sign3A_482 = arith.subi %sign3A_478, %sign3A_481 : i32
      %sign3A_483 = arith.constant 0 : i32
      %sign3A_484 = arith.cmpi sgt, %jit3A_474, %sign3A_483 : i32
      %sign3A_485 = arith.extui %sign3A_484 : i1 to i32
      %sign3A_486 = arith.constant 0 : i32
      %sign3A_487 = arith.cmpi slt, %jit3A_474, %sign3A_486 : i32
      %sign3A_488 = arith.extui %sign3A_487 : i1 to i32
      %sign3A_489 = arith.subi %sign3A_485, %sign3A_488 : i32
      %ne3A_490 = arith.cmpi ne, %sign3A_482, %sign3A_489 : i32
      %rem3A_491 = arith.remsi %scan3A_244, %jit3A_474 : i32
      %ne3A_492 = arith.constant 0 : i32
      %ne3A_493 = arith.cmpi ne, %rem3A_491, %ne3A_492 : i32
      %and3A_494 = arith.andi %ne3A_490, %ne3A_493 : i1
      %sub3A_495 = arith.constant 1 : i32
      %sub3A_496 = arith.subi %div3A_475, %sub3A_495 : i32
      %select_n3A_497 = arith.select %and3A_494, %sub3A_496, %div3A_475 : i32
      %eq3A_498 = arith.constant 0 : i32
      %eq3A_499 = arith.cmpi eq, %jit3A_474, %eq3A_498 : i32
      %jit3A_500 = arith.constant 1 : i32
      %select_n3A_501 = arith.select %eq3A_499, %jit3A_500, %jit3A_474 : i32
      %rem3A_502 = arith.remsi %scan3A_244, %select_n3A_501 : i32
      %ne3A_503 = arith.constant 0 : i32
      %ne3A_504 = arith.cmpi ne, %rem3A_502, %ne3A_503 : i32
      %lt3A_505 = arith.constant 0 : i32
      %lt3A_506 = arith.cmpi slt, %rem3A_502, %lt3A_505 : i32
      %lt3A_507 = arith.constant 0 : i32
      %lt3A_508 = arith.cmpi slt, %select_n3A_501, %lt3A_507 : i32
      %ne3A_509 = arith.xori %lt3A_506, %lt3A_508 : i1
      %and3A_510 = arith.andi %ne3A_509, %ne3A_504 : i1
      %add3A_511 = arith.addi %rem3A_502, %select_n3A_501 : i32
      %select_n3A_512 = arith.select %and3A_510, %add3A_511, %rem3A_502 : i32
      %jit3A_513 = arith.constant 2 : i32
      %div3A_514 = arith.divsi %select_n3A_512, %jit3A_513 : i32
      %sign3A_515 = arith.constant 0 : i32
      %sign3A_516 = arith.cmpi sgt, %select_n3A_512, %sign3A_515 : i32
      %sign3A_517 = arith.extui %sign3A_516 : i1 to i32
      %sign3A_518 = arith.constant 0 : i32
      %sign3A_519 = arith.cmpi slt, %select_n3A_512, %sign3A_518 : i32
      %sign3A_520 = arith.extui %sign3A_519 : i1 to i32
      %sign3A_521 = arith.subi %sign3A_517, %sign3A_520 : i32
      %sign3A_522 = arith.constant 0 : i32
      %sign3A_523 = arith.cmpi sgt, %jit3A_513, %sign3A_522 : i32
      %sign3A_524 = arith.extui %sign3A_523 : i1 to i32
      %sign3A_525 = arith.constant 0 : i32
      %sign3A_526 = arith.cmpi slt, %jit3A_513, %sign3A_525 : i32
      %sign3A_527 = arith.extui %sign3A_526 : i1 to i32
      %sign3A_528 = arith.subi %sign3A_524, %sign3A_527 : i32
      %ne3A_529 = arith.cmpi ne, %sign3A_521, %sign3A_528 : i32
      %rem3A_530 = arith.remsi %select_n3A_512, %jit3A_513 : i32
      %ne3A_531 = arith.constant 0 : i32
      %ne3A_532 = arith.cmpi ne, %rem3A_530, %ne3A_531 : i32
      %and3A_533 = arith.andi %ne3A_529, %ne3A_532 : i1
      %sub3A_534 = arith.constant 1 : i32
      %sub3A_535 = arith.subi %div3A_514, %sub3A_534 : i32
      %select_n3A_536 = arith.select %and3A_533, %sub3A_535, %div3A_514 : i32
      %eq3A_537 = arith.constant 0 : i32
      %eq3A_538 = arith.cmpi eq, %jit3A_513, %eq3A_537 : i32
      %jit3A_539 = arith.constant 1 : i32
      %select_n3A_540 = arith.select %eq3A_538, %jit3A_539, %jit3A_513 : i32
      %rem3A_541 = arith.remsi %select_n3A_512, %select_n3A_540 : i32
      %ne3A_542 = arith.constant 0 : i32
      %ne3A_543 = arith.cmpi ne, %rem3A_541, %ne3A_542 : i32
      %lt3A_544 = arith.constant 0 : i32
      %lt3A_545 = arith.cmpi slt, %rem3A_541, %lt3A_544 : i32
      %lt3A_546 = arith.constant 0 : i32
      %lt3A_547 = arith.cmpi slt, %select_n3A_540, %lt3A_546 : i32
      %ne3A_548 = arith.xori %lt3A_545, %lt3A_547 : i1
      %and3A_549 = arith.andi %ne3A_548, %ne3A_543 : i1
      %add3A_550 = arith.addi %rem3A_541, %select_n3A_540 : i32
      %select_n3A_551 = arith.select %and3A_549, %add3A_550, %rem3A_541 : i32
      %jit3A_552 = arith.constant 5 : i32
      %eq3A_553 = arith.constant 0 : i32
      %eq3A_554 = arith.cmpi eq, %jit3A_552, %eq3A_553 : i32
      %jit3A_555 = arith.constant 1 : i32
      %select_n3A_556 = arith.select %eq3A_554, %jit3A_555, %jit3A_552 : i32
      %rem3A_557 = arith.remsi %scan3A_244, %select_n3A_556 : i32
      %ne3A_558 = arith.constant 0 : i32
      %ne3A_559 = arith.cmpi ne, %rem3A_557, %ne3A_558 : i32
      %lt3A_560 = arith.constant 0 : i32
      %lt3A_561 = arith.cmpi slt, %rem3A_557, %lt3A_560 : i32
      %lt3A_562 = arith.constant 0 : i32
      %lt3A_563 = arith.cmpi slt, %select_n3A_556, %lt3A_562 : i32
      %ne3A_564 = arith.xori %lt3A_561, %lt3A_563 : i1
      %and3A_565 = arith.andi %ne3A_564, %ne3A_559 : i1
      %add3A_566 = arith.addi %rem3A_557, %select_n3A_556 : i32
      %select_n3A_567 = arith.select %and3A_565, %add3A_566, %rem3A_557 : i32
      %mul3A_568 = arith.constant 32 : i32
      %mul3A_569 = arith.muli %select_n3A_497, %mul3A_568 : i32
      %add3A_570 = arith.addi %mul3A_2, %mul3A_569 : i32
      %mul3A_571 = arith.constant 16 : i32
      %mul3A_572 = arith.muli %select_n3A_551, %mul3A_571 : i32
      %add3A_573 = arith.addi %add3A_570, %mul3A_572 : i32
      %dma_start3A_574 = arith.constant 0 : i32
      %dma_start3A_575 = arith.constant 0 : i32
      %dma_start3A_576 = tpu.memref_slice %arg8[%select_n3A_567, %dma_start3A_574, %dma_start3A_575] : memref<5x16x1024xf32, #tpu.memory_space<vmem>> -> memref<1x16x1024xf32, #tpu.memory_space<vmem>>
      %dma_start3A_577 = tpu.memref_squeeze %dma_start3A_576 : memref<1x16x1024xf32, #tpu.memory_space<vmem>> -> memref<16x1024xf32, #tpu.memory_space<vmem>>
      %dma_start3A_578 = arith.constant 0 : i32
      %dma_start3A_579 = tpu.memref_slice %arg5[%select_n3A_536, %add3A_573, %dma_start3A_578] : memref<4x2048x1024xf32, #tpu.memory_space<hbm>> -> memref<1x16x1024xf32, #tpu.memory_space<hbm>>
      %dma_start3A_580 = tpu.memref_squeeze %dma_start3A_579 : memref<1x16x1024xf32, #tpu.memory_space<hbm>> -> memref<16x1024xf32, #tpu.memory_space<hbm>>
      %dma_start3A_581 = arith.constant 0 : i32
      %dma_start3A_582 = tpu.memref_slice %arg5[%select_n3A_536, %add3A_573, %dma_start3A_581] : memref<4x2048x1024xf32, #tpu.memory_space<hbm>> -> memref<1x16x1024xf32, #tpu.memory_space<hbm>>
      %dma_start3A_583 = tpu.memref_squeeze %dma_start3A_582 : memref<1x16x1024xf32, #tpu.memory_space<hbm>> -> memref<16x1024xf32, #tpu.memory_space<hbm>>
      %dma_start3A_584 = arith.constant 0 : i32
      %dma_start3A_585 = arith.constant 0 : i32
      %dma_start3A_586 = tpu.memref_slice %arg8[%select_n3A_567, %dma_start3A_584, %dma_start3A_585] : memref<5x16x1024xf32, #tpu.memory_space<vmem>> -> memref<1x16x1024xf32, #tpu.memory_space<vmem>>
      %dma_start3A_587 = tpu.memref_squeeze %dma_start3A_586 : memref<1x16x1024xf32, #tpu.memory_space<vmem>> -> memref<16x1024xf32, #tpu.memory_space<vmem>>
      tpu.enqueue_dma source(%dma_start3A_587 : memref<16x1024xf32, #tpu.memory_space<vmem>>) target(%dma_start3A_583 : memref<16x1024xf32, #tpu.memory_space<hbm>>) target_semaphore(%arg10 : memref<!tpu.dma_semaphore, #tpu.memory_space<semaphore_mem>>)
      %jit3A_588 = arith.constant 8 : i32
      %eq3A_589 = arith.constant 0 : i32
      %eq3A_590 = arith.cmpi eq, %jit3A_588, %eq3A_589 : i32
      %jit3A_591 = arith.constant 1 : i32
      %select_n3A_592 = arith.select %eq3A_590, %jit3A_591, %jit3A_588 : i32
      %rem3A_593 = arith.remsi %scan3A_244, %select_n3A_592 : i32
      %ne3A_594 = arith.constant 0 : i32
      %ne3A_595 = arith.cmpi ne, %rem3A_593, %ne3A_594 : i32
      %lt3A_596 = arith.constant 0 : i32
      %lt3A_597 = arith.cmpi slt, %rem3A_593, %lt3A_596 : i32
      %lt3A_598 = arith.constant 0 : i32
      %lt3A_599 = arith.cmpi slt, %select_n3A_592, %lt3A_598 : i32
      %ne3A_600 = arith.xori %lt3A_597, %lt3A_599 : i1
      %and3A_601 = arith.andi %ne3A_600, %ne3A_595 : i1
      %add3A_602 = arith.addi %rem3A_593, %select_n3A_592 : i32
      %select_n3A_603 = arith.select %and3A_601, %add3A_602, %rem3A_593 : i32
      %eq3A_604 = arith.constant 7 : i32
      %eq3A_605 = arith.cmpi eq, %select_n3A_603, %eq3A_604 : i32
      %add3A_606 = arith.constant 1 : i32
      %add3A_607 = arith.addi %scan3A_244, %add3A_606 : i32
      %lt3A_608 = arith.constant 16 : i32
      %lt3A_609 = arith.cmpi slt, %add3A_607, %lt3A_608 : i32
      %and3A_610 = arith.andi %eq3A_605, %lt3A_609 : i1
      %convert_element_type3A_611 = arith.extui %and3A_610 : i1 to i32
      %cond3A_612 = arith.constant 0 : i32
      %cond3A_613 = arith.cmpi ne, %convert_element_type3A_611, %cond3A_612 : i32
      scf.if %cond3A_613 {
        %jit3A_614 = arith.constant 8 : i32
        %div3A_615 = arith.divsi %scan3A_244, %jit3A_614 : i32
        %sign3A_616 = arith.constant 0 : i32
        %sign3A_617 = arith.cmpi sgt, %scan3A_244, %sign3A_616 : i32
        %sign3A_618 = arith.extui %sign3A_617 : i1 to i32
        %sign3A_619 = arith.constant 0 : i32
        %sign3A_620 = arith.cmpi slt, %scan3A_244, %sign3A_619 : i32
        %sign3A_621 = arith.extui %sign3A_620 : i1 to i32
        %sign3A_622 = arith.subi %sign3A_618, %sign3A_621 : i32
        %sign3A_623 = arith.constant 0 : i32
        %sign3A_624 = arith.cmpi sgt, %jit3A_614, %sign3A_623 : i32
        %sign3A_625 = arith.extui %sign3A_624 : i1 to i32
        %sign3A_626 = arith.constant 0 : i32
        %sign3A_627 = arith.cmpi slt, %jit3A_614, %sign3A_626 : i32
        %sign3A_628 = arith.extui %sign3A_627 : i1 to i32
        %sign3A_629 = arith.subi %sign3A_625, %sign3A_628 : i32
        %ne3A_630 = arith.cmpi ne, %sign3A_622, %sign3A_629 : i32
        %rem3A_631 = arith.remsi %scan3A_244, %jit3A_614 : i32
        %ne3A_632 = arith.constant 0 : i32
        %ne3A_633 = arith.cmpi ne, %rem3A_631, %ne3A_632 : i32
        %and3A_634 = arith.andi %ne3A_630, %ne3A_633 : i1
        %sub3A_635 = arith.constant 1 : i32
        %sub3A_636 = arith.subi %div3A_615, %sub3A_635 : i32
        %select_n3A_637 = arith.select %and3A_634, %sub3A_636, %div3A_615 : i32
        %add3A_638 = arith.constant 1 : i32
        %add3A_639 = arith.addi %select_n3A_637, %add3A_638 : i32
        %mul3A_640 = arith.constant 32 : i32
        %mul3A_641 = arith.muli %add3A_639, %mul3A_640 : i32
        %add3A_642 = arith.addi %mul3A_2, %mul3A_641 : i32
        %dma_start3A_643 = arith.constant 0 : i32
        %dma_start3A_644 = tpu.memref_slice %arg4[%add3A_642, %dma_start3A_643] : memref<2048x1024xf32, #tpu.memory_space<hbm>> -> memref<32x1024xf32, #tpu.memory_space<hbm>>
        %dma_start3A_645 = arith.constant 0 : i32
        %dma_start3A_646 = tpu.memref_slice %arg4[%add3A_642, %dma_start3A_645] : memref<2048x1024xf32, #tpu.memory_space<hbm>> -> memref<32x1024xf32, #tpu.memory_space<hbm>>
        tpu.enqueue_dma source(%dma_start3A_646 : memref<32x1024xf32, #tpu.memory_space<hbm>>) target(%arg7 : memref<32x1024xf32, #tpu.memory_space<vmem>>) target_semaphore(%arg11 : memref<!tpu.dma_semaphore, #tpu.memory_space<semaphore_mem>>)
      } else {
      }
    }
    %scan3A_143 = arith.constant 16 : i32
    %add3A_144 = arith.constant 32 : i32
    %add3A_145 = arith.addi %mul3A_2, %add3A_144 : i32
    %add3A_146 = arith.constant 16 : i32
    %add3A_147 = arith.addi %add3A_145, %add3A_146 : i32
    %dma_wait3A_148 = arith.constant 1 : i32
    %dma_wait3A_149 = arith.constant 1 : i32
    %dma_wait3A_150 = arith.constant 0 : i32
    %dma_wait3A_151 = arith.constant 0 : i32
    %dma_wait3A_152 = tpu.memref_slice %arg8[%dma_wait3A_148, %dma_wait3A_150, %dma_wait3A_151] : memref<5x16x1024xf32, #tpu.memory_space<vmem>> -> memref<1x16x1024xf32, #tpu.memory_space<vmem>>
    %dma_wait3A_153 = tpu.memref_squeeze %dma_wait3A_152 : memref<1x16x1024xf32, #tpu.memory_space<vmem>> -> memref<16x1024xf32, #tpu.memory_space<vmem>>
    %dma_wait3A_154 = arith.constant 0 : i32
    %dma_wait3A_155 = tpu.memref_slice %arg5[%dma_wait3A_149, %add3A_147, %dma_wait3A_154] : memref<4x2048x1024xf32, #tpu.memory_space<hbm>> -> memref<1x16x1024xf32, #tpu.memory_space<hbm>>
    %dma_wait3A_156 = tpu.memref_squeeze %dma_wait3A_155 : memref<1x16x1024xf32, #tpu.memory_space<hbm>> -> memref<16x1024xf32, #tpu.memory_space<hbm>>
    %dma_wait3A_157 = arith.constant 0 : i32
    %dma_wait3A_158 = tpu.memref_slice %arg5[%dma_wait3A_149, %add3A_147, %dma_wait3A_157] : memref<4x2048x1024xf32, #tpu.memory_space<hbm>> -> memref<1x16x1024xf32, #tpu.memory_space<hbm>>
    %dma_wait3A_159 = tpu.memref_squeeze %dma_wait3A_158 : memref<1x16x1024xf32, #tpu.memory_space<hbm>> -> memref<16x1024xf32, #tpu.memory_space<hbm>>
    %dma_wait3A_160 = arith.constant 0 : i32
    %dma_wait3A_161 = arith.constant 0 : i32
    %dma_wait3A_162 = tpu.memref_slice %arg8[%dma_wait3A_148, %dma_wait3A_160, %dma_wait3A_161] : memref<5x16x1024xf32, #tpu.memory_space<vmem>> -> memref<1x16x1024xf32, #tpu.memory_space<vmem>>
    %dma_wait3A_163 = tpu.memref_squeeze %dma_wait3A_162 : memref<1x16x1024xf32, #tpu.memory_space<vmem>> -> memref<16x1024xf32, #tpu.memory_space<vmem>>
    tpu.wait_dma2 semaphore(%arg10 : memref<!tpu.dma_semaphore, #tpu.memory_space<semaphore_mem>>) src(%dma_wait3A_163 : memref<16x1024xf32, #tpu.memory_space<vmem>>) dst(%dma_wait3A_159 : memref<16x1024xf32, #tpu.memory_space<hbm>>)
    %add3A_164 = arith.constant 32 : i32
    %add3A_165 = arith.addi %mul3A_2, %add3A_164 : i32
    %add3A_166 = arith.constant 0 : i32
    %add3A_167 = arith.addi %add3A_165, %add3A_166 : i32
    %dma_wait3A_168 = arith.constant 2 : i32
    %dma_wait3A_169 = arith.constant 2 : i32
    %dma_wait3A_170 = arith.constant 0 : i32
    %dma_wait3A_171 = arith.constant 0 : i32
    %dma_wait3A_172 = tpu.memref_slice %arg8[%dma_wait3A_168, %dma_wait3A_170, %dma_wait3A_171] : memref<5x16x1024xf32, #tpu.memory_space<vmem>> -> memref<1x16x1024xf32, #tpu.memory_space<vmem>>
    %dma_wait3A_173 = tpu.memref_squeeze %dma_wait3A_172 : memref<1x16x1024xf32, #tpu.memory_space<vmem>> -> memref<16x1024xf32, #tpu.memory_space<vmem>>
    %dma_wait3A_174 = arith.constant 0 : i32
    %dma_wait3A_175 = tpu.memref_slice %arg5[%dma_wait3A_169, %add3A_167, %dma_wait3A_174] : memref<4x2048x1024xf32, #tpu.memory_space<hbm>> -> memref<1x16x1024xf32, #tpu.memory_space<hbm>>
    %dma_wait3A_176 = tpu.memref_squeeze %dma_wait3A_175 : memref<1x16x1024xf32, #tpu.memory_space<hbm>> -> memref<16x1024xf32, #tpu.memory_space<hbm>>
    %dma_wait3A_177 = arith.constant 0 : i32
    %dma_wait3A_178 = tpu.memref_slice %arg5[%dma_wait3A_169, %add3A_167, %dma_wait3A_177] : memref<4x2048x1024xf32, #tpu.memory_space<hbm>> -> memref<1x16x1024xf32, #tpu.memory_space<hbm>>
    %dma_wait3A_179 = tpu.memref_squeeze %dma_wait3A_178 : memref<1x16x1024xf32, #tpu.memory_space<hbm>> -> memref<16x1024xf32, #tpu.memory_space<hbm>>
    %dma_wait3A_180 = arith.constant 0 : i32
    %dma_wait3A_181 = arith.constant 0 : i32
    %dma_wait3A_182 = tpu.memref_slice %arg8[%dma_wait3A_168, %dma_wait3A_180, %dma_wait3A_181] : memref<5x16x1024xf32, #tpu.memory_space<vmem>> -> memref<1x16x1024xf32, #tpu.memory_space<vmem>>
    %dma_wait3A_183 = tpu.memref_squeeze %dma_wait3A_182 : memref<1x16x1024xf32, #tpu.memory_space<vmem>> -> memref<16x1024xf32, #tpu.memory_space<vmem>>
    tpu.wait_dma2 semaphore(%arg10 : memref<!tpu.dma_semaphore, #tpu.memory_space<semaphore_mem>>) src(%dma_wait3A_183 : memref<16x1024xf32, #tpu.memory_space<vmem>>) dst(%dma_wait3A_179 : memref<16x1024xf32, #tpu.memory_space<hbm>>)
    %add3A_184 = arith.constant 32 : i32
    %add3A_185 = arith.addi %mul3A_2, %add3A_184 : i32
    %add3A_186 = arith.constant 16 : i32
    %add3A_187 = arith.addi %add3A_185, %add3A_186 : i32
    %dma_wait3A_188 = arith.constant 3 : i32
    %dma_wait3A_189 = arith.constant 2 : i32
    %dma_wait3A_190 = arith.constant 0 : i32
    %dma_wait3A_191 = arith.constant 0 : i32
    %dma_wait3A_192 = tpu.memref_slice %arg8[%dma_wait3A_188, %dma_wait3A_190, %dma_wait3A_191] : memref<5x16x1024xf32, #tpu.memory_space<vmem>> -> memref<1x16x1024xf32, #tpu.memory_space<vmem>>
    %dma_wait3A_193 = tpu.memref_squeeze %dma_wait3A_192 : memref<1x16x1024xf32, #tpu.memory_space<vmem>> -> memref<16x1024xf32, #tpu.memory_space<vmem>>
    %dma_wait3A_194 = arith.constant 0 : i32
    %dma_wait3A_195 = tpu.memref_slice %arg5[%dma_wait3A_189, %add3A_187, %dma_wait3A_194] : memref<4x2048x1024xf32, #tpu.memory_space<hbm>> -> memref<1x16x1024xf32, #tpu.memory_space<hbm>>
    %dma_wait3A_196 = tpu.memref_squeeze %dma_wait3A_195 : memref<1x16x1024xf32, #tpu.memory_space<hbm>> -> memref<16x1024xf32, #tpu.memory_space<hbm>>
    %dma_wait3A_197 = arith.constant 0 : i32
    %dma_wait3A_198 = tpu.memref_slice %arg5[%dma_wait3A_189, %add3A_187, %dma_wait3A_197] : memref<4x2048x1024xf32, #tpu.memory_space<hbm>> -> memref<1x16x1024xf32, #tpu.memory_space<hbm>>
    %dma_wait3A_199 = tpu.memref_squeeze %dma_wait3A_198 : memref<1x16x1024xf32, #tpu.memory_space<hbm>> -> memref<16x1024xf32, #tpu.memory_space<hbm>>
    %dma_wait3A_200 = arith.constant 0 : i32
    %dma_wait3A_201 = arith.constant 0 : i32
    %dma_wait3A_202 = tpu.memref_slice %arg8[%dma_wait3A_188, %dma_wait3A_200, %dma_wait3A_201] : memref<5x16x1024xf32, #tpu.memory_space<vmem>> -> memref<1x16x1024xf32, #tpu.memory_space<vmem>>
    %dma_wait3A_203 = tpu.memref_squeeze %dma_wait3A_202 : memref<1x16x1024xf32, #tpu.memory_space<vmem>> -> memref<16x1024xf32, #tpu.memory_space<vmem>>
    tpu.wait_dma2 semaphore(%arg10 : memref<!tpu.dma_semaphore, #tpu.memory_space<semaphore_mem>>) src(%dma_wait3A_203 : memref<16x1024xf32, #tpu.memory_space<vmem>>) dst(%dma_wait3A_199 : memref<16x1024xf32, #tpu.memory_space<hbm>>)
    %add3A_204 = arith.constant 32 : i32
    %add3A_205 = arith.addi %mul3A_2, %add3A_204 : i32
    %add3A_206 = arith.constant 0 : i32
    %add3A_207 = arith.addi %add3A_205, %add3A_206 : i32
    %dma_wait3A_208 = arith.constant 4 : i32
    %dma_wait3A_209 = arith.constant 3 : i32
    %dma_wait3A_210 = arith.constant 0 : i32
    %dma_wait3A_211 = arith.constant 0 : i32
    %dma_wait3A_212 = tpu.memref_slice %arg8[%dma_wait3A_208, %dma_wait3A_210, %dma_wait3A_211] : memref<5x16x1024xf32, #tpu.memory_space<vmem>> -> memref<1x16x1024xf32, #tpu.memory_space<vmem>>
    %dma_wait3A_213 = tpu.memref_squeeze %dma_wait3A_212 : memref<1x16x1024xf32, #tpu.memory_space<vmem>> -> memref<16x1024xf32, #tpu.memory_space<vmem>>
    %dma_wait3A_214 = arith.constant 0 : i32
    %dma_wait3A_215 = tpu.memref_slice %arg5[%dma_wait3A_209, %add3A_207, %dma_wait3A_214] : memref<4x2048x1024xf32, #tpu.memory_space<hbm>> -> memref<1x16x1024xf32, #tpu.memory_space<hbm>>
    %dma_wait3A_216 = tpu.memref_squeeze %dma_wait3A_215 : memref<1x16x1024xf32, #tpu.memory_space<hbm>> -> memref<16x1024xf32, #tpu.memory_space<hbm>>
    %dma_wait3A_217 = arith.constant 0 : i32
    %dma_wait3A_218 = tpu.memref_slice %arg5[%dma_wait3A_209, %add3A_207, %dma_wait3A_217] : memref<4x2048x1024xf32, #tpu.memory_space<hbm>> -> memref<1x16x1024xf32, #tpu.memory_space<hbm>>
    %dma_wait3A_219 = tpu.memref_squeeze %dma_wait3A_218 : memref<1x16x1024xf32, #tpu.memory_space<hbm>> -> memref<16x1024xf32, #tpu.memory_space<hbm>>
    %dma_wait3A_220 = arith.constant 0 : i32
    %dma_wait3A_221 = arith.constant 0 : i32
    %dma_wait3A_222 = tpu.memref_slice %arg8[%dma_wait3A_208, %dma_wait3A_220, %dma_wait3A_221] : memref<5x16x1024xf32, #tpu.memory_space<vmem>> -> memref<1x16x1024xf32, #tpu.memory_space<vmem>>
    %dma_wait3A_223 = tpu.memref_squeeze %dma_wait3A_222 : memref<1x16x1024xf32, #tpu.memory_space<vmem>> -> memref<16x1024xf32, #tpu.memory_space<vmem>>
    tpu.wait_dma2 semaphore(%arg10 : memref<!tpu.dma_semaphore, #tpu.memory_space<semaphore_mem>>) src(%dma_wait3A_223 : memref<16x1024xf32, #tpu.memory_space<vmem>>) dst(%dma_wait3A_219 : memref<16x1024xf32, #tpu.memory_space<hbm>>)
    %add3A_224 = arith.constant 32 : i32
    %add3A_225 = arith.addi %mul3A_2, %add3A_224 : i32
    %add3A_226 = arith.constant 16 : i32
    %add3A_227 = arith.addi %add3A_225, %add3A_226 : i32
    %dma_wait3A_228 = arith.constant 0 : i32
    %dma_wait3A_229 = arith.constant 3 : i32
    %dma_wait3A_230 = arith.constant 0 : i32
    %dma_wait3A_231 = arith.constant 0 : i32
    %dma_wait3A_232 = tpu.memref_slice %arg8[%dma_wait3A_228, %dma_wait3A_230, %dma_wait3A_231] : memref<5x16x1024xf32, #tpu.memory_space<vmem>> -> memref<1x16x1024xf32, #tpu.memory_space<vmem>>
    %dma_wait3A_233 = tpu.memref_squeeze %dma_wait3A_232 : memref<1x16x1024xf32, #tpu.memory_space<vmem>> -> memref<16x1024xf32, #tpu.memory_space<vmem>>
    %dma_wait3A_234 = arith.constant 0 : i32
    %dma_wait3A_235 = tpu.memref_slice %arg5[%dma_wait3A_229, %add3A_227, %dma_wait3A_234] : memref<4x2048x1024xf32, #tpu.memory_space<hbm>> -> memref<1x16x1024xf32, #tpu.memory_space<hbm>>
    %dma_wait3A_236 = tpu.memref_squeeze %dma_wait3A_235 : memref<1x16x1024xf32, #tpu.memory_space<hbm>> -> memref<16x1024xf32, #tpu.memory_space<hbm>>
    %dma_wait3A_237 = arith.constant 0 : i32
    %dma_wait3A_238 = tpu.memref_slice %arg5[%dma_wait3A_229, %add3A_227, %dma_wait3A_237] : memref<4x2048x1024xf32, #tpu.memory_space<hbm>> -> memref<1x16x1024xf32, #tpu.memory_space<hbm>>
    %dma_wait3A_239 = tpu.memref_squeeze %dma_wait3A_238 : memref<1x16x1024xf32, #tpu.memory_space<hbm>> -> memref<16x1024xf32, #tpu.memory_space<hbm>>
    %dma_wait3A_240 = arith.constant 0 : i32
    %dma_wait3A_241 = arith.constant 0 : i32
    %dma_wait3A_242 = tpu.memref_slice %arg8[%dma_wait3A_228, %dma_wait3A_240, %dma_wait3A_241] : memref<5x16x1024xf32, #tpu.memory_space<vmem>> -> memref<1x16x1024xf32, #tpu.memory_space<vmem>>
    %dma_wait3A_243 = tpu.memref_squeeze %dma_wait3A_242 : memref<1x16x1024xf32, #tpu.memory_space<vmem>> -> memref<16x1024xf32, #tpu.memory_space<vmem>>
    tpu.wait_dma2 semaphore(%arg10 : memref<!tpu.dma_semaphore, #tpu.memory_space<semaphore_mem>>) src(%dma_wait3A_243 : memref<16x1024xf32, #tpu.memory_space<vmem>>) dst(%dma_wait3A_239 : memref<16x1024xf32, #tpu.memory_space<hbm>>)
    return
  }
}

</mosaic_0001>

<sc_bundles>
// kernel: kernel.3.cloned.1.call-start
scs
__scs_entry_jumppad:
0x0: {  	(pc) =	sbr.rel $0x88, $3  }
0x1: {  	(tag) =	ssettag $0x0;
	lr =	simm.s32 $0x1  }
0x2: {  	[smem:$0x3F9E] =	sst lr;
	_ =	strace $0xD0000000  }
0x3: {  	_ = 	snop  }
0x4: {  	_ = 	snop  }
0x5: {  	_ = 	snop  }
0x6: {  	_ = 	snop  }
0x7: {  	_ = 	snop  }
__scs_overlays_trampoline_lowered:
0x8: {  	[smem:$0x3FAD] =	sst s0  }
0x9: {  	[smem:$0x3FAE] =	sst s1  }
0xa: {  	[smem:$0x3FAF] =	sst s2  }
0xb: {  	[smem:$0x3FB0] =	sst s3  }
0xc: {  	[smem:$0x3FB1] =	sst s4  }
0xd: {  	[smem:$0x3FB2] =	sst s5  }
0xe: {  	[smem:$0x3FB3] =	sst s6  }
0xf: {  	[smem:$0x3FB4] =	sst s7  }
0x10: {  	[smem:$0x3FB5] =	sst s8  }
0x11: {  	[smem:$0x3FB6] =	sst s9;
	s0 =	simm.s32 @!p0 $0x0  }
0x12: {  	s1 =	sld [smem:$0x3F9C];
	s0 =	simm.s32 @p0 $0x1  }
0x13: {  	[smem:$0x3FB7] =	sst s0;
	s0 =	simm.s32 @!p1 $0x0  }
0x14: {  	s2 =	sld [smem:$0x3F9B];
	s0 =	simm.s32 @p1 $0x1  }
0x15: {  	[smem:$0x3FB8] =	sst s0;
	s0 =	simm.s32 @!p2 $0x0  }
0x16: {  	s3 =	sld [smem:$0x3FDB];
	s0 =	simm.s32 @p2 $0x1  }
0x17: {  	s4 =	simm.s32 $0x1BF5;
	[smem:$0x3FBA] =	sst s0  }
0x18: {  	s0 =	sld [smem:$0x3F9D];
	_ =	swait.ge [sflag:s4], $0x0  }
0x19: {  	s7 =	sld [smem:$0x3F9E]  }
0x1a: {  	s8 =	sadd.s32 $0xFFFFE003, lr  }
0x1b: {  	s9 =	sadd.s32 $0xFFFFFEF7, lr;
	s5 =	simm.s32 $0xFFFFFFFF;
	p2 =	slt.u32 s8, $0xFFFFF086  }
0x1c: {  	p1 =	slt.u32 s9, $0xF7A;
	s5 =	simm.s32 @!p2 $0x0  }
0x1d: {  	s5 =	simm.s32 @p1 $0x1;
	p0 =	seq.s32 s7, s2  }
0x1e: {  	s7 =	smul.u32 @!p0 $0xF7A, s2;
	p2 =	seq.s32 @!p0 s5, $0x0  }
0x1f: {  	s9 =	smul.u32 $0xF7A, s1;
	s8 =	simm.s32 @!p0 $0x1BF5;
	p2 =	por !p2, p0  }
0x20: {  	[sflag:s8] =	ssyncset.s32 @!p0 $0xFFFFF086;
	s6 =	sadd.s32 @!p0 s3, s7;
	s7 =	simm.s32 @!p0 $0x108  }
0x21: {  	s3 =	sadd.s32 s3, s9;
	s6 =	sadd.s32 @!p0 $0x88, s6;
	s7 =	simm.s32 @p2 $0x1082  }
0x22: {  	[simem:s7], [sflag:s8] =	dma.local @!p0 [hbm:s6], $0xF7A  }
0x23: {  	s9 =	sor.u32 $0xD0000000, s2;
	s6 =	simm.s32 $0x108;
	_ =	swait.ge @!p0 [sflag:s8], $0x0  }
0x24: {  	s3 =	sadd.s32 $0x88, s3;
	s6 =	simm.s32 @!p1 $0x1082;
	[sflag:s4] =	ssyncset.s32 $0xFFFFF086  }
0x25: {  	[simem:s6], [sflag:s4] =	dma.local [hbm:s3], $0xF7A  }
0x26: {  	[smem:$0x3F9E] =	sst s1;
	(tag) =	ssettag s2;
	_ =	strace s9  }
0x27: {  	s1 =	sld [smem:$0x3FAE]  }
0x28: {  	s2 =	sld [smem:$0x3FAF]  }
0x29: {  	s4 =	sld [smem:$0x3FB1]  }
0x2a: {  	p0 =	seq.s32 s5, $0x0;
	s5 =	sld [smem:$0x3FB2]  }
0x2b: {  	s6 =	sld [smem:$0x3FB3]  }
0x2c: {  	s7 =	sld [smem:$0x3FB4]  }
0x2d: {  	s3 =	simm.s32 $0x108;
	s8 =	sld [smem:$0x3FB5]  }
0x2e: {  	s3 =	simm.s32 @!p0 $0x1082;
	s9 =	sld [smem:$0x3FB6]  }
0x2f: {  	lr =	sadd.s32 s0, s3;
	s0 =	sld [smem:$0x3FAD]  }
0x30: {  	s3 =	sld [smem:$0x3FB0]  }
0x31: {  	[smem:$0x3FB9] =	sst s10  }
0x32: {  	s10 =	sld [smem:$0x3FB7];
	_ =	sdelay $0x3  }
0x33: {  	p0 =	seq.s32 s10, $0x1;
	s10 =	sld [smem:$0x3FB9];
	_ =	sdelay $0x3  }
0x34: {  	[smem:$0x3FB9] =	sst s10  }
0x35: {  	s10 =	sld [smem:$0x3FB8];
	_ =	sdelay $0x3  }
0x36: {  	p1 =	seq.s32 s10, $0x1;
	s10 =	sld [smem:$0x3FB9];
	_ =	sdelay $0x3  }
0x37: {  	[smem:$0x3FB9] =	sst s10  }
0x38: {  	s10 =	sld [smem:$0x3FBA]  }
0x39: {  	_ = 	snop;
	(pc) =	sbr.ind lr, $3  }
0x3a: {  	_ = 	snop  }
0x3b: {  	_ = 	snop  }
0x3c: {  	p2 =	seq.s32 s10, $0x1;
	s10 =	sld [smem:$0x3FB9]  }
0x3d: {  	_ =	shalt  }
0x3e: {  	_ =	shalt  }
0x3f: {  	_ =	shalt  }
0x40: {  	_ =	shalt  }
0x41: {  	_ =	shalt  }
0x42: {  	_ =	shalt  }
0x43: {  	_ =	shalt  }
0x44: {  	_ =	shalt  }
0x45: {  	_ =	shalt  }
0x46: {  	_ =	shalt  }
0x47: {  	_ =	shalt  }
0x48: {  	_ =	shalt  }
0x49: {  	_ =	shalt  }
0x4a: {  	_ =	shalt  }
0x4b: {  	_ =	shalt  }
0x4c: {  	_ =	shalt  }
0x4d: {  	_ =	shalt  }
0x4e: {  	_ =	shalt  }
0x4f: {  	_ =	shalt  }
0x50: {  	_ =	shalt  }
0x51: {  	_ =	shalt  }
0x52: {  	_ =	shalt  }
0x53: {  	_ =	shalt  }
0x54: {  	_ =	shalt  }
0x55: {  	_ =	shalt  }
0x56: {  	_ =	shalt  }
0x57: {  	_ =	shalt  }
0x58: {  	_ =	shalt  }
0x59: {  	_ =	shalt  }
0x5a: {  	_ =	shalt  }
0x5b: {  	_ =	shalt  }
0x5c: {  	_ =	shalt  }
0x5d: {  	_ =	shalt  }
0x5e: {  	_ =	shalt  }
0x5f: {  	_ =	shalt  }
0x60: {  	_ =	shalt  }
0x61: {  	_ =	shalt  }
0x62: {  	_ =	shalt  }
0x63: {  	_ =	shalt  }
0x64: {  	_ =	shalt  }
0x65: {  	_ =	shalt  }
0x66: {  	_ =	shalt  }
0x67: {  	_ =	shalt  }
0x68: {  	_ =	shalt  }
0x69: {  	_ =	shalt  }
0x6a: {  	_ =	shalt  }
0x6b: {  	_ =	shalt  }
0x6c: {  	_ =	shalt  }
0x6d: {  	_ =	shalt  }
0x6e: {  	_ =	shalt  }
0x6f: {  	_ =	shalt  }
0x70: {  	_ =	shalt  }
0x71: {  	_ =	shalt  }
0x72: {  	_ =	shalt  }
0x73: {  	_ =	shalt  }
0x74: {  	_ =	shalt  }
0x75: {  	_ =	shalt  }
0x76: {  	_ =	shalt  }
0x77: {  	_ =	shalt  }
0x78: {  	_ =	shalt  }
0x79: {  	_ =	shalt  }
0x7a: {  	_ =	shalt  }
0x7b: {  	_ =	shalt  }
0x7c: {  	_ =	shalt  }
0x7d: {  	_ =	shalt  }
0x7e: {  	_ =	shalt  }
0x7f: {  	_ =	shalt  }
0x80: {  	_ =	shalt  }
0x81: {  	_ =	shalt  }
0x82: {  	_ =	shalt  }
0x83: {  	_ =	shalt  }
0x84: {  	_ =	shalt  }
0x85: {  	_ =	shalt  }
0x86: {  	_ =	shalt  }
0x87: {  	_ =	shalt  }
.Lfunc_end0:
.L_simem_size_0:
called_computation_lowered:
.L_overlay_start_0:
0x88: {  	s2 =	sld [smem:$0x3FD9]  }
0x89: {  	s3 =	sld [smem:$0x3FFE];
	_ =	sdelay $0x1  }
0x8a: {  	s1 =	srdreg.scid  }
0x8b: {  	s0 =	sand.u32 $0x1, s1  }
0x8c: {  	s18 =	sshll.u32 s0, $0xA;
	s2 =	sadd.s32 s3, s2  }
0x8d: {  	s2 =	sadd.s32 s2, s18  }
0x8e: {  	[smem:$0x3FC5] =	sst s2  }
0x8f: {  	_ = 	snop  }
0x90: {  	s2 =	sld [smem:$0x3FC9]  }
0x91: {  	s19 =	sld [smem:$0x3FC8]  }
0x92: {  	s4 =	sld [smem:$0x3FC7]  }
0x93: {  	s5 =	sld [smem:$0x3FD0];
	(tm) =	ssettm $0x1  }
0x94: {  	s6 =	sld [smem:$0x3FFB];
	_ =	sdelay $0x3  }
0x95: {  	_ =	strace s6  }
0x96: {  	s6 =	sld [smem:$0x3FFC];
	_ =	sdelay $0x3  }
0x97: {  	_ =	strace s6  }
0x98: {  	s6 =	sld [smem:$0x3FFD];
	_ =	sdelay $0x3  }
0x99: {  	_ =	strace s6  }
0x9a: {  	_ =	strace $0x8FFFFFFF  }
0x9b: {  	s20 =	sld [smem:$0x3FDB];
	_ =	sdelay $0x1  }
0x9c: {  	s7 =	simm.s32 $_scs_section_size  }
0x9d: {  	s8 =	simm.s32 $_size__tile_overlayer_lowered;
	s9 =	simm.s32 $_tile_overlayer_lowered  }
0x9e: {  	s23 =	simm.s32 $0x1BFF;
	s22 =	sshll.u32 s9, $0x1;
	s6 =	sadd.s32 s7, s20  }
0x9f: {  	s10 =	simm.s32 $0x0;
	s21 =	sshll.u32 s8, $0x1;
	s8 =	sadd.s32 s22, s6  }
0xa0: {  	[timem:s10], [sflag:s23] =	dma.local [hbm:s8], s21  }
0xa1: {  	_ =	swait.ge [sflag:s23], s21  }
0xa2: {  	s7 =	ssub.s32 $0x0, s21;
	[sflag:s23] =	ssyncset.done $0x0  }
0xa3: {  	[sflag:s23] =	ssyncadd.s32 s7;
	_ =	sdelay $0x1  }
0xa4: {  	s24 =	simm.s32 $0x1B8B  }
0xa5: {  	_ =	swait.ge [sflag:s24], $0x1  }
0xa6: {  	[sflag:s24] =	ssyncset.done $0x0  }
0xa7: {  	s25 =	simm.s32 $0x1B8E;
	[sflag:s24] =	ssyncadd.s32 $0xFFFFFFFF  }
0xa8: {  	s26 =	simm.s32 $execute0_lowered;
	[smem:$0x3FD2] =	sst s25  }
0xa9: {  	s7 =	sshll.u32 s26, $0x1;
	_ =	strace $0x80000046;
	[dreg:$0x1] =	wrdreg $0xFFFFFFFF  }
0xaa: {  	s28 =	simm.s32 $_size_execute0_lowered;
	s6 =	sadd.s32 s6, s7;
	[dreg:$0x0] =	wrdreg $0x0  }
0xab: {  	s7 =	sshll.u32 s28, $0x1;
	[dreg:$0x2] =	wrdreg s6  }
0xac: {  	[dreg:$0x3] =	wrdreg s7  }
0xad: {  	[dreg:$0x4] =	wrdreg $0xC0  }
0xae: {  	_ =	task [dreg:s10], $0x5FFFF  }
0xaf: {  	[dreg:$0x1] =	wrdreg $0xFFFFFFFF  }
0xb0: {  	[dreg:$0x0] =	wrdreg $0x60  }
0xb1: {  	[dreg:$0x2] =	wrdreg s2  }
0xb2: {  	[dreg:$0x3] =	wrdreg s19  }
0xb3: {  	[dreg:$0x4] =	wrdreg s4  }
0xb4: {  	[dreg:$0x5] =	wrdreg s5  }
0xb5: {  	[dreg:$0x6] =	wrdreg $0x9  }
0xb6: {  	_ =	task.clear_ibuf [dreg:s10], $0x7FFFF;
	_ =	strace $0x90000046  }
0xb7: {  	s29 =	simm.s32 $0x9;
	_ =	strace $0x80000048  }
0xb8: {  	_ =	swait.ge [sflag:s29], $0x1  }
0xb9: {  	[sflag:s29] =	ssyncadd.s32 $0xFFFFFFFF  }
0xba: {  	_ =	strace $0x90000048  }
0xbb: {  	_ =	sfence  }
0xbc: {  	s30 =	sld [smem:$0x0];
	_ =	sdelay $0x2  }
0xbd: {  	s31 =	sshll.u32 s1, $0xD;
	s1 =	sshrl.u32 s1, $0x2  }
0xbe: {  	s3 =	sand.u32 $0x4000, s31;
	s1 =	sadd.s32 s1, s30  }
0xbf: {  	s0 =	sor.u32 s3, s0;
	s1 =	sshll.u32 s1, $0x11  }
0xc0: {  	s0 =	sor.u32 s1, s0  }
0xc1: {  	s0 =	sadd.s32 $0x8F2B, s0  }
0xc2: {  	[sflag:s0] =	ssyncadd.remote.s32 $0x1  }
0xc3: {  	_ =	sfence.sel $0xFFFF  }
0xc4: {  	[dreg:$0x0] =	wrdreg $0xFFFFFFFF;
	(pc) =	sbr.abs _section_cstart, $3  }
0xc5: {  	[dreg:$0x1] =	wrdreg $0xFFFFFFFF  }
0xc6: {  	_ =	task.clear_ibuf [dreg:s10], $0x2FFFF;
	_ =	strace $0x9FFFFFFF  }
0xc7: {  	(tm) =	ssettm $0x7FFFFFFF  }
tec
execute0_lowered:
.L_overlay_start_1:
0x0: {  	(tag) =	ssettag $0x1  }
0x1: {  	s0 =	rddreg [dreg:$0x0]  }
0x2: {  	s6 =	rddreg [dreg:$0x1]  }
0x3: {  	s7 =	rddreg [dreg:$0x2]  }
0x4: {  	s1 =	srdreg.scid;
	s2 =	stileid.u32;
	s4 =	simm.s32 $0x0  }
0x5: {  	s1 =	sand.u32 $0x1, s1;
	s2 =	sshll.u32 s2, $0x7;
	[smem:$0x7FF] =	sst s4  }
0x6: {  	s26 =	sadd.s32 $0x100, s6;
	s28 =	sadd.s32 $0x200, s6;
	s29 =	sadd.s32 $0x300, s6  }
0x7: {  	s3 =	sshll.u32 s1, $0x6;
	_ =	strace $0x80000047;
	[dreg:$0x1f] =	wrdreg s26  }
0x8: {  	s1 =	ssub.s32 $0x2, s1;
	[smem:$0x7FA] =	sst s28;
	s8 =	sor.u32 s3, s2  }
0x9: {  	[smem:$0x7FB] =	sst s29;
	s20 =	sshrl.u32 s1, $0x1;
	s21 =	sshll.u32 s8, $0x2  }
0xa: {  	s1 =	ssub.s32 s1, s20;
	s5 =	sshll.u32 s8, $0x7;
	[dreg:$0x19] =	wrdreg s8  }
0xb: {  	s30 =	sor.u32 $0x20, s8;
	s22 =	sand.u32 $0x1E00, s21;
	s23 =	sadd.s32 s7, s5  }
0xc: {  	[smem:$0x7FC] =	sst s30;
	s31 =	smax.u32 s1, $0x1;
	s2 =	sor.u32 s3, s22  }
0xd: {  	s3 =	sor.u32 s3, s21;
	[dreg:$0x1a] =	wrdreg s23;
	s2 =	sshrl.u32 s2, $0x3  }
0xe: {  	[smem:$0x7FD] =	sst s31;
	s3 =	sshrl.u32 s3, $0x3;
	s24 =	sadd.s32 s0, s2  }
0xf: {  	s25 =	sor.u32 $0x20, s3;
	[dreg:$0x1b] =	wrdreg s24;
	s4 =	sadd.s32 $0x10, s24  }
0x10: {  	v2 =	vlaneseq.u32;
	s3 =	sor.u32 $0x30, s3;
	s2 =	sadd.s32 s0, s25;
	[dreg:$0x1c] =	wrdreg s4  }
0x11: {  	vm0 =	vmmov $0xffff;
	v1 =	vshrl.u32 v2, $0x3;
	s0 =	sadd.s32 s0, s3;
	[dreg:$0x1d] =	wrdreg s2  }
0x12: {  	v0 =	vand.u32 $0x7, v2;
	v2 =	vor.u32 $0x8, v2;
	v1 =	vmul.u32 $0x8, v1;
	[dreg:$0x1e] =	wrdreg s0;
	s2 =	simm.s32 $0x0  }
.LBB2_1:
0x13: {  	[smem:$0x7F9] =	sst s2  }
0x14: {  	s1 =	simm.s32 $0x0;
	s0 =	rddreg [dreg:$0x1a];
	s28 =	simm.s32 $0x200  }
0x15: {  	[tilespmem:s28], [sflag:$0x3] =	stream.linear.gather [hbm4b:s0+s1], $0x8000, $0x38;
	[tilespmem:$0x1C200] =	vst v63  }
0x16: {  	s29 =	rddreg [dreg:$0x1b]  }
0x17: {  	[tilespmem:s1], [sflag:$0x1] =	stream.linear.gather [hbm4b:s29+s1], $0x40, $0x38;
	[tilespmem:$0x1C200] =	vst v63  }
0x18: {  	s30 =	rddreg [dreg:$0x1c];
	s31 =	simm.s32 $0x80  }
0x19: {  	[tilespmem:s31], [sflag:$0x1] =	stream.linear.gather [hbm4b:s30+s1], $0x40, $0x38;
	[tilespmem:$0x1C200] =	vst v63  }
0x1a: {  	s2 =	rddreg [dreg:$0x1d];
	s3 =	simm.s32 $0x100  }
0x1b: {  	[tilespmem:s3], [sflag:$0x1] =	stream.linear.gather [hbm4b:s2+s1], $0x40, $0x38;
	[tilespmem:$0x1C200] =	vst v63  }
0x1c: {  	s4 =	rddreg [dreg:$0x1e];
	s5 =	simm.s32 $0x180;
	s6 =	simm.s32 $0x1  }
0x1d: {  	[tilespmem:s5], [sflag:$0x1] =	stream.linear.gather [hbm4b:s4+s1], $0x40, $0x38;
	[tilespmem:$0x1C200] =	vst v63  }
0x1e: {  	_ =	swait.ge [sflag:s6], $0x40  }
0x1f: {  	[sflag:s6] =	ssyncset.done $0x0  }
0x20: {  	[sflag:s6] =	ssyncadd.s32 $0xFFFFFFC0  }
0x21: {  	_ =	swait.ge [sflag:s6], $0x40  }
0x22: {  	[sflag:s6] =	ssyncset.done $0x0  }
0x23: {  	[sflag:s6] =	ssyncadd.s32 $0xFFFFFFC0  }
0x24: {  	_ =	swait.ge [sflag:s6], $0x40  }
0x25: {  	[sflag:s6] =	ssyncset.done $0x0  }
0x26: {  	[sflag:s6] =	ssyncadd.s32 $0xFFFFFFC0  }
0x27: {  	_ =	swait.ge [sflag:s6], $0x40  }
0x28: {  	[sflag:s6] =	ssyncset.done $0x0  }
0x29: {  	[sflag:s6] =	ssyncadd.s32 $0xFFFFFFC0  }
0x2a: {  	v3 =	vld [tilespmem:$0x0];
	_ =	sdelay $0x4  }
0x2b: {  	v4 =	vshll.u32 v3, $0x3  }
0x2c: {  	v3 =	vand.u32 $0x7, v3;
	v4 =	vand.u32 $0xFFFFFFC0, v4  }
0x2d: {  	v3 =	vor.u32 v3, v4  }
0x2e: {  	v4 =	vperm.xlane v3, v0;
	_ =	sdelay $0x1  }
0x2f: {  	v4 =	vadd.s32 v1, v4;
	_ =	sdelay $0x2  }
0x30: {  	s8 =	rddreg [dreg:$0x1f]  }
0x31: {  	s7 =	simm.s32 $0x8200;
	s0 =	rddreg [dreg:$0x1]  }
0x32: {  	[tilespmem:s7], [sflag:$0x1] =	stream.indirect_vreg.gather [hbm4b:s0+s1], $0x80, v4, vm0, $0xb8;
	[tilespmem:$0x1C200] =	vst v63  }
0x33: {  	s3 =	simm.s32 $0x8A00;
	s9 =	sld [smem:$0x7FA];
	v3 =	vperm.xlane v3, v2  }
0x34: {  	[tilespmem:s3], [sflag:$0x1] =	stream.indirect_vreg.gather [hbm4b:s8+s1], $0x80, v4, vm0, $0xb8;
	[tilespmem:$0x1C200] =	vst v63  }
0x35: {  	s4 =	simm.s32 $0x9200;
	s10 =	sld [smem:$0x7FB];
	v3 =	vadd.s32 v1, v3  }
0x36: {  	[tilespmem:s4], [sflag:$0x1] =	stream.indirect_vreg.gather [hbm4b:s9+s1], $0x80, v4, vm0, $0xb8;
	[tilespmem:$0x1C200] =	vst v63  }
0x37: {  	s5 =	simm.s32 $0x9A00  }
0x38: {  	[tilespmem:s5], [sflag:$0x1] =	stream.indirect_vreg.gather [hbm4b:s10+s1], $0x80, v4, vm0, $0xb8;
	[tilespmem:$0x1C200] =	vst v63  }
0x39: {  	s11 =	simm.s32 $0xA200  }
0x3a: {  	[tilespmem:s11], [sflag:$0x1] =	stream.indirect_vreg.gather [hbm4b:s0+s1], $0x80, v3, vm0, $0xb8;
	[tilespmem:$0x1C200] =	vst v63  }
0x3b: {  	s12 =	simm.s32 $0xAA00  }
0x3c: {  	[tilespmem:s12], [sflag:$0x1] =	stream.indirect_vreg.gather [hbm4b:s8+s1], $0x80, v3, vm0, $0xb8;
	[tilespmem:$0x1C200] =	vst v63  }
0x3d: {  	s13 =	simm.s32 $0xB200  }
0x3e: {  	[tilespmem:s13], [sflag:$0x1] =	stream.indirect_vreg.gather [hbm4b:s9+s1], $0x80, v3, vm0, $0xb8;
	[tilespmem:$0x1C200] =	vst v63  }
0x3f: {  	s14 =	simm.s32 $0xBA00  }
0x40: {  	[tilespmem:s14], [sflag:$0x1] =	stream.indirect_vreg.gather [hbm4b:s10+s1], $0x80, v3, vm0, $0xb8;
	[tilespmem:$0x1C200] =	vst v63  }
0x41: {  	v3 =	vld [tilespmem:$0x10];
	_ =	sdelay $0x4  }
0x42: {  	v62 =	vshll.u32 v3, $0x3  }
0x43: {  	v3 =	vand.u32 $0x7, v3;
	v4 =	vand.u32 $0xFFFFFFC0, v62  }
0x44: {  	v3 =	vor.u32 v3, v4  }
0x45: {  	v4 =	vperm.xlane v3, v0;
	_ =	sdelay $0x1  }
0x46: {  	v4 =	vadd.s32 v1, v4;
	_ =	sdelay $0x3  }
0x47: {  	s15 =	simm.s32 $0xC200  }
0x48: {  	[tilespmem:s15], [sflag:$0x1] =	stream.indirect_vreg.gather [hbm4b:s0+s1], $0x80, v4, vm0, $0xb8;
	[tilespmem:$0x1C200] =	vst v63  }
0x49: {  	s16 =	simm.s32 $0xCA00;
	v3 =	vperm.xlane v3, v2  }
0x4a: {  	[tilespmem:s16], [sflag:$0x1] =	stream.indirect_vreg.gather [hbm4b:s8+s1], $0x80, v4, vm0, $0xb8;
	[tilespmem:$0x1C200] =	vst v63  }
0x4b: {  	s17 =	simm.s32 $0xD200;
	v3 =	vadd.s32 v1, v3  }
0x4c: {  	[tilespmem:s17], [sflag:$0x1] =	stream.indirect_vreg.gather [hbm4b:s9+s1], $0x80, v4, vm0, $0xb8;
	[tilespmem:$0x1C200] =	vst v63  }
0x4d: {  	s18 =	simm.s32 $0xDA00  }
0x4e: {  	[tilespmem:s18], [sflag:$0x1] =	stream.indirect_vreg.gather [hbm4b:s10+s1], $0x80, v4, vm0, $0xb8;
	[tilespmem:$0x1C200] =	vst v63  }
0x4f: {  	s19 =	simm.s32 $0xE200  }
0x50: {  	[tilespmem:s19], [sflag:$0x1] =	stream.indirect_vreg.gather [hbm4b:s0+s1], $0x80, v3, vm0, $0xb8;
	[tilespmem:$0x1C200] =	vst v63  }
0x51: {  	s20 =	simm.s32 $0xEA00  }
0x52: {  	[tilespmem:s20], [sflag:$0x1] =	stream.indirect_vreg.gather [hbm4b:s8+s1], $0x80, v3, vm0, $0xb8;
	[tilespmem:$0x1C200] =	vst v63  }
0x53: {  	s21 =	simm.s32 $0xF200  }
0x54: {  	[tilespmem:s21], [sflag:$0x1] =	stream.indirect_vreg.gather [hbm4b:s9+s1], $0x80, v3, vm0, $0xb8;
	[tilespmem:$0x1C200] =	vst v63  }
0x55: {  	s22 =	simm.s32 $0xFA00  }
0x56: {  	[tilespmem:s22], [sflag:$0x1] =	stream.indirect_vreg.gather [hbm4b:s10+s1], $0x80, v3, vm0, $0xb8;
	[tilespmem:$0x1C200] =	vst v63  }
0x57: {  	v3 =	vld [tilespmem:$0x80];
	_ =	sdelay $0x4  }
0x58: {  	v63 =	vshll.u32 v3, $0x3  }
0x59: {  	v3 =	vand.u32 $0x7, v3;
	v4 =	vand.u32 $0xFFFFFFC0, v63  }
0x5a: {  	v3 =	vor.u32 v3, v4  }
0x5b: {  	v4 =	vperm.xlane v3, v0;
	_ =	sdelay $0x1  }
0x5c: {  	v4 =	vadd.s32 v1, v4;
	_ =	sdelay $0x3  }
0x5d: {  	s23 =	simm.s32 $0x10200  }
0x5e: {  	[tilespmem:s23], [sflag:$0x1] =	stream.indirect_vreg.gather [hbm4b:s0+s1], $0x80, v4, vm0, $0xb8;
	[tilespmem:$0x1C200] =	vst v63  }
0x5f: {  	s24 =	simm.s32 $0x10A00;
	v3 =	vperm.xlane v3, v2  }
0x60: {  	[tilespmem:s24], [sflag:$0x1] =	stream.indirect_vreg.gather [hbm4b:s8+s1], $0x80, v4, vm0, $0xb8;
	[tilespmem:$0x1C200] =	vst v63  }
0x61: {  	s25 =	simm.s32 $0x11200;
	v3 =	vadd.s32 v1, v3  }
0x62: {  	[tilespmem:s25], [sflag:$0x1] =	stream.indirect_vreg.gather [hbm4b:s9+s1], $0x80, v4, vm0, $0xb8;
	[tilespmem:$0x1C200] =	vst v63  }
0x63: {  	s26 =	simm.s32 $0x11A00  }
0x64: {  	[tilespmem:s26], [sflag:$0x1] =	stream.indirect_vreg.gather [hbm4b:s10+s1], $0x80, v4, vm0, $0xb8;
	[tilespmem:$0x1C200] =	vst v63  }
0x65: {  	s28 =	simm.s32 $0x12200  }
0x66: {  	[tilespmem:s28], [sflag:$0x1] =	stream.indirect_vreg.gather [hbm4b:s0+s1], $0x80, v3, vm0, $0xb8;
	[tilespmem:$0x1C200] =	vst v63  }
0x67: {  	s29 =	simm.s32 $0x12A00  }
0x68: {  	[tilespmem:s29], [sflag:$0x1] =	stream.indirect_vreg.gather [hbm4b:s8+s1], $0x80, v3, vm0, $0xb8;
	[tilespmem:$0x1C200] =	vst v63  }
0x69: {  	s30 =	simm.s32 $0x13200  }
0x6a: {  	[tilespmem:s30], [sflag:$0x1] =	stream.indirect_vreg.gather [hbm4b:s9+s1], $0x80, v3, vm0, $0xb8;
	[tilespmem:$0x1C200] =	vst v63  }
0x6b: {  	p0 =	por $0x0, $0x0;
	s31 =	simm.s32 $0x13A00;
	s9 =	simm.s32 $0x0  }
0x6c: {  	[tilespmem:s31], [sflag:$0x1] =	stream.indirect_vreg.gather [hbm4b:s10+s1], $0x80, v3, vm0, $0xb8;
	[tilespmem:$0x1C200] =	vst v63  }
.LBB2_2:
0x6d: {  	s0 =	sadd.s32 $0xFFFFFFFE, s9  }
0x6e: {  	p1 =	sgt.u32 s0, $0xA  }
.Ltmp0:
0x6f: {  	_ = 	snop;
	(pc) =	sbr.rel @p1 .LBB2_4-.Ltmp0, $1  }
0x70: {  	_ =	sdelay $0x3  }
.Ltmp1:
0x71: {  	(pc) =	sbr.rel .LBB2_5-.Ltmp1, $4  }
0x72: {  	s0 =	simm.s32 $0x2  }
0x73: {  	_ =	swait.ge [sflag:s0], $0x4000  }
0x74: {  	[sflag:s0] =	ssyncset.done $0x0  }
0x75: {  	[sflag:s0] =	ssyncadd.s32 $0xFFFFC000  }
.LBB2_4:
0x76: {  	p1 =	sgt.u32 s9, $0xC  }
.Ltmp2:
0x77: {  	_ = 	snop;
	(pc) =	sbr.rel @p1 .LBB2_6-.Ltmp2, $1  }
0x78: {  	_ =	sdelay $0x3  }
.LBB2_5:
0x79: {  	s0 =	sadd.s32 $0x3, s9  }
0x7a: {  	s1 =	sshll.u32 s0, $0x2;
	s2 =	sshll.u32 s0, $0x6  }
0x7b: {  	s3 =	sshll.u32 s0, $0x4;
	s1 =	sand.u32 $0x60, s1;
	s2 =	sand.u32 $0x180, s2  }
0x7c: {  	s3 =	sand.u32 $0x10, s3;
	s1 =	sor.u32 s1, s2  }
0x7d: {  	s1 =	sor.u32 s3, s1  }
0x7e: {  	v3 =	vld [tilespmem:s1+$0x0];
	_ =	sdelay $0x4  }
0x7f: {  	s21 =	smul.u32 $0xCD, s0;
	v4 =	vshll.u32 v3, $0x3  }
0x80: {  	v3 =	vand.u32 $0x7, v3;
	v4 =	vand.u32 $0xFFFFFFC0, v4  }
0x81: {  	s1 =	sshrl.u32 s21, $0xA;
	v3 =	vor.u32 v3, v4  }
0x82: {  	s1 =	sand.u32 $0x3F, s1;
	v4 =	vperm.xlane v3, v0  }
0x83: {  	s1 =	smul.u32 $0x5, s1  }
0x84: {  	v4 =	vadd.s32 v1, v4  }
0x85: {  	s0 =	ssub.s32 s0, s1  }
0x86: {  	s0 =	sand.u32 $0xFF, s0  }
0x87: {  	s23 =	rddreg [dreg:$0x1];
	s0 =	sshll.u32 s0, $0xE  }
0x88: {  	s24 =	simm.s32 $0x0;
	s4 =	rddreg [dreg:$0x1f];
	s22 =	sadd.s32 $0x8200, s0  }
0x89: {  	[tilespmem:s22], [sflag:$0x1] =	stream.indirect_vreg.gather [hbm4b:s23+s24], $0x80, v4, vm0, $0xb8;
	[tilespmem:$0x1C200] =	vst v63  }
0x8a: {  	s5 =	sld [smem:$0x7FA];
	s25 =	sadd.s32 $0x8A00, s0;
	v3 =	vperm.xlane v3, v2  }
0x8b: {  	[tilespmem:s25], [sflag:$0x1] =	stream.indirect_vreg.gather [hbm4b:s4+s24], $0x80, v4, vm0, $0xb8;
	[tilespmem:$0x1C200] =	vst v63  }
0x8c: {  	s6 =	sld [smem:$0x7FB];
	s26 =	sadd.s32 $0x9200, s0;
	v3 =	vadd.s32 v1, v3  }
0x8d: {  	[tilespmem:s26], [sflag:$0x1] =	stream.indirect_vreg.gather [hbm4b:s5+s24], $0x80, v4, vm0, $0xb8;
	[tilespmem:$0x1C200] =	vst v63  }
0x8e: {  	s28 =	sadd.s32 $0x9A00, s0  }
0x8f: {  	[tilespmem:s28], [sflag:$0x1] =	stream.indirect_vreg.gather [hbm4b:s6+s24], $0x80, v4, vm0, $0xb8;
	[tilespmem:$0x1C200] =	vst v63  }
0x90: {  	s29 =	sadd.s32 $0xA200, s0  }
0x91: {  	[tilespmem:s29], [sflag:$0x1] =	stream.indirect_vreg.gather [hbm4b:s23+s24], $0x80, v3, vm0, $0xb8;
	[tilespmem:$0x1C200] =	vst v63  }
0x92: {  	s30 =	sadd.s32 $0xAA00, s0  }
0x93: {  	[tilespmem:s30], [sflag:$0x1] =	stream.indirect_vreg.gather [hbm4b:s4+s24], $0x80, v3, vm0, $0xb8;
	[tilespmem:$0x1C200] =	vst v63  }
0x94: {  	s31 =	sadd.s32 $0xB200, s0  }
0x95: {  	[tilespmem:s31], [sflag:$0x1] =	stream.indirect_vreg.gather [hbm4b:s5+s24], $0x80, v3, vm0, $0xb8;
	[tilespmem:$0x1C200] =	vst v63  }
0x96: {  	s0 =	sadd.s32 $0xBA00, s0  }
0x97: {  	[tilespmem:s0], [sflag:$0x1] =	stream.indirect_vreg.gather [hbm4b:s6+s24], $0x80, v3, vm0, $0xb8;
	[tilespmem:$0x1C200] =	vst v63  }
.LBB2_6:
0x98: {  	s1 =	sand.u32 $0x7, s9  }
0x99: {  	s0 =	smul.u32 $0xCD, s9;
	s4 =	simm.s32 $0x1;
	p1 =	sne.s32 s1, $0x0  }
0x9a: {  	[smem:$0x7F6] =	sst s1;
	s1 =	simm.s32 $0x1;
	s2 =	simm.s32 @!p1 $0x3  }
0x9b: {  	s16 =	simm.s32 $0x80;
	s1 =	simm.s32 @!p0 $0x0;
	_ =	swait.ge @!p1 [sflag:s2], $0x8000  }
0x9c: {  	s0 =	sshrl.u32 s0, $0xA;
	s11 =	sshll.u32 s1, $0xE;
	[sflag:s2] =	ssyncset.done @!p1 $0x0  }
0x9d: {  	s0 =	sand.u32 $0x3F, s0;
	s1 =	sadd.s32 $0x0, s11;
	[sflag:s2] =	ssyncadd.s32 @!p1 $0xFFFF8000  }
0x9e: {  	s0 =	smul.u32 $0x5, s0;
	s3 =	sadd.s32 $0x400, s1;
	_ =	swait.ge [sflag:s4], $0x4000  }
0x9f: {  	s5 =	sand.u32 $0x380, s16;
	s3 =	sand.u32 $0x6000, s3;
	[sflag:s4] =	ssyncset.done $0x0  }
0xa0: {  	s0 =	ssub.s32 s9, s0;
	s17 =	sor.u32 s5, s3;
	[sflag:s4] =	ssyncadd.s32 $0xFFFFC000  }
0xa1: {  	s18 =	simm.s32 $0x0;
	s0 =	sand.u32 $0xFF, s0;
	v3 =	vld [tilespmem:s17+$0x200]  }
0xa2: {  	s22 =	simm.s32 $0x0;
	s20 =	sand.u32 $0x300, s18;
	s0 =	sshll.u32 s0, $0xE  }
0xa3: {  	s21 =	sand.u32 $0x2000, s22;
	s19 =	sand.u32 $0x6000, s1;
	s10 =	sadd.s32 $0x8200, s0  }
0xa4: {  	s2 =	sor.u32 s20, s19;
	s6 =	sadd.s32 s21, s10  }
0xa5: {  	v4 =	vld [tilespmem:s2+$0x200];
	s0 =	sadd.s32 s5, s6  }
0xa6: {  	[tilespmem:s0+$0x0] =	vst.add.f32.msk $0xffff, v3  }
0xa7: {  	v3 =	vld [tilespmem:s17+$0x210];
	_ =	sdelay $0x1  }
0xa8: {  	s20 =	sadd.s32 s20, s6  }
0xa9: {  	[tilespmem:s20+$0x0] =	vst.add.f32.msk $0xffff, v4  }
0xaa: {  	v4 =	vld [tilespmem:s2+$0x210]  }
0xab: {  	[tilespmem:s0+$0x10] =	vst.add.f32.msk $0xffff, v3  }
0xac: {  	v3 =	vld [tilespmem:s17+$0x220];
	_ =	sdelay $0x2  }
0xad: {  	[tilespmem:s20+$0x10] =	vst.add.f32.msk $0xffff, v4  }
0xae: {  	v4 =	vld [tilespmem:s2+$0x220]  }
0xaf: {  	[tilespmem:s0+$0x20] =	vst.add.f32.msk $0xffff, v3  }
0xb0: {  	v3 =	vld [tilespmem:s17+$0x230];
	_ =	sdelay $0x2  }
0xb1: {  	[tilespmem:s20+$0x20] =	vst.add.f32.msk $0xffff, v4  }
0xb2: {  	v4 =	vld [tilespmem:s2+$0x230]  }
0xb3: {  	[tilespmem:s0+$0x30] =	vst.add.f32.msk $0xffff, v3  }
0xb4: {  	v3 =	vld [tilespmem:s17+$0x240];
	_ =	sdelay $0x2  }
0xb5: {  	[tilespmem:s20+$0x30] =	vst.add.f32.msk $0xffff, v4  }
0xb6: {  	v4 =	vld [tilespmem:s2+$0x240]  }
0xb7: {  	[tilespmem:s0+$0x40] =	vst.add.f32.msk $0xffff, v3  }
0xb8: {  	v3 =	vld [tilespmem:s17+$0x250];
	_ =	sdelay $0x2  }
0xb9: {  	[tilespmem:s20+$0x40] =	vst.add.f32.msk $0xffff, v4  }
0xba: {  	v4 =	vld [tilespmem:s2+$0x250]  }
0xbb: {  	[tilespmem:s0+$0x50] =	vst.add.f32.msk $0xffff, v3  }
0xbc: {  	v3 =	vld [tilespmem:s17+$0x260];
	_ =	sdelay $0x2  }
0xbd: {  	[tilespmem:s20+$0x50] =	vst.add.f32.msk $0xffff, v4  }
0xbe: {  	v4 =	vld [tilespmem:s2+$0x260]  }
0xbf: {  	[tilespmem:s0+$0x60] =	vst.add.f32.msk $0xffff, v3  }
0xc0: {  	v3 =	vld [tilespmem:s17+$0x270];
	_ =	sdelay $0x2  }
0xc1: {  	[tilespmem:s20+$0x60] =	vst.add.f32.msk $0xffff, v4  }
0xc2: {  	v4 =	vld [tilespmem:s2+$0x270]  }
0xc3: {  	[tilespmem:s0+$0x70] =	vst.add.f32.msk $0xffff, v3  }
0xc4: {  	v3 =	vld [tilespmem:s17+$0x600];
	_ =	sdelay $0x2  }
0xc5: {  	[tilespmem:s20+$0x70] =	vst.add.f32.msk $0xffff, v4  }
0xc6: {  	v4 =	vld [tilespmem:s2+$0x600]  }
0xc7: {  	[tilespmem:s0+$0x400] =	vst.add.f32.msk $0xffff, v3  }
0xc8: {  	v3 =	vld [tilespmem:s17+$0x610];
	_ =	sdelay $0x2  }
0xc9: {  	[tilespmem:s20+$0x400] =	vst.add.f32.msk $0xffff, v4  }
0xca: {  	v4 =	vld [tilespmem:s2+$0x610]  }
0xcb: {  	[tilespmem:s0+$0x410] =	vst.add.f32.msk $0xffff, v3  }
0xcc: {  	v3 =	vld [tilespmem:s17+$0x620];
	_ =	sdelay $0x2  }
0xcd: {  	[tilespmem:s20+$0x410] =	vst.add.f32.msk $0xffff, v4  }
0xce: {  	v4 =	vld [tilespmem:s2+$0x620]  }
0xcf: {  	[tilespmem:s0+$0x420] =	vst.add.f32.msk $0xffff, v3  }
0xd0: {  	v3 =	vld [tilespmem:s17+$0x630];
	_ =	sdelay $0x2  }
0xd1: {  	[tilespmem:s20+$0x420] =	vst.add.f32.msk $0xffff, v4  }
0xd2: {  	v4 =	vld [tilespmem:s2+$0x630]  }
0xd3: {  	[tilespmem:s0+$0x430] =	vst.add.f32.msk $0xffff, v3  }
0xd4: {  	v3 =	vld [tilespmem:s17+$0x640];
	_ =	sdelay $0x2  }
0xd5: {  	[tilespmem:s20+$0x430] =	vst.add.f32.msk $0xffff, v4  }
0xd6: {  	v4 =	vld [tilespmem:s2+$0x640]  }
0xd7: {  	[tilespmem:s0+$0x440] =	vst.add.f32.msk $0xffff, v3  }
0xd8: {  	v3 =	vld [tilespmem:s17+$0x650];
	_ =	sdelay $0x2  }
0xd9: {  	[tilespmem:s20+$0x440] =	vst.add.f32.msk $0xffff, v4  }
0xda: {  	v4 =	vld [tilespmem:s2+$0x650]  }
0xdb: {  	[tilespmem:s0+$0x450] =	vst.add.f32.msk $0xffff, v3  }
0xdc: {  	v3 =	vld [tilespmem:s17+$0x660];
	_ =	sdelay $0x2  }
0xdd: {  	[tilespmem:s20+$0x450] =	vst.add.f32.msk $0xffff, v4  }
0xde: {  	v4 =	vld [tilespmem:s2+$0x660]  }
0xdf: {  	[tilespmem:s0+$0x460] =	vst.add.f32.msk $0xffff, v3  }
0xe0: {  	v3 =	vld [tilespmem:s17+$0x670];
	_ =	sdelay $0x2  }
0xe1: {  	[tilespmem:s20+$0x460] =	vst.add.f32.msk $0xffff, v4  }
0xe2: {  	v4 =	vld [tilespmem:s2+$0x670]  }
0xe3: {  	[tilespmem:s0+$0x470] =	vst.add.f32.msk $0xffff, v3  }
0xe4: {  	v3 =	vld [tilespmem:s17+$0xA00];
	_ =	sdelay $0x2  }
0xe5: {  	[tilespmem:s20+$0x470] =	vst.add.f32.msk $0xffff, v4  }
0xe6: {  	v4 =	vld [tilespmem:s2+$0xA00]  }
0xe7: {  	[tilespmem:s0+$0x800] =	vst.add.f32.msk $0xffff, v3  }
0xe8: {  	v3 =	vld [tilespmem:s17+$0xA10];
	_ =	sdelay $0x2  }
0xe9: {  	[tilespmem:s20+$0x800] =	vst.add.f32.msk $0xffff, v4  }
0xea: {  	v4 =	vld [tilespmem:s2+$0xA10]  }
0xeb: {  	[tilespmem:s0+$0x810] =	vst.add.f32.msk $0xffff, v3  }
0xec: {  	v3 =	vld [tilespmem:s17+$0xA20];
	_ =	sdelay $0x2  }
0xed: {  	[tilespmem:s20+$0x810] =	vst.add.f32.msk $0xffff, v4  }
0xee: {  	v4 =	vld [tilespmem:s2+$0xA20]  }
0xef: {  	[tilespmem:s0+$0x820] =	vst.add.f32.msk $0xffff, v3  }
0xf0: {  	v3 =	vld [tilespmem:s17+$0xA30];
	_ =	sdelay $0x2  }
0xf1: {  	[tilespmem:s20+$0x820] =	vst.add.f32.msk $0xffff, v4  }
0xf2: {  	v4 =	vld [tilespmem:s2+$0xA30]  }
0xf3: {  	[tilespmem:s0+$0x830] =	vst.add.f32.msk $0xffff, v3  }
0xf4: {  	v3 =	vld [tilespmem:s17+$0xA40];
	_ =	sdelay $0x2  }
0xf5: {  	[tilespmem:s20+$0x830] =	vst.add.f32.msk $0xffff, v4  }
0xf6: {  	v4 =	vld [tilespmem:s2+$0xA40]  }
0xf7: {  	[tilespmem:s0+$0x840] =	vst.add.f32.msk $0xffff, v3  }
0xf8: {  	v3 =	vld [tilespmem:s17+$0xA50];
	_ =	sdelay $0x2  }
0xf9: {  	[tilespmem:s20+$0x840] =	vst.add.f32.msk $0xffff, v4  }
0xfa: {  	v4 =	vld [tilespmem:s2+$0xA50]  }
0xfb: {  	[tilespmem:s0+$0x850] =	vst.add.f32.msk $0xffff, v3  }
0xfc: {  	v3 =	vld [tilespmem:s17+$0xA60];
	_ =	sdelay $0x2  }
0xfd: {  	[tilespmem:s20+$0x850] =	vst.add.f32.msk $0xffff, v4  }
0xfe: {  	v4 =	vld [tilespmem:s2+$0xA60]  }
0xff: {  	[tilespmem:s0+$0x860] =	vst.add.f32.msk $0xffff, v3  }
0x100: {  	v3 =	vld [tilespmem:s17+$0xA70];
	_ =	sdelay $0x2  }
0x101: {  	[tilespmem:s20+$0x860] =	vst.add.f32.msk $0xffff, v4  }
0x102: {  	v4 =	vld [tilespmem:s2+$0xA70]  }
0x103: {  	[tilespmem:s0+$0x870] =	vst.add.f32.msk $0xffff, v3  }
0x104: {  	v3 =	vld [tilespmem:s17+$0xE00];
	_ =	sdelay $0x2  }
0x105: {  	[tilespmem:s20+$0x870] =	vst.add.f32.msk $0xffff, v4  }
0x106: {  	v4 =	vld [tilespmem:s2+$0xE00]  }
0x107: {  	[tilespmem:s0+$0xC00] =	vst.add.f32.msk $0xffff, v3  }
0x108: {  	v3 =	vld [tilespmem:s17+$0xE10];
	_ =	sdelay $0x2  }
0x109: {  	[tilespmem:s20+$0xC00] =	vst.add.f32.msk $0xffff, v4  }
0x10a: {  	v4 =	vld [tilespmem:s2+$0xE10]  }
0x10b: {  	[tilespmem:s0+$0xC10] =	vst.add.f32.msk $0xffff, v3  }
0x10c: {  	v3 =	vld [tilespmem:s17+$0xE20];
	_ =	sdelay $0x2  }
0x10d: {  	[tilespmem:s20+$0xC10] =	vst.add.f32.msk $0xffff, v4  }
0x10e: {  	v4 =	vld [tilespmem:s2+$0xE20]  }
0x10f: {  	[tilespmem:s0+$0xC20] =	vst.add.f32.msk $0xffff, v3  }
0x110: {  	v3 =	vld [tilespmem:s17+$0xE30];
	_ =	sdelay $0x2  }
0x111: {  	[tilespmem:s20+$0xC20] =	vst.add.f32.msk $0xffff, v4  }
0x112: {  	v4 =	vld [tilespmem:s2+$0xE30]  }
0x113: {  	[tilespmem:s0+$0xC30] =	vst.add.f32.msk $0xffff, v3  }
0x114: {  	v3 =	vld [tilespmem:s17+$0xE40];
	_ =	sdelay $0x2  }
0x115: {  	[tilespmem:s20+$0xC30] =	vst.add.f32.msk $0xffff, v4  }
0x116: {  	v4 =	vld [tilespmem:s2+$0xE40]  }
0x117: {  	[tilespmem:s0+$0xC40] =	vst.add.f32.msk $0xffff, v3  }
0x118: {  	v3 =	vld [tilespmem:s17+$0xE50];
	_ =	sdelay $0x2  }
0x119: {  	[tilespmem:s20+$0xC40] =	vst.add.f32.msk $0xffff, v4  }
0x11a: {  	v4 =	vld [tilespmem:s2+$0xE50]  }
0x11b: {  	[tilespmem:s0+$0xC50] =	vst.add.f32.msk $0xffff, v3  }
0x11c: {  	v3 =	vld [tilespmem:s17+$0xE60];
	_ =	sdelay $0x2  }
0x11d: {  	[tilespmem:s20+$0xC50] =	vst.add.f32.msk $0xffff, v4  }
0x11e: {  	v4 =	vld [tilespmem:s2+$0xE60]  }
0x11f: {  	[tilespmem:s0+$0xC60] =	vst.add.f32.msk $0xffff, v3  }
0x120: {  	v3 =	vld [tilespmem:s17+$0xE70];
	_ =	sdelay $0x2  }
0x121: {  	[tilespmem:s20+$0xC60] =	vst.add.f32.msk $0xffff, v4  }
0x122: {  	v4 =	vld [tilespmem:s2+$0xE70]  }
0x123: {  	[tilespmem:s0+$0xC70] =	vst.add.f32.msk $0xffff, v3  }
0x124: {  	v3 =	vld [tilespmem:s17+$0x1200];
	_ =	sdelay $0x2  }
0x125: {  	[tilespmem:s20+$0xC70] =	vst.add.f32.msk $0xffff, v4  }
0x126: {  	v4 =	vld [tilespmem:s2+$0x1200]  }
0x127: {  	[tilespmem:s0+$0x1000] =	vst.add.f32.msk $0xffff, v3  }
0x128: {  	v3 =	vld [tilespmem:s17+$0x1210];
	_ =	sdelay $0x2  }
0x129: {  	[tilespmem:s20+$0x1000] =	vst.add.f32.msk $0xffff, v4  }
0x12a: {  	v4 =	vld [tilespmem:s2+$0x1210]  }
0x12b: {  	[tilespmem:s0+$0x1010] =	vst.add.f32.msk $0xffff, v3  }
0x12c: {  	v3 =	vld [tilespmem:s17+$0x1220];
	_ =	sdelay $0x2  }
0x12d: {  	[tilespmem:s20+$0x1010] =	vst.add.f32.msk $0xffff, v4  }
0x12e: {  	v4 =	vld [tilespmem:s2+$0x1220]  }
0x12f: {  	[tilespmem:s0+$0x1020] =	vst.add.f32.msk $0xffff, v3  }
0x130: {  	v3 =	vld [tilespmem:s17+$0x1230];
	_ =	sdelay $0x2  }
0x131: {  	[tilespmem:s20+$0x1020] =	vst.add.f32.msk $0xffff, v4  }
0x132: {  	v4 =	vld [tilespmem:s2+$0x1230]  }
0x133: {  	[tilespmem:s0+$0x1030] =	vst.add.f32.msk $0xffff, v3  }
0x134: {  	v3 =	vld [tilespmem:s17+$0x1240];
	_ =	sdelay $0x2  }
0x135: {  	[tilespmem:s20+$0x1030] =	vst.add.f32.msk $0xffff, v4  }
0x136: {  	v4 =	vld [tilespmem:s2+$0x1240]  }
0x137: {  	[tilespmem:s0+$0x1040] =	vst.add.f32.msk $0xffff, v3  }
0x138: {  	v3 =	vld [tilespmem:s17+$0x1250];
	_ =	sdelay $0x2  }
0x139: {  	[tilespmem:s20+$0x1040] =	vst.add.f32.msk $0xffff, v4  }
0x13a: {  	v4 =	vld [tilespmem:s2+$0x1250]  }
0x13b: {  	[tilespmem:s0+$0x1050] =	vst.add.f32.msk $0xffff, v3  }
0x13c: {  	v3 =	vld [tilespmem:s17+$0x1260];
	_ =	sdelay $0x2  }
0x13d: {  	[tilespmem:s20+$0x1050] =	vst.add.f32.msk $0xffff, v4  }
0x13e: {  	v4 =	vld [tilespmem:s2+$0x1260]  }
0x13f: {  	[tilespmem:s0+$0x1060] =	vst.add.f32.msk $0xffff, v3  }
0x140: {  	v3 =	vld [tilespmem:s17+$0x1270];
	_ =	sdelay $0x2  }
0x141: {  	[tilespmem:s20+$0x1060] =	vst.add.f32.msk $0xffff, v4  }
0x142: {  	v4 =	vld [tilespmem:s2+$0x1270]  }
0x143: {  	[tilespmem:s0+$0x1070] =	vst.add.f32.msk $0xffff, v3  }
0x144: {  	v3 =	vld [tilespmem:s17+$0x1600];
	_ =	sdelay $0x2  }
0x145: {  	[tilespmem:s20+$0x1070] =	vst.add.f32.msk $0xffff, v4  }
0x146: {  	v4 =	vld [tilespmem:s2+$0x1600]  }
0x147: {  	[tilespmem:s0+$0x1400] =	vst.add.f32.msk $0xffff, v3  }
0x148: {  	v3 =	vld [tilespmem:s17+$0x1610];
	_ =	sdelay $0x2  }
0x149: {  	[tilespmem:s20+$0x1400] =	vst.add.f32.msk $0xffff, v4  }
0x14a: {  	v4 =	vld [tilespmem:s2+$0x1610]  }
0x14b: {  	s3 =	sadd.s32 $0x800, s11;
	[tilespmem:s0+$0x1410] =	vst.add.f32.msk $0xffff, v3  }
0x14c: {  	s29 =	simm.s32 $0x180;
	s23 =	sadd.s32 $0x400, s3;
	v3 =	vld [tilespmem:s17+$0x1620]  }
0x14d: {  	s24 =	sand.u32 $0x380, s29;
	s5 =	sand.u32 $0x6000, s23  }
0x14e: {  	s26 =	sor.u32 s24, s5  }
0x14f: {  	v5 =	vld [tilespmem:s26+$0x200]  }
0x150: {  	s25 =	simm.s32 $0x100;
	[tilespmem:s20+$0x1410] =	vst.add.f32.msk $0xffff, v4  }
0x151: {  	s7 =	sand.u32 $0x6000, s3;
	s5 =	sand.u32 $0x300, s25;
	[tilespmem:s0+$0x1420] =	vst.add.f32.msk $0xffff, v3  }
0x152: {  	s30 =	simm.s32 $0x800;
	s28 =	sor.u32 s5, s7;
	[dreg:$0x5] =	wrdreg s10  }
0x153: {  	s8 =	sand.u32 $0x2000, s30;
	v4 =	vld [tilespmem:s28+$0x200]  }
0x154: {  	s8 =	sadd.s32 s8, s10;
	v6 =	vld [tilespmem:s17+$0x1630]  }
0x155: {  	s25 =	sadd.s32 s24, s8  }
0x156: {  	[tilespmem:s25+$0x0] =	vst.add.f32.msk $0xffff, v5  }
0x157: {  	s24 =	sadd.s32 s5, s8;
	v5 =	vld [tilespmem:s26+$0x210]  }
0x158: {  	[tilespmem:s24+$0x0] =	vst.add.f32.msk $0xffff, v4  }
0x159: {  	[tilespmem:s0+$0x1430] =	vst.add.f32.msk $0xffff, v6  }
0x15a: {  	v4 =	vld [tilespmem:s28+$0x210]  }
0x15b: {  	v6 =	vld [tilespmem:s17+$0x1640];
	_ =	sdelay $0x1  }
0x15c: {  	[tilespmem:s25+$0x10] =	vst.add.f32.msk $0xffff, v5  }
0x15d: {  	v5 =	vld [tilespmem:s26+$0x220]  }
0x15e: {  	[tilespmem:s24+$0x10] =	vst.add.f32.msk $0xffff, v4  }
0x15f: {  	[tilespmem:s0+$0x1440] =	vst.add.f32.msk $0xffff, v6  }
0x160: {  	v4 =	vld [tilespmem:s28+$0x220]  }
0x161: {  	v6 =	vld [tilespmem:s17+$0x1650];
	_ =	sdelay $0x1  }
0x162: {  	[tilespmem:s25+$0x20] =	vst.add.f32.msk $0xffff, v5  }
0x163: {  	v5 =	vld [tilespmem:s26+$0x230]  }
0x164: {  	[tilespmem:s24+$0x20] =	vst.add.f32.msk $0xffff, v4  }
0x165: {  	[tilespmem:s0+$0x1450] =	vst.add.f32.msk $0xffff, v6  }
0x166: {  	v4 =	vld [tilespmem:s28+$0x230]  }
0x167: {  	v6 =	vld [tilespmem:s17+$0x1660];
	_ =	sdelay $0x1  }
0x168: {  	[tilespmem:s25+$0x30] =	vst.add.f32.msk $0xffff, v5  }
0x169: {  	v5 =	vld [tilespmem:s26+$0x240]  }
0x16a: {  	[tilespmem:s24+$0x30] =	vst.add.f32.msk $0xffff, v4  }
0x16b: {  	[tilespmem:s0+$0x1460] =	vst.add.f32.msk $0xffff, v6  }
0x16c: {  	v4 =	vld [tilespmem:s28+$0x240]  }
0x16d: {  	v6 =	vld [tilespmem:s17+$0x1670];
	_ =	sdelay $0x1  }
0x16e: {  	[tilespmem:s25+$0x40] =	vst.add.f32.msk $0xffff, v5  }
0x16f: {  	v5 =	vld [tilespmem:s26+$0x250]  }
0x170: {  	[tilespmem:s24+$0x40] =	vst.add.f32.msk $0xffff, v4  }
0x171: {  	[tilespmem:s0+$0x1470] =	vst.add.f32.msk $0xffff, v6  }
0x172: {  	v4 =	vld [tilespmem:s28+$0x250]  }
0x173: {  	v6 =	vld [tilespmem:s17+$0x1A00];
	_ =	sdelay $0x1  }
0x174: {  	[tilespmem:s25+$0x50] =	vst.add.f32.msk $0xffff, v5  }
0x175: {  	v5 =	vld [tilespmem:s26+$0x260]  }
0x176: {  	[tilespmem:s24+$0x50] =	vst.add.f32.msk $0xffff, v4  }
0x177: {  	[tilespmem:s0+$0x1800] =	vst.add.f32.msk $0xffff, v6  }
0x178: {  	v4 =	vld [tilespmem:s28+$0x260]  }
0x179: {  	v6 =	vld [tilespmem:s17+$0x1A10];
	_ =	sdelay $0x1  }
0x17a: {  	[tilespmem:s25+$0x60] =	vst.add.f32.msk $0xffff, v5  }
0x17b: {  	v5 =	vld [tilespmem:s26+$0x270]  }
0x17c: {  	[tilespmem:s24+$0x60] =	vst.add.f32.msk $0xffff, v4  }
0x17d: {  	[tilespmem:s0+$0x1810] =	vst.add.f32.msk $0xffff, v6  }
0x17e: {  	v4 =	vld [tilespmem:s28+$0x270]  }
0x17f: {  	v6 =	vld [tilespmem:s17+$0x1A20];
	_ =	sdelay $0x1  }
0x180: {  	[tilespmem:s25+$0x70] =	vst.add.f32.msk $0xffff, v5  }
0x181: {  	v5 =	vld [tilespmem:s26+$0x600]  }
0x182: {  	[tilespmem:s24+$0x70] =	vst.add.f32.msk $0xffff, v4  }
0x183: {  	[tilespmem:s0+$0x1820] =	vst.add.f32.msk $0xffff, v6  }
0x184: {  	v4 =	vld [tilespmem:s28+$0x600]  }
0x185: {  	v6 =	vld [tilespmem:s17+$0x1A30];
	_ =	sdelay $0x1  }
0x186: {  	[tilespmem:s25+$0x400] =	vst.add.f32.msk $0xffff, v5  }
0x187: {  	v5 =	vld [tilespmem:s26+$0x610]  }
0x188: {  	[tilespmem:s24+$0x400] =	vst.add.f32.msk $0xffff, v4  }
0x189: {  	[tilespmem:s0+$0x1830] =	vst.add.f32.msk $0xffff, v6  }
0x18a: {  	v4 =	vld [tilespmem:s28+$0x610]  }
0x18b: {  	v6 =	vld [tilespmem:s17+$0x1A40];
	_ =	sdelay $0x1  }
0x18c: {  	[tilespmem:s25+$0x410] =	vst.add.f32.msk $0xffff, v5  }
0x18d: {  	v5 =	vld [tilespmem:s26+$0x620]  }
0x18e: {  	[tilespmem:s24+$0x410] =	vst.add.f32.msk $0xffff, v4  }
0x18f: {  	[tilespmem:s0+$0x1840] =	vst.add.f32.msk $0xffff, v6  }
0x190: {  	v4 =	vld [tilespmem:s28+$0x620]  }
0x191: {  	v6 =	vld [tilespmem:s17+$0x1A50];
	_ =	sdelay $0x1  }
0x192: {  	[tilespmem:s25+$0x420] =	vst.add.f32.msk $0xffff, v5  }
0x193: {  	v5 =	vld [tilespmem:s26+$0x630]  }
0x194: {  	[tilespmem:s24+$0x420] =	vst.add.f32.msk $0xffff, v4  }
0x195: {  	[tilespmem:s0+$0x1850] =	vst.add.f32.msk $0xffff, v6  }
0x196: {  	v4 =	vld [tilespmem:s28+$0x630]  }
0x197: {  	v6 =	vld [tilespmem:s17+$0x1A60]  }
0x198: {  	[tilespmem:s25+$0x430] =	vst.add.f32.msk $0xffff, v5  }
0x199: {  	v5 =	vld [tilespmem:s26+$0x640];
	_ =	sdelay $0x1  }
0x19a: {  	[tilespmem:s24+$0x430] =	vst.add.f32.msk $0xffff, v4  }
0x19b: {  	[tilespmem:s0+$0x1860] =	vst.add.f32.msk $0xffff, v6  }
0x19c: {  	v4 =	vld [tilespmem:s28+$0x640]  }
0x19d: {  	[tilespmem:s25+$0x440] =	vst.add.f32.msk $0xffff, v5  }
0x19e: {  	v5 =	vld [tilespmem:s26+$0x650]  }
0x19f: {  	v6 =	vld [tilespmem:s17+$0x1A70]  }
0x1a0: {  	v3 =	vld [tilespmem:s2+$0x1620]  }
0x1a1: {  	[tilespmem:s24+$0x440] =	vst.add.f32.msk $0xffff, v4  }
0x1a2: {  	v4 =	vld [tilespmem:s28+$0x650];
	[dreg:$0x6] =	wrdreg s11  }
0x1a3: {  	s10 =	sand.u32 $0x7, s22;
	[tilespmem:s25+$0x450] =	vst.add.f32.msk $0xffff, v5  }
0x1a4: {  	s31 =	sor.u32 $0x480, s11;
	s4 =	sshll.u32 s10, $0x7;
	[tilespmem:s0+$0x1870] =	vst.add.f32.msk $0xffff, v6  }
0x1a5: {  	s4 =	sadd.s32 s4, s31;
	[tilespmem:s20+$0x1420] =	vst.add.f32.msk $0xffff, v3  }
0x1a6: {  	s11 =	sor.u32 $0x1C00, s4;
	v5 =	vld [tilespmem:s26+$0x660]  }
0x1a7: {  	v6 =	vld [tilespmem:s11+$0x200]  }
0x1a8: {  	v3 =	vld [tilespmem:s2+$0x1630]  }
0x1a9: {  	[tilespmem:s24+$0x450] =	vst.add.f32.msk $0xffff, v4  }
0x1aa: {  	v4 =	vld [tilespmem:s28+$0x660]  }
0x1ab: {  	[tilespmem:s25+$0x460] =	vst.add.f32.msk $0xffff, v5  }
0x1ac: {  	[tilespmem:s0+$0x1C00] =	vst.add.f32.msk $0xffff, v6  }
0x1ad: {  	v5 =	vld [tilespmem:s26+$0x670]  }
0x1ae: {  	s12 =	sor.u32 $0x1C10, s4;
	[tilespmem:s20+$0x1430] =	vst.add.f32.msk $0xffff, v3  }
0x1af: {  	v6 =	vld [tilespmem:s12+$0x200]  }
0x1b0: {  	[tilespmem:s24+$0x460] =	vst.add.f32.msk $0xffff, v4  }
0x1b1: {  	v4 =	vld [tilespmem:s28+$0x670]  }
0x1b2: {  	[tilespmem:s25+$0x470] =	vst.add.f32.msk $0xffff, v5  }
0x1b3: {  	v5 =	vld [tilespmem:s26+$0xA00]  }
0x1b4: {  	s13 =	sor.u32 $0x1C20, s4;
	[tilespmem:s0+$0x1C10] =	vst.add.f32.msk $0xffff, v6  }
0x1b5: {  	v6 =	vld [tilespmem:s13+$0x200]  }
0x1b6: {  	[tilespmem:s24+$0x470] =	vst.add.f32.msk $0xffff, v4  }
0x1b7: {  	v4 =	vld [tilespmem:s28+$0xA00]  }
0x1b8: {  	[tilespmem:s25+$0x800] =	vst.add.f32.msk $0xffff, v5  }
0x1b9: {  	v5 =	vld [tilespmem:s26+$0xA10]  }
0x1ba: {  	s14 =	sor.u32 $0x1C30, s4;
	[tilespmem:s0+$0x1C20] =	vst.add.f32.msk $0xffff, v6  }
0x1bb: {  	v6 =	vld [tilespmem:s14+$0x200]  }
0x1bc: {  	[tilespmem:s24+$0x800] =	vst.add.f32.msk $0xffff, v4  }
0x1bd: {  	v4 =	vld [tilespmem:s28+$0xA10]  }
0x1be: {  	[tilespmem:s25+$0x810] =	vst.add.f32.msk $0xffff, v5  }
0x1bf: {  	v5 =	vld [tilespmem:s26+$0xA20]  }
0x1c0: {  	s15 =	sor.u32 $0x1C40, s4;
	[tilespmem:s0+$0x1C30] =	vst.add.f32.msk $0xffff, v6  }
0x1c1: {  	v6 =	vld [tilespmem:s15+$0x200]  }
0x1c2: {  	[tilespmem:s24+$0x810] =	vst.add.f32.msk $0xffff, v4  }
0x1c3: {  	v4 =	vld [tilespmem:s28+$0xA20]  }
0x1c4: {  	[tilespmem:s25+$0x820] =	vst.add.f32.msk $0xffff, v5  }
0x1c5: {  	v5 =	vld [tilespmem:s26+$0xA30]  }
0x1c6: {  	s16 =	sor.u32 $0x1C50, s4;
	[tilespmem:s0+$0x1C40] =	vst.add.f32.msk $0xffff, v6  }
0x1c7: {  	v6 =	vld [tilespmem:s16+$0x200]  }
0x1c8: {  	[tilespmem:s24+$0x820] =	vst.add.f32.msk $0xffff, v4  }
0x1c9: {  	v4 =	vld [tilespmem:s28+$0xA30]  }
0x1ca: {  	[tilespmem:s25+$0x830] =	vst.add.f32.msk $0xffff, v5  }
0x1cb: {  	v5 =	vld [tilespmem:s26+$0xA40]  }
0x1cc: {  	s17 =	sor.u32 $0x1C60, s4;
	[tilespmem:s0+$0x1C50] =	vst.add.f32.msk $0xffff, v6  }
0x1cd: {  	v6 =	vld [tilespmem:s17+$0x200]  }
0x1ce: {  	[tilespmem:s24+$0x830] =	vst.add.f32.msk $0xffff, v4  }
0x1cf: {  	v7 =	vld [tilespmem:s28+$0xA40]  }
0x1d0: {  	[tilespmem:s25+$0x840] =	vst.add.f32.msk $0xffff, v5  }
0x1d1: {  	v5 =	vld [tilespmem:s26+$0xA50]  }
0x1d2: {  	v3 =	vld [tilespmem:s2+$0x1640]  }
0x1d3: {  	[tilespmem:s0+$0x1C60] =	vst.add.f32.msk $0xffff, v6  }
0x1d4: {  	[tilespmem:s24+$0x840] =	vst.add.f32.msk $0xffff, v7  }
0x1d5: {  	v6 =	vld [tilespmem:s28+$0xA50]  }
0x1d6: {  	[tilespmem:s25+$0x850] =	vst.add.f32.msk $0xffff, v5  }
0x1d7: {  	v5 =	vld [tilespmem:s26+$0xA60]  }
0x1d8: {  	[tilespmem:s20+$0x1440] =	vst.add.f32.msk $0xffff, v3  }
0x1d9: {  	v3 =	vld [tilespmem:s2+$0x1650]  }
0x1da: {  	[tilespmem:s24+$0x850] =	vst.add.f32.msk $0xffff, v6  }
0x1db: {  	v6 =	vld [tilespmem:s28+$0xA60]  }
0x1dc: {  	[tilespmem:s25+$0x860] =	vst.add.f32.msk $0xffff, v5  }
0x1dd: {  	v5 =	vld [tilespmem:s26+$0xA70]  }
0x1de: {  	[tilespmem:s20+$0x1450] =	vst.add.f32.msk $0xffff, v3  }
0x1df: {  	v3 =	vld [tilespmem:s2+$0x1660]  }
0x1e0: {  	[tilespmem:s24+$0x860] =	vst.add.f32.msk $0xffff, v6  }
0x1e1: {  	v6 =	vld [tilespmem:s28+$0xA70]  }
0x1e2: {  	[tilespmem:s25+$0x870] =	vst.add.f32.msk $0xffff, v5  }
0x1e3: {  	v5 =	vld [tilespmem:s26+$0xE00]  }
0x1e4: {  	[tilespmem:s20+$0x1460] =	vst.add.f32.msk $0xffff, v3  }
0x1e5: {  	v3 =	vld [tilespmem:s2+$0x1670]  }
0x1e6: {  	[tilespmem:s24+$0x870] =	vst.add.f32.msk $0xffff, v6  }
0x1e7: {  	s18 =	sand.u32 $0x3, s22;
	v6 =	vld [tilespmem:s28+$0xE00]  }
0x1e8: {  	s2 =	sshll.u32 s18, $0x8;
	[tilespmem:s25+$0xC00] =	vst.add.f32.msk $0xffff, v5  }
0x1e9: {  	s1 =	sadd.s32 s2, s1;
	v5 =	vld [tilespmem:s26+$0xE10]  }
0x1ea: {  	s2 =	sor.u32 $0x1800, s1;
	[tilespmem:s20+$0x1470] =	vst.add.f32.msk $0xffff, v3  }
0x1eb: {  	v3 =	vld [tilespmem:s2+$0x200]  }
0x1ec: {  	[tilespmem:s24+$0xC00] =	vst.add.f32.msk $0xffff, v6  }
0x1ed: {  	v6 =	vld [tilespmem:s28+$0xE10]  }
0x1ee: {  	[tilespmem:s25+$0xC10] =	vst.add.f32.msk $0xffff, v5  }
0x1ef: {  	v5 =	vld [tilespmem:s26+$0xE20]  }
0x1f0: {  	s19 =	sor.u32 $0x1810, s1;
	[tilespmem:s20+$0x1800] =	vst.add.f32.msk $0xffff, v3  }
0x1f1: {  	v3 =	vld [tilespmem:s19+$0x200]  }
0x1f2: {  	[tilespmem:s24+$0xC10] =	vst.add.f32.msk $0xffff, v6  }
0x1f3: {  	v6 =	vld [tilespmem:s28+$0xE20]  }
0x1f4: {  	[tilespmem:s25+$0xC20] =	vst.add.f32.msk $0xffff, v5  }
0x1f5: {  	v5 =	vld [tilespmem:s26+$0xE30];
	_ =	sdelay $0x1  }
0x1f6: {  	[tilespmem:s20+$0x1810] =	vst.add.f32.msk $0xffff, v3  }
0x1f7: {  	[tilespmem:s24+$0xC20] =	vst.add.f32.msk $0xffff, v6  }
0x1f8: {  	v6 =	vld [tilespmem:s28+$0xE30]  }
0x1f9: {  	[tilespmem:s25+$0xC30] =	vst.add.f32.msk $0xffff, v5  }
0x1fa: {  	s4 =	sor.u32 $0x1C70, s4;
	v5 =	vld [tilespmem:s26+$0xE40]  }
0x1fb: {  	s21 =	sor.u32 $0x1820, s1;
	v4 =	vld [tilespmem:s4+$0x200]  }
0x1fc: {  	v3 =	vld [tilespmem:s21+$0x200]  }
0x1fd: {  	[tilespmem:s24+$0xC30] =	vst.add.f32.msk $0xffff, v6  }
0x1fe: {  	v6 =	vld [tilespmem:s28+$0xE40]  }
0x1ff: {  	[tilespmem:s25+$0xC40] =	vst.add.f32.msk $0xffff, v5  }
0x200: {  	v5 =	vld [tilespmem:s26+$0xE50]  }
0x201: {  	s23 =	sor.u32 $0x1830, s1;
	[tilespmem:s20+$0x1820] =	vst.add.f32.msk $0xffff, v3  }
0x202: {  	v3 =	vld [tilespmem:s23+$0x200]  }
0x203: {  	[tilespmem:s24+$0xC40] =	vst.add.f32.msk $0xffff, v6  }
0x204: {  	v6 =	vld [tilespmem:s28+$0xE50]  }
0x205: {  	[tilespmem:s25+$0xC50] =	vst.add.f32.msk $0xffff, v5  }
0x206: {  	v5 =	vld [tilespmem:s26+$0xE60]  }
0x207: {  	s4 =	sor.u32 $0x1840, s1;
	[tilespmem:s20+$0x1830] =	vst.add.f32.msk $0xffff, v3  }
0x208: {  	v3 =	vld [tilespmem:s4+$0x200]  }
0x209: {  	[tilespmem:s24+$0xC50] =	vst.add.f32.msk $0xffff, v6  }
0x20a: {  	v6 =	vld [tilespmem:s28+$0xE60]  }
0x20b: {  	[tilespmem:s25+$0xC60] =	vst.add.f32.msk $0xffff, v5  }
0x20c: {  	v5 =	vld [tilespmem:s26+$0xE70]  }
0x20d: {  	s5 =	sor.u32 $0x1850, s1;
	[tilespmem:s20+$0x1840] =	vst.add.f32.msk $0xffff, v3  }
0x20e: {  	v3 =	vld [tilespmem:s5+$0x200]  }
0x20f: {  	[tilespmem:s24+$0xC60] =	vst.add.f32.msk $0xffff, v6  }
0x210: {  	v6 =	vld [tilespmem:s28+$0xE70]  }
0x211: {  	[tilespmem:s25+$0xC70] =	vst.add.f32.msk $0xffff, v5  }
0x212: {  	v5 =	vld [tilespmem:s26+$0x1200]  }
0x213: {  	s6 =	sor.u32 $0x1860, s1;
	[tilespmem:s20+$0x1850] =	vst.add.f32.msk $0xffff, v3  }
0x214: {  	v3 =	vld [tilespmem:s6+$0x200]  }
0x215: {  	[tilespmem:s24+$0xC70] =	vst.add.f32.msk $0xffff, v6  }
0x216: {  	v6 =	vld [tilespmem:s28+$0x1200]  }
0x217: {  	[tilespmem:s25+$0x1000] =	vst.add.f32.msk $0xffff, v5  }
0x218: {  	v5 =	vld [tilespmem:s26+$0x1210]  }
0x219: {  	s7 =	sor.u32 $0x1870, s1;
	[tilespmem:s20+$0x1860] =	vst.add.f32.msk $0xffff, v3  }
0x21a: {  	v3 =	vld [tilespmem:s7+$0x200]  }
0x21b: {  	[tilespmem:s24+$0x1000] =	vst.add.f32.msk $0xffff, v6  }
0x21c: {  	v6 =	vld [tilespmem:s28+$0x1210]  }
0x21d: {  	[tilespmem:s25+$0x1010] =	vst.add.f32.msk $0xffff, v5  }
0x21e: {  	v5 =	vld [tilespmem:s26+$0x1220]  }
0x21f: {  	s8 =	sor.u32 $0x1C00, s1;
	[tilespmem:s20+$0x1870] =	vst.add.f32.msk $0xffff, v3  }
0x220: {  	v3 =	vld [tilespmem:s8+$0x200]  }
0x221: {  	[tilespmem:s24+$0x1010] =	vst.add.f32.msk $0xffff, v6  }
0x222: {  	v6 =	vld [tilespmem:s28+$0x1220]  }
0x223: {  	[tilespmem:s25+$0x1020] =	vst.add.f32.msk $0xffff, v5  }
0x224: {  	v5 =	vld [tilespmem:s26+$0x1230]  }
0x225: {  	s10 =	sor.u32 $0x1C10, s1;
	[tilespmem:s20+$0x1C00] =	vst.add.f32.msk $0xffff, v3  }
0x226: {  	v3 =	vld [tilespmem:s10+$0x200]  }
0x227: {  	[tilespmem:s24+$0x1020] =	vst.add.f32.msk $0xffff, v6  }
0x228: {  	v6 =	vld [tilespmem:s28+$0x1230]  }
0x229: {  	[tilespmem:s25+$0x1030] =	vst.add.f32.msk $0xffff, v5  }
0x22a: {  	v5 =	vld [tilespmem:s26+$0x1240]  }
0x22b: {  	s11 =	sor.u32 $0x1C20, s1;
	[tilespmem:s20+$0x1C10] =	vst.add.f32.msk $0xffff, v3  }
0x22c: {  	v3 =	vld [tilespmem:s11+$0x200]  }
0x22d: {  	[tilespmem:s24+$0x1030] =	vst.add.f32.msk $0xffff, v6  }
0x22e: {  	v6 =	vld [tilespmem:s28+$0x1240]  }
0x22f: {  	[tilespmem:s25+$0x1040] =	vst.add.f32.msk $0xffff, v5  }
0x230: {  	v5 =	vld [tilespmem:s26+$0x1250]  }
0x231: {  	s12 =	sor.u32 $0x1C30, s1;
	[tilespmem:s20+$0x1C20] =	vst.add.f32.msk $0xffff, v3  }
0x232: {  	v3 =	vld [tilespmem:s12+$0x200]  }
0x233: {  	[tilespmem:s24+$0x1040] =	vst.add.f32.msk $0xffff, v6  }
0x234: {  	v6 =	vld [tilespmem:s28+$0x1250]  }
0x235: {  	[tilespmem:s25+$0x1050] =	vst.add.f32.msk $0xffff, v5  }
0x236: {  	v5 =	vld [tilespmem:s26+$0x1260]  }
0x237: {  	s13 =	sor.u32 $0x1C40, s1;
	[tilespmem:s20+$0x1C30] =	vst.add.f32.msk $0xffff, v3  }
0x238: {  	v3 =	vld [tilespmem:s13+$0x200]  }
0x239: {  	[tilespmem:s24+$0x1050] =	vst.add.f32.msk $0xffff, v6  }
0x23a: {  	v6 =	vld [tilespmem:s28+$0x1260]  }
0x23b: {  	[tilespmem:s25+$0x1060] =	vst.add.f32.msk $0xffff, v5  }
0x23c: {  	v5 =	vld [tilespmem:s26+$0x1270]  }
0x23d: {  	s14 =	sor.u32 $0x1C50, s1;
	[tilespmem:s20+$0x1C40] =	vst.add.f32.msk $0xffff, v3  }
0x23e: {  	v3 =	vld [tilespmem:s14+$0x200]  }
0x23f: {  	[tilespmem:s24+$0x1060] =	vst.add.f32.msk $0xffff, v6  }
0x240: {  	v6 =	vld [tilespmem:s28+$0x1270]  }
0x241: {  	[tilespmem:s25+$0x1070] =	vst.add.f32.msk $0xffff, v5  }
0x242: {  	s15 =	simm.s32 $0x1;
	s16 =	sshll.u32 s9, $0x4;
	v5 =	vld [tilespmem:s26+$0x1600];
	[smem:$0x7F7] =	sst s9  }
0x243: {  	s17 =	sand.u32 $0x10, s16;
	s4 =	sand.u32 $0x3, s15;
	[tilespmem:s0+$0x1C70] =	vst.add.f32.msk $0xffff, v4  }
0x244: {  	s18 =	sshll.u32 s4, $0x8;
	[smem:$0x7F8] =	sst s17  }
0x245: {  	s23 =	sadd.s32 s18, s3;
	[tilespmem:s24+$0x1070] =	vst.add.f32.msk $0xffff, v6  }
0x246: {  	s19 =	sor.u32 $0x1C60, s1;
	s18 =	sor.u32 $0x1800, s23;
	v4 =	vld [tilespmem:s28+$0x1600]  }
0x247: {  	s21 =	sor.u32 $0x1810, s23;
	s15 =	sor.u32 $0x1860, s23;
	s4 =	sor.u32 $0x1C00, s23;
	[tilespmem:s20+$0x1C50] =	vst.add.f32.msk $0xffff, v3  }
0x248: {  	s3 =	sor.u32 $0x1C10, s23;
	s16 =	sor.u32 $0x1C30, s23;
	s2 =	sor.u32 $0x1C70, s23;
	v3 =	vld [tilespmem:s19+$0x200]  }
0x249: {  	s5 =	simm.s32 $0x2;
	s6 =	sor.u32 $0x1870, s23;
	s7 =	simm.s32 $0x2;
	[tilespmem:s25+$0x1400] =	vst.add.f32.msk $0xffff, v5  }
0x24a: {  	s8 =	sor.u32 $0x1C60, s23;
	s10 =	sor.u32 $0x1C40, s23;
	s11 =	sor.u32 $0x1C70, s1;
	v5 =	vld [tilespmem:s26+$0x1610]  }
0x24b: {  	s1 =	sor.u32 $0x1C20, s23;
	s12 =	sor.u32 $0x1840, s23;
	s13 =	sor.u32 $0x1830, s23;
	[tilespmem:s24+$0x1400] =	vst.add.f32.msk $0xffff, v4  }
0x24c: {  	s14 =	sor.u32 $0x1820, s23;
	s9 =	sor.u32 $0x1C50, s23;
	s0 =	sor.u32 $0x1850, s23;
	v4 =	vld [tilespmem:s28+$0x1610]  }
.LBB2_7:
0x24d: {  	[dreg:$0xb] =	wrdreg s16  }
0x24e: {  	[dreg:$0x9] =	wrdreg s10  }
0x24f: {  	[dreg:$0x8] =	wrdreg s8  }
0x250: {  	[dreg:$0x7] =	wrdreg s9;
	s19 =	sand.u32 $0x3, s5  }
0x251: {  	s30 =	sadd.s32 $0x800, s30;
	s23 =	rddreg [dreg:$0x6];
	s29 =	sadd.s32 $0x100, s29  }
0x252: {  	s19 =	sshll.u32 s19, $0x8;
	s23 =	sadd.s32 s30, s23;
	s17 =	sadd.s32 $0xFFFFFF80, s29;
	[tilespmem:s20+$0x1C60] =	vst.add.f32.msk $0xffff, v3  }
0x253: {  	s10 =	sand.u32 $0x380, s29;
	s9 =	sadd.s32 $0x400, s23;
	v3 =	vld [tilespmem:s11+$0x200];
	s11 =	sadd.s32 s19, s23  }
0x254: {  	s8 =	sand.u32 $0x6000, s23;
	s16 =	sand.u32 $0x300, s17;
	[tilespmem:s25+$0x1410] =	vst.add.f32.msk $0xffff, v5;
	s19 =	sor.u32 $0x1800, s11  }
0x255: {  	s9 =	sand.u32 $0x6000, s9;
	v5 =	vld [tilespmem:s26+$0x1620];
	s23 =	sor.u32 $0x1810, s11;
	[dreg:$0x18] =	wrdreg s19  }
0x256: {  	s17 =	sor.u32 s10, s9;
	[tilespmem:s24+$0x1410] =	vst.add.f32.msk $0xffff, v4;
	[dreg:$0x17] =	wrdreg s23;
	s19 =	sor.u32 $0x1820, s11  }
0x257: {  	s9 =	sor.u32 s16, s8;
	v6 =	vld [tilespmem:s17+$0x200];
	s23 =	sor.u32 $0x1840, s11;
	[dreg:$0x16] =	wrdreg s19  }
0x258: {  	s8 =	smov.u32 s2;
	v7 =	vld [tilespmem:s9+$0x200];
	[dreg:$0x14] =	wrdreg s23  }
0x259: {  	s2 =	sand.u32 $0x2000, s30;
	v4 =	vld [tilespmem:s28+$0x1620];
	s19 =	sor.u32 $0x1830, s11;
	s23 =	rddreg [dreg:$0x5]  }
0x25a: {  	[dreg:$0x15] =	wrdreg s19;
	s2 =	sadd.s32 s2, s23;
	s19 =	sor.u32 $0x1870, s11;
	[tilespmem:s25+$0x1420] =	vst.add.f32.msk $0xffff, v5  }
0x25b: {  	s23 =	sor.u32 $0x1850, s11;
	[dreg:$0x11] =	wrdreg s19;
	s19 =	sadd.s32 s10, s2;
	v5 =	vld [tilespmem:s26+$0x1630]  }
0x25c: {  	[dreg:$0x13] =	wrdreg s23;
	s23 =	sor.u32 $0x1860, s11;
	[tilespmem:s19+$0x0] =	vst.add.f32.msk $0xffff, v6  }
0x25d: {  	[dreg:$0x12] =	wrdreg s23;
	s23 =	sadd.s32 s16, s2;
	v6 =	vld [tilespmem:s17+$0x210]  }
0x25e: {  	[tilespmem:s23+$0x0] =	vst.add.f32.msk $0xffff, v7  }
0x25f: {  	v7 =	vld [tilespmem:s9+$0x210]  }
0x260: {  	[tilespmem:s25+$0x1430] =	vst.add.f32.msk $0xffff, v5  }
0x261: {  	v5 =	vld [tilespmem:s26+$0x1640]  }
0x262: {  	[tilespmem:s19+$0x10] =	vst.add.f32.msk $0xffff, v6  }
0x263: {  	v6 =	vld [tilespmem:s17+$0x220]  }
0x264: {  	[tilespmem:s23+$0x10] =	vst.add.f32.msk $0xffff, v7  }
0x265: {  	v7 =	vld [tilespmem:s9+$0x220]  }
0x266: {  	[tilespmem:s25+$0x1440] =	vst.add.f32.msk $0xffff, v5  }
0x267: {  	v5 =	vld [tilespmem:s26+$0x1650]  }
0x268: {  	[tilespmem:s19+$0x20] =	vst.add.f32.msk $0xffff, v6  }
0x269: {  	v6 =	vld [tilespmem:s17+$0x230]  }
0x26a: {  	[tilespmem:s23+$0x20] =	vst.add.f32.msk $0xffff, v7  }
0x26b: {  	v7 =	vld [tilespmem:s9+$0x230]  }
0x26c: {  	[tilespmem:s25+$0x1450] =	vst.add.f32.msk $0xffff, v5  }
0x26d: {  	v5 =	vld [tilespmem:s26+$0x1660]  }
0x26e: {  	[tilespmem:s19+$0x30] =	vst.add.f32.msk $0xffff, v6  }
0x26f: {  	v6 =	vld [tilespmem:s17+$0x240]  }
0x270: {  	[tilespmem:s23+$0x30] =	vst.add.f32.msk $0xffff, v7  }
0x271: {  	v7 =	vld [tilespmem:s9+$0x240]  }
0x272: {  	[tilespmem:s25+$0x1460] =	vst.add.f32.msk $0xffff, v5  }
0x273: {  	v5 =	vld [tilespmem:s26+$0x1670]  }
0x274: {  	[tilespmem:s19+$0x40] =	vst.add.f32.msk $0xffff, v6  }
0x275: {  	v6 =	vld [tilespmem:s17+$0x250]  }
0x276: {  	[tilespmem:s23+$0x40] =	vst.add.f32.msk $0xffff, v7  }
0x277: {  	v7 =	vld [tilespmem:s9+$0x250]  }
0x278: {  	[tilespmem:s25+$0x1470] =	vst.add.f32.msk $0xffff, v5  }
0x279: {  	v5 =	vld [tilespmem:s26+$0x1A00]  }
0x27a: {  	[tilespmem:s19+$0x50] =	vst.add.f32.msk $0xffff, v6  }
0x27b: {  	v6 =	vld [tilespmem:s17+$0x260]  }
0x27c: {  	[tilespmem:s23+$0x50] =	vst.add.f32.msk $0xffff, v7  }
0x27d: {  	v7 =	vld [tilespmem:s9+$0x260]  }
0x27e: {  	[tilespmem:s25+$0x1800] =	vst.add.f32.msk $0xffff, v5  }
0x27f: {  	v5 =	vld [tilespmem:s26+$0x1A10]  }
0x280: {  	[tilespmem:s19+$0x60] =	vst.add.f32.msk $0xffff, v6  }
0x281: {  	v6 =	vld [tilespmem:s17+$0x270]  }
0x282: {  	[tilespmem:s23+$0x60] =	vst.add.f32.msk $0xffff, v7  }
0x283: {  	v7 =	vld [tilespmem:s9+$0x270]  }
0x284: {  	[tilespmem:s25+$0x1810] =	vst.add.f32.msk $0xffff, v5  }
0x285: {  	v5 =	vld [tilespmem:s26+$0x1A20]  }
0x286: {  	[tilespmem:s19+$0x70] =	vst.add.f32.msk $0xffff, v6  }
0x287: {  	v6 =	vld [tilespmem:s17+$0x600]  }
0x288: {  	[tilespmem:s23+$0x70] =	vst.add.f32.msk $0xffff, v7  }
0x289: {  	v7 =	vld [tilespmem:s9+$0x600]  }
0x28a: {  	[tilespmem:s25+$0x1820] =	vst.add.f32.msk $0xffff, v5  }
0x28b: {  	v5 =	vld [tilespmem:s26+$0x1A30]  }
0x28c: {  	[tilespmem:s19+$0x400] =	vst.add.f32.msk $0xffff, v6  }
0x28d: {  	v6 =	vld [tilespmem:s17+$0x610]  }
0x28e: {  	[tilespmem:s23+$0x400] =	vst.add.f32.msk $0xffff, v7  }
0x28f: {  	v7 =	vld [tilespmem:s9+$0x610]  }
0x290: {  	[tilespmem:s25+$0x1830] =	vst.add.f32.msk $0xffff, v5  }
0x291: {  	v5 =	vld [tilespmem:s26+$0x1A40]  }
0x292: {  	[tilespmem:s19+$0x410] =	vst.add.f32.msk $0xffff, v6  }
0x293: {  	v6 =	vld [tilespmem:s17+$0x620]  }
0x294: {  	[tilespmem:s23+$0x410] =	vst.add.f32.msk $0xffff, v7  }
0x295: {  	v7 =	vld [tilespmem:s9+$0x620]  }
0x296: {  	[tilespmem:s25+$0x1840] =	vst.add.f32.msk $0xffff, v5  }
0x297: {  	v5 =	vld [tilespmem:s26+$0x1A50]  }
0x298: {  	[tilespmem:s19+$0x420] =	vst.add.f32.msk $0xffff, v6  }
0x299: {  	v6 =	vld [tilespmem:s17+$0x630]  }
0x29a: {  	[tilespmem:s23+$0x420] =	vst.add.f32.msk $0xffff, v7  }
0x29b: {  	v7 =	vld [tilespmem:s9+$0x630]  }
0x29c: {  	[tilespmem:s25+$0x1850] =	vst.add.f32.msk $0xffff, v5  }
0x29d: {  	v5 =	vld [tilespmem:s26+$0x1A60]  }
0x29e: {  	[tilespmem:s19+$0x430] =	vst.add.f32.msk $0xffff, v6  }
0x29f: {  	v6 =	vld [tilespmem:s17+$0x640]  }
0x2a0: {  	[tilespmem:s23+$0x430] =	vst.add.f32.msk $0xffff, v7  }
0x2a1: {  	s10 =	sor.u32 $0x1C00, s11;
	v7 =	vld [tilespmem:s9+$0x640]  }
0x2a2: {  	[dreg:$0x10] =	wrdreg s10;
	s10 =	sor.u32 $0x1C30, s11;
	[tilespmem:s25+$0x1860] =	vst.add.f32.msk $0xffff, v5  }
0x2a3: {  	s22 =	sadd.s32 $0x2, s22;
	[dreg:$0xe] =	wrdreg s10;
	s10 =	sor.u32 $0x1C40, s11;
	v5 =	vld [tilespmem:s26+$0x1A70]  }
0x2a4: {  	[dreg:$0xd] =	wrdreg s10;
	s10 =	sor.u32 $0x1C50, s11;
	s26 =	smov.u32 s17;
	[tilespmem:s19+$0x440] =	vst.add.f32.msk $0xffff, v6  }
0x2a5: {  	[dreg:$0xc] =	wrdreg s10;
	s10 =	sor.u32 $0x1C60, s11;
	s17 =	sand.u32 $0x7, s22;
	v6 =	vld [tilespmem:s26+$0x650]  }
0x2a6: {  	s31 =	sadd.s32 $0x800, s31;
	[dreg:$0xa] =	wrdreg s10;
	[tilespmem:s23+$0x440] =	vst.add.f32.msk $0xffff, v7;
	s10 =	sshll.u32 s17, $0x7  }
0x2a7: {  	v7 =	vld [tilespmem:s9+$0x650];
	s17 =	sadd.s32 s10, s31  }
0x2a8: {  	s10 =	sor.u32 $0x1C00, s17;
	[tilespmem:s25+$0x1870] =	vst.add.f32.msk $0xffff, v5  }
0x2a9: {  	v5 =	vld [tilespmem:s10+$0x200]  }
0x2aa: {  	[tilespmem:s19+$0x450] =	vst.add.f32.msk $0xffff, v6  }
0x2ab: {  	v6 =	vld [tilespmem:s26+$0x660]  }
0x2ac: {  	s16 =	sor.u32 $0x1C10, s11;
	[tilespmem:s23+$0x450] =	vst.add.f32.msk $0xffff, v7  }
0x2ad: {  	s2 =	sor.u32 $0x1C70, s11;
	[dreg:$0xf] =	wrdreg s16;
	v7 =	vld [tilespmem:s9+$0x660]  }
0x2ae: {  	s16 =	sor.u32 $0x1C20, s11;
	s11 =	smov.u32 s8;
	s8 =	sor.u32 $0x1C10, s17;
	[tilespmem:s25+$0x1C00] =	vst.add.f32.msk $0xffff, v5  }
0x2af: {  	v5 =	vld [tilespmem:s8+$0x200]  }
0x2b0: {  	[tilespmem:s19+$0x460] =	vst.add.f32.msk $0xffff, v6  }
0x2b1: {  	v6 =	vld [tilespmem:s26+$0x670]  }
0x2b2: {  	[tilespmem:s23+$0x460] =	vst.add.f32.msk $0xffff, v7  }
0x2b3: {  	v7 =	vld [tilespmem:s9+$0x670]  }
0x2b4: {  	s8 =	sor.u32 $0x1C20, s17;
	[tilespmem:s25+$0x1C10] =	vst.add.f32.msk $0xffff, v5  }
0x2b5: {  	v5 =	vld [tilespmem:s8+$0x200]  }
0x2b6: {  	[tilespmem:s19+$0x470] =	vst.add.f32.msk $0xffff, v6  }
0x2b7: {  	v6 =	vld [tilespmem:s26+$0xA00]  }
0x2b8: {  	[tilespmem:s23+$0x470] =	vst.add.f32.msk $0xffff, v7  }
0x2b9: {  	v7 =	vld [tilespmem:s9+$0xA00]  }
0x2ba: {  	s8 =	sor.u32 $0x1C30, s17;
	[tilespmem:s25+$0x1C20] =	vst.add.f32.msk $0xffff, v5  }
0x2bb: {  	v5 =	vld [tilespmem:s8+$0x200]  }
0x2bc: {  	[tilespmem:s19+$0x800] =	vst.add.f32.msk $0xffff, v6  }
0x2bd: {  	v6 =	vld [tilespmem:s26+$0xA10]  }
0x2be: {  	[tilespmem:s23+$0x800] =	vst.add.f32.msk $0xffff, v7  }
0x2bf: {  	v7 =	vld [tilespmem:s9+$0xA10]  }
0x2c0: {  	s8 =	sor.u32 $0x1C40, s17;
	[tilespmem:s25+$0x1C30] =	vst.add.f32.msk $0xffff, v5  }
0x2c1: {  	v5 =	vld [tilespmem:s8+$0x200]  }
0x2c2: {  	[tilespmem:s19+$0x810] =	vst.add.f32.msk $0xffff, v6  }
0x2c3: {  	v6 =	vld [tilespmem:s26+$0xA20]  }
0x2c4: {  	[tilespmem:s23+$0x810] =	vst.add.f32.msk $0xffff, v7  }
0x2c5: {  	v7 =	vld [tilespmem:s9+$0xA20]  }
0x2c6: {  	s8 =	sor.u32 $0x1C50, s17;
	[tilespmem:s25+$0x1C40] =	vst.add.f32.msk $0xffff, v5  }
0x2c7: {  	v5 =	vld [tilespmem:s8+$0x200]  }
0x2c8: {  	[tilespmem:s19+$0x820] =	vst.add.f32.msk $0xffff, v6  }
0x2c9: {  	v6 =	vld [tilespmem:s26+$0xA30]  }
0x2ca: {  	[tilespmem:s23+$0x820] =	vst.add.f32.msk $0xffff, v7  }
0x2cb: {  	v7 =	vld [tilespmem:s9+$0xA30]  }
0x2cc: {  	s8 =	sor.u32 $0x1C60, s17;
	[tilespmem:s25+$0x1C50] =	vst.add.f32.msk $0xffff, v5  }
0x2cd: {  	v5 =	vld [tilespmem:s8+$0x200]  }
0x2ce: {  	[tilespmem:s19+$0x830] =	vst.add.f32.msk $0xffff, v6  }
0x2cf: {  	v6 =	vld [tilespmem:s26+$0xA40]  }
0x2d0: {  	[tilespmem:s23+$0x830] =	vst.add.f32.msk $0xffff, v7  }
0x2d1: {  	v7 =	vld [tilespmem:s9+$0xA40]  }
0x2d2: {  	s8 =	sor.u32 $0x1C70, s17;
	[tilespmem:s25+$0x1C60] =	vst.add.f32.msk $0xffff, v5  }
0x2d3: {  	v5 =	vld [tilespmem:s8+$0x200]  }
0x2d4: {  	[tilespmem:s19+$0x840] =	vst.add.f32.msk $0xffff, v6  }
0x2d5: {  	v6 =	vld [tilespmem:s26+$0xA50]  }
0x2d6: {  	[tilespmem:s24+$0x1420] =	vst.add.f32.msk $0xffff, v4  }
0x2d7: {  	[tilespmem:s23+$0x840] =	vst.add.f32.msk $0xffff, v7  }
0x2d8: {  	v4 =	vld [tilespmem:s9+$0xA50]  }
0x2d9: {  	[tilespmem:s25+$0x1C70] =	vst.add.f32.msk $0xffff, v5;
	s25 =	smov.u32 s19  }
0x2da: {  	[tilespmem:s25+$0x850] =	vst.add.f32.msk $0xffff, v6  }
0x2db: {  	v6 =	vld [tilespmem:s28+$0x1630]  }
0x2dc: {  	v5 =	vld [tilespmem:s26+$0xA60]  }
0x2dd: {  	[tilespmem:s20+$0x1C70] =	vst.add.f32.msk $0xffff, v3;
	s20 =	smov.u32 s24;
	s24 =	smov.u32 s23  }
0x2de: {  	[tilespmem:s24+$0x850] =	vst.add.f32.msk $0xffff, v4  }
0x2df: {  	v3 =	vld [tilespmem:s9+$0xA60]  }
0x2e0: {  	[tilespmem:s20+$0x1430] =	vst.add.f32.msk $0xffff, v6  }
0x2e1: {  	[tilespmem:s25+$0x860] =	vst.add.f32.msk $0xffff, v5  }
0x2e2: {  	v5 =	vld [tilespmem:s28+$0x1640]  }
0x2e3: {  	v4 =	vld [tilespmem:s26+$0xA70];
	_ =	sdelay $0x1  }
0x2e4: {  	[tilespmem:s24+$0x860] =	vst.add.f32.msk $0xffff, v3  }
0x2e5: {  	v3 =	vld [tilespmem:s9+$0xA70]  }
0x2e6: {  	[tilespmem:s20+$0x1440] =	vst.add.f32.msk $0xffff, v5  }
0x2e7: {  	[tilespmem:s25+$0x870] =	vst.add.f32.msk $0xffff, v4  }
0x2e8: {  	v5 =	vld [tilespmem:s28+$0x1650]  }
0x2e9: {  	v4 =	vld [tilespmem:s26+$0xE00];
	_ =	sdelay $0x1  }
0x2ea: {  	[tilespmem:s24+$0x870] =	vst.add.f32.msk $0xffff, v3  }
0x2eb: {  	v3 =	vld [tilespmem:s9+$0xE00]  }
0x2ec: {  	[tilespmem:s20+$0x1450] =	vst.add.f32.msk $0xffff, v5  }
0x2ed: {  	[tilespmem:s25+$0xC00] =	vst.add.f32.msk $0xffff, v4  }
0x2ee: {  	v5 =	vld [tilespmem:s28+$0x1660]  }
0x2ef: {  	v4 =	vld [tilespmem:s26+$0xE10];
	_ =	sdelay $0x1  }
0x2f0: {  	[tilespmem:s24+$0xC00] =	vst.add.f32.msk $0xffff, v3  }
0x2f1: {  	v3 =	vld [tilespmem:s9+$0xE10]  }
0x2f2: {  	[tilespmem:s20+$0x1460] =	vst.add.f32.msk $0xffff, v5  }
0x2f3: {  	[tilespmem:s25+$0xC10] =	vst.add.f32.msk $0xffff, v4  }
0x2f4: {  	v5 =	vld [tilespmem:s28+$0x1670]  }
0x2f5: {  	v4 =	vld [tilespmem:s26+$0xE20];
	_ =	sdelay $0x1  }
0x2f6: {  	s28 =	smov.u32 s9;
	[tilespmem:s24+$0xC10] =	vst.add.f32.msk $0xffff, v3  }
0x2f7: {  	v3 =	vld [tilespmem:s28+$0xE20]  }
0x2f8: {  	[tilespmem:s20+$0x1470] =	vst.add.f32.msk $0xffff, v5  }
0x2f9: {  	[tilespmem:s25+$0xC20] =	vst.add.f32.msk $0xffff, v4  }
0x2fa: {  	v5 =	vld [tilespmem:s18+$0x200]  }
0x2fb: {  	v4 =	vld [tilespmem:s26+$0xE30];
	_ =	sdelay $0x1  }
0x2fc: {  	[tilespmem:s24+$0xC20] =	vst.add.f32.msk $0xffff, v3  }
0x2fd: {  	v3 =	vld [tilespmem:s28+$0xE30]  }
0x2fe: {  	[tilespmem:s20+$0x1800] =	vst.add.f32.msk $0xffff, v5  }
0x2ff: {  	[tilespmem:s25+$0xC30] =	vst.add.f32.msk $0xffff, v4  }
0x300: {  	v5 =	vld [tilespmem:s21+$0x200]  }
0x301: {  	v4 =	vld [tilespmem:s26+$0xE40];
	_ =	sdelay $0x1  }
0x302: {  	[tilespmem:s24+$0xC30] =	vst.add.f32.msk $0xffff, v3  }
0x303: {  	v3 =	vld [tilespmem:s28+$0xE40]  }
0x304: {  	[tilespmem:s20+$0x1810] =	vst.add.f32.msk $0xffff, v5  }
0x305: {  	[tilespmem:s25+$0xC40] =	vst.add.f32.msk $0xffff, v4  }
0x306: {  	v5 =	vld [tilespmem:s14+$0x200]  }
0x307: {  	v4 =	vld [tilespmem:s26+$0xE50];
	_ =	sdelay $0x1  }
0x308: {  	[tilespmem:s24+$0xC40] =	vst.add.f32.msk $0xffff, v3  }
0x309: {  	v3 =	vld [tilespmem:s28+$0xE50]  }
0x30a: {  	[tilespmem:s20+$0x1820] =	vst.add.f32.msk $0xffff, v5  }
0x30b: {  	[tilespmem:s25+$0xC50] =	vst.add.f32.msk $0xffff, v4  }
0x30c: {  	v5 =	vld [tilespmem:s13+$0x200]  }
0x30d: {  	v4 =	vld [tilespmem:s26+$0xE60];
	_ =	sdelay $0x1  }
0x30e: {  	[tilespmem:s24+$0xC50] =	vst.add.f32.msk $0xffff, v3  }
0x30f: {  	v3 =	vld [tilespmem:s28+$0xE60]  }
0x310: {  	[tilespmem:s20+$0x1830] =	vst.add.f32.msk $0xffff, v5  }
0x311: {  	[tilespmem:s25+$0xC60] =	vst.add.f32.msk $0xffff, v4  }
0x312: {  	v5 =	vld [tilespmem:s12+$0x200]  }
0x313: {  	v4 =	vld [tilespmem:s26+$0xE70];
	_ =	sdelay $0x1  }
0x314: {  	[tilespmem:s24+$0xC60] =	vst.add.f32.msk $0xffff, v3  }
0x315: {  	v3 =	vld [tilespmem:s28+$0xE70]  }
0x316: {  	[tilespmem:s20+$0x1840] =	vst.add.f32.msk $0xffff, v5  }
0x317: {  	[tilespmem:s25+$0xC70] =	vst.add.f32.msk $0xffff, v4  }
0x318: {  	v5 =	vld [tilespmem:s0+$0x200]  }
0x319: {  	v4 =	vld [tilespmem:s26+$0x1200];
	_ =	sdelay $0x1  }
0x31a: {  	[tilespmem:s24+$0xC70] =	vst.add.f32.msk $0xffff, v3  }
0x31b: {  	v3 =	vld [tilespmem:s28+$0x1200]  }
0x31c: {  	[tilespmem:s20+$0x1850] =	vst.add.f32.msk $0xffff, v5  }
0x31d: {  	[tilespmem:s25+$0x1000] =	vst.add.f32.msk $0xffff, v4  }
0x31e: {  	v5 =	vld [tilespmem:s15+$0x200]  }
0x31f: {  	v4 =	vld [tilespmem:s26+$0x1210];
	_ =	sdelay $0x1  }
0x320: {  	[tilespmem:s24+$0x1000] =	vst.add.f32.msk $0xffff, v3  }
0x321: {  	v3 =	vld [tilespmem:s28+$0x1210]  }
0x322: {  	[tilespmem:s20+$0x1860] =	vst.add.f32.msk $0xffff, v5  }
0x323: {  	[tilespmem:s25+$0x1010] =	vst.add.f32.msk $0xffff, v4  }
0x324: {  	v5 =	vld [tilespmem:s6+$0x200]  }
0x325: {  	v4 =	vld [tilespmem:s26+$0x1220];
	_ =	sdelay $0x1  }
0x326: {  	[tilespmem:s24+$0x1010] =	vst.add.f32.msk $0xffff, v3  }
0x327: {  	v3 =	vld [tilespmem:s28+$0x1220]  }
0x328: {  	[tilespmem:s20+$0x1870] =	vst.add.f32.msk $0xffff, v5  }
0x329: {  	[tilespmem:s25+$0x1020] =	vst.add.f32.msk $0xffff, v4  }
0x32a: {  	v5 =	vld [tilespmem:s4+$0x200]  }
0x32b: {  	v4 =	vld [tilespmem:s26+$0x1230];
	_ =	sdelay $0x1  }
0x32c: {  	[tilespmem:s24+$0x1020] =	vst.add.f32.msk $0xffff, v3  }
0x32d: {  	v3 =	vld [tilespmem:s28+$0x1230]  }
0x32e: {  	[tilespmem:s20+$0x1C00] =	vst.add.f32.msk $0xffff, v5  }
0x32f: {  	[tilespmem:s25+$0x1030] =	vst.add.f32.msk $0xffff, v4  }
0x330: {  	v5 =	vld [tilespmem:s3+$0x200]  }
0x331: {  	v4 =	vld [tilespmem:s26+$0x1240];
	_ =	sdelay $0x1  }
0x332: {  	[tilespmem:s24+$0x1030] =	vst.add.f32.msk $0xffff, v3  }
0x333: {  	v3 =	vld [tilespmem:s28+$0x1240]  }
0x334: {  	[tilespmem:s20+$0x1C10] =	vst.add.f32.msk $0xffff, v5  }
0x335: {  	[tilespmem:s25+$0x1040] =	vst.add.f32.msk $0xffff, v4  }
0x336: {  	v5 =	vld [tilespmem:s1+$0x200]  }
0x337: {  	v4 =	vld [tilespmem:s26+$0x1250];
	_ =	sdelay $0x1  }
0x338: {  	[tilespmem:s24+$0x1040] =	vst.add.f32.msk $0xffff, v3  }
0x339: {  	v3 =	vld [tilespmem:s28+$0x1250]  }
0x33a: {  	[tilespmem:s20+$0x1C20] =	vst.add.f32.msk $0xffff, v5  }
0x33b: {  	s1 =	smov.u32 s16;
	s16 =	rddreg [dreg:$0xb];
	[tilespmem:s25+$0x1050] =	vst.add.f32.msk $0xffff, v4  }
0x33c: {  	v5 =	vld [tilespmem:s16+$0x200]  }
0x33d: {  	v4 =	vld [tilespmem:s26+$0x1260];
	_ =	sdelay $0x1  }
0x33e: {  	[tilespmem:s24+$0x1050] =	vst.add.f32.msk $0xffff, v3  }
0x33f: {  	s19 =	rddreg [dreg:$0x17];
	v3 =	vld [tilespmem:s28+$0x1260]  }
0x340: {  	s21 =	smov.u32 s19;
	s19 =	rddreg [dreg:$0x12];
	[tilespmem:s20+$0x1C30] =	vst.add.f32.msk $0xffff, v5  }
0x341: {  	s15 =	smov.u32 s19;
	s19 =	rddreg [dreg:$0x9];
	[tilespmem:s25+$0x1060] =	vst.add.f32.msk $0xffff, v4  }
0x342: {  	v5 =	vld [tilespmem:s19+$0x200]  }
0x343: {  	v4 =	vld [tilespmem:s26+$0x1270];
	_ =	sdelay $0x1  }
0x344: {  	s10 =	rddreg [dreg:$0x14];
	[tilespmem:s24+$0x1060] =	vst.add.f32.msk $0xffff, v3  }
0x345: {  	s9 =	rddreg [dreg:$0x15];
	v3 =	vld [tilespmem:s28+$0x1270]  }
0x346: {  	s13 =	smov.u32 s9;
	s9 =	rddreg [dreg:$0x10];
	[tilespmem:s20+$0x1C40] =	vst.add.f32.msk $0xffff, v5  }
0x347: {  	s4 =	smov.u32 s9;
	s9 =	rddreg [dreg:$0x7];
	[tilespmem:s25+$0x1070] =	vst.add.f32.msk $0xffff, v4  }
0x348: {  	s17 =	rddreg [dreg:$0x18];
	v6 =	vld [tilespmem:s9+$0x200]  }
0x349: {  	s23 =	rddreg [dreg:$0x16];
	v4 =	vld [tilespmem:s26+$0x1600]  }
0x34a: {  	s18 =	smov.u32 s17;
	s17 =	rddreg [dreg:$0x13]  }
0x34b: {  	s14 =	smov.u32 s23;
	s23 =	rddreg [dreg:$0x11];
	[tilespmem:s24+$0x1070] =	vst.add.f32.msk $0xffff, v3  }
0x34c: {  	s7 =	sadd.s32 $0x2, s7;
	s12 =	smov.u32 s10;
	s10 =	rddreg [dreg:$0xf];
	v7 =	vld [tilespmem:s28+$0x1600]  }
0x34d: {  	p1 =	slt.u32 s7, $0xE;
	s0 =	smov.u32 s17;
	s17 =	rddreg [dreg:$0xe];
	[tilespmem:s20+$0x1C50] =	vst.add.f32.msk $0xffff, v6  }
.Ltmp3:
0x34e: {  	s19 =	rddreg [dreg:$0x8];
	[tilespmem:s25+$0x1400] =	vst.add.f32.msk $0xffff, v4;
	(pc) =	sbr.rel @p1 .LBB2_7-.Ltmp3, $4  }
0x34f: {  	s6 =	smov.u32 s23;
	s23 =	rddreg [dreg:$0xd];
	v3 =	vld [tilespmem:s19+$0x200]  }
0x350: {  	s3 =	smov.u32 s10;
	s10 =	smov.u32 s23;
	s23 =	rddreg [dreg:$0xa];
	v5 =	vld [tilespmem:s26+$0x1610]  }
0x351: {  	s16 =	smov.u32 s17;
	s17 =	rddreg [dreg:$0xc];
	[tilespmem:s24+$0x1400] =	vst.add.f32.msk $0xffff, v7  }
0x352: {  	s5 =	sadd.s32 $0x1, s5;
	s8 =	smov.u32 s23;
	s9 =	smov.u32 s17;
	v4 =	vld [tilespmem:s28+$0x1610]  }
0x353: {  	_ =	sdelay $0x1  }
0x354: {  	[tilespmem:s25+$0x1410] =	vst.add.f32.msk $0xffff, v5  }
0x355: {  	v5 =	vld [tilespmem:s26+$0x1620];
	_ =	sdelay $0x1  }
0x356: {  	[tilespmem:s24+$0x1410] =	vst.add.f32.msk $0xffff, v4  }
0x357: {  	v4 =	vld [tilespmem:s28+$0x1620];
	_ =	sdelay $0x1  }
0x358: {  	[tilespmem:s25+$0x1420] =	vst.add.f32.msk $0xffff, v5  }
0x359: {  	v5 =	vld [tilespmem:s26+$0x1630];
	_ =	sdelay $0x1  }
0x35a: {  	[tilespmem:s24+$0x1420] =	vst.add.f32.msk $0xffff, v4  }
0x35b: {  	v4 =	vld [tilespmem:s28+$0x1630];
	_ =	sdelay $0x1  }
0x35c: {  	[tilespmem:s25+$0x1430] =	vst.add.f32.msk $0xffff, v5  }
0x35d: {  	v5 =	vld [tilespmem:s26+$0x1640];
	_ =	sdelay $0x1  }
0x35e: {  	[tilespmem:s24+$0x1430] =	vst.add.f32.msk $0xffff, v4  }
0x35f: {  	v4 =	vld [tilespmem:s28+$0x1640];
	_ =	sdelay $0x1  }
0x360: {  	[tilespmem:s25+$0x1440] =	vst.add.f32.msk $0xffff, v5  }
0x361: {  	v5 =	vld [tilespmem:s26+$0x1650];
	_ =	sdelay $0x1  }
0x362: {  	[tilespmem:s24+$0x1440] =	vst.add.f32.msk $0xffff, v4  }
0x363: {  	v4 =	vld [tilespmem:s28+$0x1650];
	_ =	sdelay $0x1  }
0x364: {  	[tilespmem:s25+$0x1450] =	vst.add.f32.msk $0xffff, v5  }
0x365: {  	v5 =	vld [tilespmem:s26+$0x1660];
	_ =	sdelay $0x1  }
0x366: {  	[tilespmem:s24+$0x1450] =	vst.add.f32.msk $0xffff, v4  }
0x367: {  	v4 =	vld [tilespmem:s28+$0x1660];
	_ =	sdelay $0x1  }
0x368: {  	[tilespmem:s25+$0x1460] =	vst.add.f32.msk $0xffff, v5  }
0x369: {  	v5 =	vld [tilespmem:s26+$0x1670];
	_ =	sdelay $0x1  }
0x36a: {  	[tilespmem:s24+$0x1460] =	vst.add.f32.msk $0xffff, v4  }
0x36b: {  	v4 =	vld [tilespmem:s28+$0x1670];
	_ =	sdelay $0x1  }
0x36c: {  	[tilespmem:s25+$0x1470] =	vst.add.f32.msk $0xffff, v5  }
0x36d: {  	v5 =	vld [tilespmem:s26+$0x1A00];
	_ =	sdelay $0x1  }
0x36e: {  	[tilespmem:s24+$0x1470] =	vst.add.f32.msk $0xffff, v4  }
0x36f: {  	v4 =	vld [tilespmem:s18+$0x200];
	_ =	sdelay $0x1  }
0x370: {  	[tilespmem:s25+$0x1800] =	vst.add.f32.msk $0xffff, v5  }
0x371: {  	v5 =	vld [tilespmem:s26+$0x1A10];
	_ =	sdelay $0x1  }
0x372: {  	[tilespmem:s24+$0x1800] =	vst.add.f32.msk $0xffff, v4  }
0x373: {  	v4 =	vld [tilespmem:s21+$0x200];
	_ =	sdelay $0x1  }
0x374: {  	[tilespmem:s25+$0x1810] =	vst.add.f32.msk $0xffff, v5  }
0x375: {  	v5 =	vld [tilespmem:s26+$0x1A20];
	_ =	sdelay $0x1  }
0x376: {  	[tilespmem:s24+$0x1810] =	vst.add.f32.msk $0xffff, v4  }
0x377: {  	v4 =	vld [tilespmem:s14+$0x200];
	_ =	sdelay $0x1  }
0x378: {  	[tilespmem:s25+$0x1820] =	vst.add.f32.msk $0xffff, v5  }
0x379: {  	v5 =	vld [tilespmem:s26+$0x1A30];
	_ =	sdelay $0x1  }
0x37a: {  	[tilespmem:s24+$0x1820] =	vst.add.f32.msk $0xffff, v4  }
0x37b: {  	v4 =	vld [tilespmem:s13+$0x200];
	_ =	sdelay $0x1  }
0x37c: {  	[tilespmem:s25+$0x1830] =	vst.add.f32.msk $0xffff, v5  }
0x37d: {  	v5 =	vld [tilespmem:s26+$0x1A40];
	_ =	sdelay $0x1  }
0x37e: {  	[tilespmem:s24+$0x1830] =	vst.add.f32.msk $0xffff, v4  }
0x37f: {  	v4 =	vld [tilespmem:s12+$0x200];
	_ =	sdelay $0x1  }
0x380: {  	[tilespmem:s25+$0x1840] =	vst.add.f32.msk $0xffff, v5  }
0x381: {  	v5 =	vld [tilespmem:s26+$0x1A50];
	_ =	sdelay $0x1  }
0x382: {  	[tilespmem:s24+$0x1840] =	vst.add.f32.msk $0xffff, v4  }
0x383: {  	v4 =	vld [tilespmem:s0+$0x200];
	_ =	sdelay $0x1  }
0x384: {  	[tilespmem:s25+$0x1850] =	vst.add.f32.msk $0xffff, v5  }
0x385: {  	v5 =	vld [tilespmem:s26+$0x1A60];
	_ =	sdelay $0x1  }
0x386: {  	[tilespmem:s24+$0x1850] =	vst.add.f32.msk $0xffff, v4  }
0x387: {  	v4 =	vld [tilespmem:s15+$0x200];
	_ =	sdelay $0x1  }
0x388: {  	[tilespmem:s25+$0x1860] =	vst.add.f32.msk $0xffff, v5  }
0x389: {  	v5 =	vld [tilespmem:s26+$0x1A70]  }
0x38a: {  	s12 =	sadd.s32 $0x2, s22  }
0x38b: {  	s0 =	sand.u32 $0x7, s12;
	[tilespmem:s24+$0x1860] =	vst.add.f32.msk $0xffff, v4  }
0x38c: {  	s5 =	sadd.s32 $0x800, s31;
	s0 =	sshll.u32 s0, $0x7;
	v4 =	vld [tilespmem:s6+$0x200]  }
0x38d: {  	s0 =	sadd.s32 s0, s5  }
0x38e: {  	s5 =	sor.u32 $0x1C00, s0;
	[tilespmem:s25+$0x1870] =	vst.add.f32.msk $0xffff, v5  }
0x38f: {  	v5 =	vld [tilespmem:s5+$0x200];
	_ =	sdelay $0x1  }
0x390: {  	[tilespmem:s24+$0x1870] =	vst.add.f32.msk $0xffff, v4  }
0x391: {  	v4 =	vld [tilespmem:s4+$0x200];
	_ =	sdelay $0x1  }
0x392: {  	s13 =	sor.u32 $0x1C10, s0;
	[tilespmem:s25+$0x1C00] =	vst.add.f32.msk $0xffff, v5  }
0x393: {  	v5 =	vld [tilespmem:s13+$0x200];
	_ =	sdelay $0x1  }
0x394: {  	[tilespmem:s24+$0x1C00] =	vst.add.f32.msk $0xffff, v4  }
0x395: {  	v4 =	vld [tilespmem:s3+$0x200];
	_ =	sdelay $0x1  }
0x396: {  	s14 =	sor.u32 $0x1C20, s0;
	[tilespmem:s25+$0x1C10] =	vst.add.f32.msk $0xffff, v5  }
0x397: {  	v5 =	vld [tilespmem:s14+$0x200];
	_ =	sdelay $0x1  }
0x398: {  	[tilespmem:s24+$0x1C10] =	vst.add.f32.msk $0xffff, v4  }
0x399: {  	v4 =	vld [tilespmem:s1+$0x200];
	_ =	sdelay $0x1  }
0x39a: {  	s15 =	sor.u32 $0x1C30, s0;
	[tilespmem:s25+$0x1C20] =	vst.add.f32.msk $0xffff, v5  }
0x39b: {  	v5 =	vld [tilespmem:s15+$0x200];
	_ =	sdelay $0x1  }
0x39c: {  	[tilespmem:s24+$0x1C20] =	vst.add.f32.msk $0xffff, v4  }
0x39d: {  	v4 =	vld [tilespmem:s16+$0x200];
	_ =	sdelay $0x1  }
0x39e: {  	s17 =	sor.u32 $0x1C40, s0;
	[tilespmem:s25+$0x1C30] =	vst.add.f32.msk $0xffff, v5  }
0x39f: {  	v5 =	vld [tilespmem:s17+$0x200];
	_ =	sdelay $0x1  }
0x3a0: {  	[tilespmem:s24+$0x1C30] =	vst.add.f32.msk $0xffff, v4  }
0x3a1: {  	v4 =	vld [tilespmem:s10+$0x200];
	_ =	sdelay $0x1  }
0x3a2: {  	s18 =	sor.u32 $0x1C50, s0;
	[tilespmem:s25+$0x1C40] =	vst.add.f32.msk $0xffff, v5  }
0x3a3: {  	v5 =	vld [tilespmem:s18+$0x200];
	_ =	sdelay $0x1  }
0x3a4: {  	[tilespmem:s24+$0x1C40] =	vst.add.f32.msk $0xffff, v4  }
0x3a5: {  	v4 =	vld [tilespmem:s9+$0x200];
	_ =	sdelay $0x1  }
0x3a6: {  	s19 =	sor.u32 $0x1C60, s0;
	[tilespmem:s25+$0x1C50] =	vst.add.f32.msk $0xffff, v5  }
0x3a7: {  	v5 =	vld [tilespmem:s19+$0x200];
	_ =	sdelay $0x1  }
0x3a8: {  	[tilespmem:s24+$0x1C50] =	vst.add.f32.msk $0xffff, v4  }
0x3a9: {  	v4 =	vld [tilespmem:s8+$0x200];
	_ =	sdelay $0x1  }
0x3aa: {  	s0 =	sor.u32 $0x1C70, s0;
	[tilespmem:s25+$0x1C60] =	vst.add.f32.msk $0xffff, v5  }
0x3ab: {  	v5 =	vld [tilespmem:s0+$0x200]  }
0x3ac: {  	[tilespmem:s20+$0x1C60] =	vst.add.f32.msk $0xffff, v3  }
0x3ad: {  	[tilespmem:s24+$0x1C60] =	vst.add.f32.msk $0xffff, v4  }
0x3ae: {  	v3 =	vld [tilespmem:s11+$0x200];
	s21 =	sld [smem:$0x7F7]  }
0x3af: {  	v4 =	vld [tilespmem:s2+$0x200]  }
0x3b0: {  	s26 =	rddreg [dreg:$0x19];
	[tilespmem:s25+$0x1C70] =	vst.add.f32.msk $0xffff, v5  }
0x3b1: {  	s22 =	sshll.u32 s21, $0x2;
	s28 =	sld [smem:$0x7F8]  }
0x3b2: {  	s0 =	sand.u32 $0x20, s22  }
0x3b3: {  	s23 =	sshll.u32 s21, $0x11;
	s2 =	sor.u32 s0, s26  }
0x3b4: {  	s29 =	rddreg [dreg:$0x3];
	s1 =	sand.u32 $0xC0000, s23;
	[tilespmem:s20+$0x1C70] =	vst.add.f32.msk $0xffff, v3;
	s2 =	sor.u32 s28, s2  }
0x3b5: {  	s1 =	sadd.s32 s29, s1;
	[tilespmem:s24+$0x1C70] =	vst.add.f32.msk $0xffff, v4;
	s2 =	sshll.u32 s2, $0x7  }
0x3b6: {  	s30 =	simm.s32 $0x0;
	s31 =	rddreg [dreg:$0x5];
	s1 =	sadd.s32 s2, s1  }
0x3b7: {  	[hbm4b:s1+s30] =	stream.linear.scatter [tilespmem:s31], [sflag:$0x2], $0x4000, $0x38;
	[tilespmem:$0x1C200] =	vst v63  }
0x3b8: {  	s1 =	sld [smem:$0x7F6];
	_ =	sdelay $0x1  }
0x3b9: {  	p1 =	seq.s32 s21, $0xF  }
0x3ba: {  	p2 =	sne.s32 @!p1 s1, $0x7;
	s1 =	sld [smem:$0x7FC];
	_ =	sdelay $0x1  }
0x3bb: {  	p1 =	por p2, p1  }
0x3bc: {  	s0 =	sadd.s32 @!p1 s0, s1  }
0x3bd: {  	s9 =	sadd.s32 $0x1, s21;
	s1 =	rddreg [dreg:$0x2];
	s0 =	sshll.u32 @!p1 s0, $0x7  }
0x3be: {  	s2 =	simm.s32 @!p1 $0x200;
	s0 =	sadd.s32 @!p1 s1, s0;
	s1 =	simm.s32 @!p1 $0x0  }
0x3bf: {  	[tilespmem:s2], [sflag:$0x3] =	stream.linear.gather @!p1 [hbm4b:s0+s1], $0x8000, $0x38;
	[tilespmem:$0x1C200] =	vst v63  }
0x3c0: {  	p1 =	sne.s32 s9, $0x10  }
.Ltmp4:
0x3c1: {  	_ = 	snop;
	(pc) =	sbr.rel @p1 .LBB2_2-.Ltmp4, $2  }
0x3c2: {  	_ =	sdelay $0x2  }
0x3c3: {  	p0 =	por !p0, !p0  }
0x3c4: {  	s1 =	simm.s32 $0x2  }
0x3c5: {  	_ =	swait.ge [sflag:s1], $0x4000  }
0x3c6: {  	[sflag:s1] =	ssyncset.done $0x0  }
0x3c7: {  	[sflag:s1] =	ssyncadd.s32 $0xFFFFC000  }
0x3c8: {  	_ =	swait.ge [sflag:s1], $0x4000  }
0x3c9: {  	[sflag:s1] =	ssyncset.done $0x0  }
0x3ca: {  	[sflag:s1] =	ssyncadd.s32 $0xFFFFC000  }
0x3cb: {  	_ =	swait.ge [sflag:s1], $0x4000  }
0x3cc: {  	[sflag:s1] =	ssyncset.done $0x0  }
0x3cd: {  	[sflag:s1] =	ssyncadd.s32 $0xFFFFC000  }
0x3ce: {  	_ =	swait.ge [sflag:s1], $0x4000  }
0x3cf: {  	[sflag:s1] =	ssyncset.done $0x0  }
0x3d0: {  	[sflag:s1] =	ssyncadd.s32 $0xFFFFC000  }
0x3d1: {  	_ =	swait.ge [sflag:s1], $0x4000  }
0x3d2: {  	s2 =	sld [smem:$0x7F9]  }
0x3d3: {  	s0 =	sld [smem:$0x7FD];
	_ =	sdelay $0x1  }
0x3d4: {  	s2 =	sadd.s32 $0x1, s2  }
0x3d5: {  	p0 =	sne.s32 s2, s0  }
.Ltmp5:
0x3d6: {  	_ = 	snop;
	(pc) =	sbr.rel @p0 .LBB2_1-.Ltmp5, $3  }
0x3d7: {  	_ =	sdelay $0x1  }
0x3d8: {  	[sflag:s1] =	ssyncset.done $0x0  }
0x3d9: {  	[sflag:s1] =	ssyncadd.s32 $0xFFFFC000  }
0x3da: {  	_ =	sfence.sel $0x180000  }
0x3db: {  	[bflag:$0x0] =	sbarrier.arrive $0xFFFF  }
0x3dc: {  	_ =	strace $0x90000047  }
0x3dd: {  	s0 =	stileid.u32;
	[bflag:$0x2] =	sbarrier.arrive $0xFFFF  }
0x3de: {  	p0 =	sne.s32 s0, $0x0;
	s0 =	rddreg [dreg:$0x4]  }
0x3df: {  	s0 =	sadd.s32 @!p0 $0x100000, s0  }
0x3e0: {  	[sflag:s0] =	ssyncadd.tile.s32 @!p0 $0x1;
	_ =	shalt  }
.Lfunc_end2:
_tile_overlayer_lowered:
.L_overlay_start_2:
0x3e1: {  	(tag) =	ssettag $0x2  }
0x3e2: {  	s0 =	rddreg [dreg:$0x0];
	s2 =	stileid.u32  }
0x3e3: {  	s1 =	rddreg [dreg:$0x1];
	p0 =	sne.s32 s2, $0x0  }
0x3e4: {  	s3 =	rddreg [dreg:$0x2];
	[bflag:$0x3] =	sbarrier.arrive $0xFFFF;
	s2 =	simm.s32 @!p0 $0x1C04  }
0x3e5: {  	[timem:s3], [sflag:s2] =	dma.local @!p0 [hbm:s0], s1  }
0x3e6: {  	s0 =	simm.s32 @!p0 $0x4  }
0x3e7: {  	_ =	swait.ge @!p0 [sflag:s0], s1  }
0x3e8: {  	s1 =	ssub.s32 @!p0 $0x0, s1;
	[sflag:s0] =	ssyncset.done @!p0 $0x0  }
0x3e9: {  	[sflag:s0] =	ssyncadd.s32 @!p0 s1  }
0x3ea: {  	[bflag:$0x3] =	sbarrier.arrive $0xFFFF  }
0x3eb: {  	_ =	shalt  }

</sc_bundles>
